<compile_context>
chip_gen: v7x
topology: tpu7x:2x2x1
jax: 0.10.2.dev20260603
libtpu: 0.0.44.dev20260713+nightly
codegen_flags: <defaults>
</compile_context>

<pallas_src>
import math

import jax
import jax.numpy as jnp
from jax import lax
from jax.experimental import pallas as pl
from jax.experimental.pallas import tpu as pltpu
from jax.experimental.pallas import tpu_sc as plsc

N_TOTAL = 16777216
K_SEL = int(0.01 * N_TOTAL)
BIAS = 5.0
SIG_HI = float(1.0 / (1.0 + math.exp(-BIAS)))
SIG_LO = float(1.0 / (1.0 + math.exp(BIAS)))

NC = 2
NS = 16
NW = NC * NS
L = 16

NPT = N_TOTAL // NW
CHUNK = 16384
NCHUNK = NPT // CHUNK
CHUNK5 = 8192
NCHUNK5 = NPT // CHUNK5

CB_ROWS, CB_COLS = 128, 256
FB_ROWS, FB_COLS = 256, 256

_f32 = jnp.float32
_i32 = jnp.int32


def _iota16():
    return lax.iota(_i32, L)


def _extract_lane(x, lane):
    return jnp.sum(jnp.where(_iota16() == lane, x, jnp.zeros_like(x)))


def _worker_id():
    return lax.axis_index("c") * NS + lax.axis_index("s")


def _abs_bits(tv):
    return lax.bitcast_convert_type(tv, _i32) & _i32(0x7FFFFFFF)


def _zero_hist(hist_v, nrows, ncols):
    def zrow(r, c):
        def zcol(t, cc):
            hist_v[r, pl.ds(t * L, L)] = jnp.zeros((L,), _i32)
            return cc
        return lax.fori_loop(0, ncols // L, zcol, c)
    lax.fori_loop(0, nrows, zrow, 0)


def _select_top(h, rowtot_s, nrows, ncols, above0, kk):
    nvpr = ncols // L

    def rowsum(r, c):
        def acc(t, a):
            return a + h[r, pl.ds(t * L, L)]
        a = lax.fori_loop(0, nvpr, acc, jnp.zeros((L,), _i32))
        rowtot_s[r] = jnp.sum(a)
        return c
    lax.fori_loop(0, nrows, rowsum, 0)

    def rowscan(jj, carry):
        above, found, rstar, above_r = carry
        r = nrows - 1 - jj
        t = rowtot_s[r]
        hit = above + t >= kk
        newly = jnp.logical_and(found == 0, hit)
        rstar = jnp.where(newly, r, rstar)
        above_r = jnp.where(newly, above, above_r)
        found = jnp.where(hit, _i32(1), found)
        return above + t, found, rstar, above_r
    _, _, rstar, above_r = lax.fori_loop(
        0, nrows, rowscan, (above0, _i32(0), _i32(0), above0))

    def binscan(jj, carry):
        above, found, bstar, above_b = carry
        vt = nvpr - 1 - jj
        v = h[rstar, pl.ds(vt * L, L)]
        c = plsc.cumsum(v)
        tot = jnp.sum(v)
        g = above + (tot - c + v)
        npos = jnp.max(plsc.all_reduce_population_count(g >= kk))
        newly = jnp.logical_and(found == 0, npos > 0)
        lstar = npos - 1
        cl = _extract_lane(c, lstar)
        bstar = jnp.where(newly, rstar * ncols + vt * L + lstar, bstar)
        above_b = jnp.where(newly, above + tot - cl, above_b)
        found = jnp.where(npos > 0, _i32(1), found)
        return above + tot, found, bstar, above_b
    _, _, bstar, above_b = lax.fori_loop(
        0, nvpr, binscan, (above_r, _i32(0), _i32(0), above_r))
    return bstar, above_b


def _k1_body(p_hbm, f_hbm, tv_hbm, ch_hbm, p_v, f_v, tv_v, hist_v):
    wid = _worker_id()
    _zero_hist(hist_v, CB_ROWS, CB_COLS)
    base0 = wid * NPT

    def chunk(ci, c):
        base = base0 + ci * CHUNK
        pltpu.sync_copy(p_hbm.at[pl.ds(base, CHUNK)], p_v)
        pltpu.sync_copy(f_hbm.at[pl.ds(base, CHUNK)], f_v)

        def inner(j, cc):
            sl = pl.ds(j * L, L)
            tv = f_v[sl] - p_v[sl]
            tv_v[sl] = tv
            bits = _abs_bits(tv)
            coarse = bits >> 16
            cnt, last = plsc.scan_count(coarse)
            plsc.addupdate_scatter(hist_v, [coarse >> 8, coarse & 255], cnt,
                                   mask=last)
            return cc
        lax.fori_loop(0, CHUNK // L, inner, 0)
        pltpu.sync_copy(tv_v, tv_hbm.at[pl.ds(base, CHUNK)])
        return c
    lax.fori_loop(0, NCHUNK, chunk, 0)
    pltpu.sync_copy(hist_v, ch_hbm.at[pl.ds(wid * CB_ROWS, CB_ROWS)])


def _merge_body_for(nrows):
    rpt = nrows // NW

    def body(hall_hbm, out_hbm, acc_v, tmp_v):
        wid = _worker_id()
        r0 = wid * rpt
        pltpu.sync_copy(hall_hbm.at[pl.ds(r0, rpt)], acc_v)

        def rsum(s, c):
            pltpu.sync_copy(hall_hbm.at[pl.ds(s * nrows + r0, rpt)], tmp_v)

            def radd(rr, cc):
                def cadd(u, ccc):
                    sl = pl.ds(u * L, L)
                    acc_v[rr, sl] = acc_v[rr, sl] + tmp_v[rr, sl]
                    return ccc
                return lax.fori_loop(0, 256 // L, cadd, cc)
            return lax.fori_loop(0, rpt, radd, c)
        lax.fori_loop(1, NW, rsum, 0)
        pltpu.sync_copy(acc_v, out_hbm.at[pl.ds(r0, rpt)])
    return body


def _k3_body(tv_hbm, mch_hbm, fh_hbm, tv_v, hist_v, mch_v, rowtot_s):
    wid = _worker_id()
    pltpu.sync_copy(mch_hbm, mch_v)
    bstar, _ = _select_top(mch_v, rowtot_s, CB_ROWS, CB_COLS,
                           _i32(0), _i32(K_SEL))

    _zero_hist(hist_v, FB_ROWS, FB_COLS)
    base0 = wid * NPT

    def chunk(ci, c):
        base = base0 + ci * CHUNK
        pltpu.sync_copy(tv_hbm.at[pl.ds(base, CHUNK)], tv_v)

        def inner(j, cc):
            bits = _abs_bits(tv_v[pl.ds(j * L, L)])
            msk = (bits >> 16) == bstar
            fine = bits & 0xFFFF
            cnt, last = plsc.scan_count(fine, mask=msk)
            plsc.addupdate_scatter(hist_v, [fine >> 8, fine & 255], cnt,
                                   mask=jnp.logical_and(last, msk))
            return cc
        lax.fori_loop(0, CHUNK // L, inner, 0)
        return c
    lax.fori_loop(0, NCHUNK, chunk, 0)
    pltpu.sync_copy(hist_v, fh_hbm.at[pl.ds(wid * FB_ROWS, FB_ROWS)])


def _k5_body(tv_hbm, mch_hbm, mfh_hbm, md_hbm, mk_hbm, prop_hbm,
             tv_v, md_v, mk_v, mch_v, mfh_v, prop_v, rowtot_s):
    wid = _worker_id()
    pltpu.sync_copy(mch_hbm, mch_v)
    pltpu.sync_copy(mfh_hbm, mfh_v)
    bstar, coarse_above = _select_top(mch_v, rowtot_s, CB_ROWS, CB_COLS,
                                      _i32(0), _i32(K_SEL))
    mstar, n_above = _select_top(mfh_v, rowtot_s, FB_ROWS, FB_COLS,
                                 coarse_above, _i32(K_SEL))
    tbits = (bstar << 16) | mstar

    @pl.when(wid == 0)
    def _():
        prop = (_f32(2.0) * n_above.astype(_f32) - _f32(N_TOTAL)) \
            * _f32(BIAS / N_TOTAL)
        prop_v[...] = jnp.where(_iota16() == 0, prop, _f32(0.0))
        pltpu.sync_copy(prop_v, prop_hbm)

    base0 = wid * NPT

    def chunk(ci, c):
        base = base0 + ci * CHUNK5
        pltpu.sync_copy(tv_hbm.at[pl.ds(base, CHUNK5)], tv_v)

        def inner(j, cc):
            sl = pl.ds(j * L, L)
            tv = tv_v[sl]
            m = _abs_bits(tv) > tbits
            mk_v[sl] = jnp.where(m, jnp.full((L,), BIAS, _f32),
                                 jnp.full((L,), -BIAS, _f32))
            md_v[sl] = tv * jnp.where(m, jnp.full((L,), SIG_HI, _f32),
                                      jnp.full((L,), SIG_LO, _f32))
            return cc
        lax.fori_loop(0, CHUNK5 // L, inner, 0)
        pltpu.sync_copy(md_v, md_hbm.at[pl.ds(base, CHUNK5)])
        pltpu.sync_copy(mk_v, mk_hbm.at[pl.ds(base, CHUNK5)])
        return c
    lax.fori_loop(0, NCHUNK5, chunk, 0)


def _mesh():
    return plsc.VectorSubcoreMesh(core_axis_name="c", subcore_axis_name="s",
                                  num_cores=NC, num_subcores=NS)


_CPARAMS = pltpu.CompilerParams(needs_layout_passes=False)


def kernel(pretrained, finetuned):
    sds = jax.ShapeDtypeStruct
    k1 = pl.kernel(
        _k1_body,
        out_type=(sds((N_TOTAL,), _f32),
                  sds((NW * CB_ROWS, CB_COLS), _i32)),
        mesh=_mesh(),
        compiler_params=_CPARAMS,
        scratch_types=[
            pltpu.VMEM((CHUNK,), _f32),
            pltpu.VMEM((CHUNK,), _f32),
            pltpu.VMEM((CHUNK,), _f32),
            pltpu.VMEM((CB_ROWS, CB_COLS), _i32),
        ],
    )
    tv, ch_all = k1(pretrained, finetuned)

    k2 = pl.kernel(
        _merge_body_for(CB_ROWS),
        out_type=sds((CB_ROWS, CB_COLS), _i32),
        mesh=_mesh(),
        compiler_params=_CPARAMS,
        scratch_types=[
            pltpu.VMEM((CB_ROWS // NW, CB_COLS), _i32),
            pltpu.VMEM((CB_ROWS // NW, CB_COLS), _i32),
        ],
    )
    mch = k2(ch_all)

    k3 = pl.kernel(
        _k3_body,
        out_type=sds((NW * FB_ROWS, FB_COLS), _i32),
        mesh=_mesh(),
        compiler_params=_CPARAMS,
        scratch_types=[
            pltpu.VMEM((CHUNK,), _f32),
            pltpu.VMEM((FB_ROWS, FB_COLS), _i32),
            pltpu.VMEM((CB_ROWS, CB_COLS), _i32),
            pltpu.SMEM((FB_ROWS,), _i32),
        ],
    )
    fh_all = k3(tv, mch)

    k4 = pl.kernel(
        _merge_body_for(FB_ROWS),
        out_type=sds((FB_ROWS, FB_COLS), _i32),
        mesh=_mesh(),
        compiler_params=_CPARAMS,
        scratch_types=[
            pltpu.VMEM((FB_ROWS // NW, FB_COLS), _i32),
            pltpu.VMEM((FB_ROWS // NW, FB_COLS), _i32),
        ],
    )
    mfh = k4(fh_all)

    k5 = pl.kernel(
        _k5_body,
        out_type=(sds((N_TOTAL,), _f32), sds((N_TOTAL,), _f32),
                  sds((L,), _f32)),
        mesh=_mesh(),
        compiler_params=_CPARAMS,
        scratch_types=[
            pltpu.VMEM((CHUNK5,), _f32),
            pltpu.VMEM((CHUNK5,), _f32),
            pltpu.VMEM((CHUNK5,), _f32),
            pltpu.VMEM((CB_ROWS, CB_COLS), _i32),
            pltpu.VMEM((FB_ROWS, FB_COLS), _i32),
            pltpu.VMEM((L,), _f32),
            pltpu.SMEM((FB_ROWS,), _i32),
        ],
    )
    masked_delta, mask, propv = k5(tv, mch, mfh)

    return (masked_delta, mask, propv[0])

# --- scband reference (transcript-rebuilt; emitter-appended) ---
"""Pipeline reference for scband-localiser-34772055229066 (READ-ONLY COPY).

The authoritative reference and input builder live on the scoring server;
editing this copy changes nothing except your own understanding.
"""

import jax, jax.numpy as jnp
import numpy as np

SPARSITY = 0.01
SIGMOID_BIAS = 5.0
N = 16777216


def setup_inputs(seed: int = 0) -> dict:
    key = jax.random.key(seed)
    k1, k2 = jax.random.split(key)
    pretrained = jax.random.normal(k1, (N,), dtype=jnp.float32)
    # finetuned = pretrained + small task vector, mimicking fine-tuning deltas
    finetuned = pretrained + 0.02 * jax.random.normal(k2, (N,), dtype=jnp.float32)
    return {"pretrained": pretrained, "finetuned": finetuned}


def reference(pretrained, finetuned):
    # task vector (delta between finetuned and pretrained weights)
    tv = finetuned - pretrained
    abs_tv = jnp.abs(tv)
    # create_basepatch: top-k threshold over |task vector|
    k = int(SPARSITY * abs_tv.shape[0])
    topk_vals, _ = jax.lax.top_k(abs_tv, k)
    threshold = topk_vals[-1]
    # mask logits: +bias where above threshold, -bias otherwise
    mask = jnp.where(abs_tv > threshold,
                     jnp.full_like(tv, SIGMOID_BIAS),
                     jnp.full_like(tv, -SIGMOID_BIAS))
    # interpolate_state_dict (round_=False): frac = sigmoid(mask), masked delta
    frac = jax.nn.sigmoid(mask)
    masked_delta = tv * frac
    # prop = sum of mask logits / num_params (faithful to torch code, which
    # sums self.mask entries despite the loop variable being named `frac`)
    prop = jnp.sum(mask) / tv.shape[0]
    return (masked_delta, mask, prop)

if __name__ == "__main__":
    import jax
    _d = setup_inputs()
    print(jax.jit(kernel)(*tuple(_d.values())))

</pallas_src>

<mosaic_0001>
#map = affine_map<(d0, d1) -> (0, 0)>
module attributes {stable_mosaic.version = 14 : i64} {
  func.func @body(%arg0: i32, %arg1: i32, %arg2: memref<8192x256xi32, #tpu.memory_space<hbm>>, %arg3: memref<256x256xi32, #tpu.memory_space<hbm>>, %arg4: memref<8x256xi32, #tpu.memory_space<vmem>>, %arg5: memref<8x256xi32, #tpu.memory_space<vmem>>) attributes {dimension_semantics = [#tpu.dimension_semantics<core_parallel>, #tpu.dimension_semantics<subcore_parallel>], iteration_bounds = array<i64: 2, 16>, scalar_prefetch = 0 : i64, scratch_operands = 2 : i64, tpu.core_type = #tpu.core_type<sc_vector_subcore>, window_params = [{transform_indices = #map}, {transform_indices = #map}]} {
    %mul3A = arith.constant 16 : i32
    %mul3A_0 = arith.muli %arg0, %mul3A : i32
    %add3A = arith.addi %mul3A_0, %arg1 : i32
    %mul3A_1 = arith.constant 8 : i32
    %mul3A_2 = arith.muli %add3A, %mul3A_1 : i32
    "tpu.region"() ({
      %run_scoped3A = tpu.sem_alloc : memref<!tpu.dma_semaphore, #tpu.memory_space<semaphore_mem>>
      %dma_start3A = arith.constant 0 : i32
      %dma_start3A_8 = tpu.memref_slice %arg2[%mul3A_2, %dma_start3A] : memref<8192x256xi32, #tpu.memory_space<hbm>> -> memref<8x256xi32, #tpu.memory_space<hbm>>
      %dma_start3A_9 = arith.constant 0 : i32
      %dma_start3A_10 = tpu.memref_slice %arg2[%mul3A_2, %dma_start3A_9] : memref<8192x256xi32, #tpu.memory_space<hbm>> -> memref<8x256xi32, #tpu.memory_space<hbm>>
      tpu.enqueue_dma source(%dma_start3A_10 : memref<8x256xi32, #tpu.memory_space<hbm>>) target(%arg4 : memref<8x256xi32, #tpu.memory_space<vmem>>) target_semaphore(%run_scoped3A : memref<!tpu.dma_semaphore, #tpu.memory_space<semaphore_mem>>)
      %dma_wait3A = arith.constant 0 : i32
      %dma_wait3A_11 = tpu.memref_slice %arg2[%mul3A_2, %dma_wait3A] : memref<8192x256xi32, #tpu.memory_space<hbm>> -> memref<8x256xi32, #tpu.memory_space<hbm>>
      %dma_wait3A_12 = arith.constant 0 : i32
      %dma_wait3A_13 = tpu.memref_slice %arg2[%mul3A_2, %dma_wait3A_12] : memref<8192x256xi32, #tpu.memory_space<hbm>> -> memref<8x256xi32, #tpu.memory_space<hbm>>
      tpu.wait_dma2 semaphore(%run_scoped3A : memref<!tpu.dma_semaphore, #tpu.memory_space<semaphore_mem>>) src(%dma_wait3A_13 : memref<8x256xi32, #tpu.memory_space<hbm>>) dst(%arg4 : memref<8x256xi32, #tpu.memory_space<vmem>>)
      tpu.yield
    }) : () -> ()
    %scan3A = arith.constant 0 : i32
    %scan3A_3 = arith.constant 1 : i32
    %scan3A_4 = arith.constant 31 : i32
    %scan3A_5 = arith.addi %scan3A_3, %scan3A_4 : i32
    %scan3A_6 = arith.constant 1 : i32
    scf.for %scan3A_8 = %scan3A_3 to %scan3A_5 step %scan3A_6  : i32 {
      %mul3A_9 = arith.constant 256 : i32
      %mul3A_10 = arith.muli %scan3A_8, %mul3A_9 : i32
      %add3A_11 = arith.addi %mul3A_10, %mul3A_2 : i32
      "tpu.region"() ({
        %run_scoped3A = tpu.sem_alloc : memref<!tpu.dma_semaphore, #tpu.memory_space<semaphore_mem>>
        %dma_start3A = arith.constant 0 : i32
        %dma_start3A_17 = tpu.memref_slice %arg2[%add3A_11, %dma_start3A] : memref<8192x256xi32, #tpu.memory_space<hbm>> -> memref<8x256xi32, #tpu.memory_space<hbm>>
        %dma_start3A_18 = arith.constant 0 : i32
        %dma_start3A_19 = tpu.memref_slice %arg2[%add3A_11, %dma_start3A_18] : memref<8192x256xi32, #tpu.memory_space<hbm>> -> memref<8x256xi32, #tpu.memory_space<hbm>>
        tpu.enqueue_dma source(%dma_start3A_19 : memref<8x256xi32, #tpu.memory_space<hbm>>) target(%arg5 : memref<8x256xi32, #tpu.memory_space<vmem>>) target_semaphore(%run_scoped3A : memref<!tpu.dma_semaphore, #tpu.memory_space<semaphore_mem>>)
        %dma_wait3A = arith.constant 0 : i32
        %dma_wait3A_20 = tpu.memref_slice %arg2[%add3A_11, %dma_wait3A] : memref<8192x256xi32, #tpu.memory_space<hbm>> -> memref<8x256xi32, #tpu.memory_space<hbm>>
        %dma_wait3A_21 = arith.constant 0 : i32
        %dma_wait3A_22 = tpu.memref_slice %arg2[%add3A_11, %dma_wait3A_21] : memref<8192x256xi32, #tpu.memory_space<hbm>> -> memref<8x256xi32, #tpu.memory_space<hbm>>
        tpu.wait_dma2 semaphore(%run_scoped3A : memref<!tpu.dma_semaphore, #tpu.memory_space<semaphore_mem>>) src(%dma_wait3A_22 : memref<8x256xi32, #tpu.memory_space<hbm>>) dst(%arg5 : memref<8x256xi32, #tpu.memory_space<vmem>>)
        tpu.yield
      }) : () -> ()
      %scan3A_12 = arith.constant 0 : i32
      %scan3A_13 = arith.constant 8 : i32
      %scan3A_14 = arith.addi %scan3A_12, %scan3A_13 : i32
      %scan3A_15 = arith.constant 1 : i32
      scf.for %scan3A_17 = %scan3A_12 to %scan3A_14 step %scan3A_15  : i32 {
        %scan3A_18 = arith.constant 0 : i32
        %scan3A_19 = arith.constant 16 : i32
        %scan3A_20 = arith.addi %scan3A_18, %scan3A_19 : i32
        %scan3A_21 = arith.constant 1 : i32
        scf.for %scan3A_23 = %scan3A_18 to %scan3A_20 step %scan3A_21  : i32 {
          %mul3A_24 = arith.constant 16 : i32
          %mul3A_25 = arith.muli %scan3A_23, %mul3A_24 : i32
          %get3A = arith.index_cast %scan3A_17 : i32 to index
          %get3A_26 = arith.index_cast %mul3A_25 : i32 to index
          %get3A_27 = tpu.vector_load %arg4[%get3A, %get3A_26] {strides = array<i32>} : memref<8x256xi32, #tpu.memory_space<vmem>>, vector<16xi32>,
          %get3A_28 = arith.index_cast %scan3A_17 : i32 to index
          %get3A_29 = arith.index_cast %mul3A_25 : i32 to index
          %get3A_30 = tpu.vector_load %arg5[%get3A_28, %get3A_29] {strides = array<i32>} : memref<8x256xi32, #tpu.memory_space<vmem>>, vector<16xi32>,
          %add3A_31 = arith.addi %get3A_27, %get3A_30 : vector<16xi32>
          %swap3A = arith.index_cast %scan3A_17 : i32 to index
          %swap3A_32 = arith.index_cast %mul3A_25 : i32 to index
          %swap3A_33 = tpu.vector_load %arg4[%swap3A, %swap3A_32] {strides = array<i32>} : memref<8x256xi32, #tpu.memory_space<vmem>>, vector<16xi32>,
          tpu.vector_store %arg4[%swap3A, %swap3A_32], %add3A_31 {strides = array<i32>} : memref<8x256xi32, #tpu.memory_space<vmem>>, vector<16xi32>,
        }
        %scan3A_22 = arith.constant 16 : i32
      }
      %scan3A_16 = arith.constant 8 : i32
    }
    %scan3A_7 = arith.constant 31 : i32
    "tpu.region"() ({
      %run_scoped3A = tpu.sem_alloc : memref<!tpu.dma_semaphore, #tpu.memory_space<semaphore_mem>>
      %dma_start3A = arith.constant 0 : i32
      %dma_start3A_8 = tpu.memref_slice %arg3[%mul3A_2, %dma_start3A] : memref<256x256xi32, #tpu.memory_space<hbm>> -> memref<8x256xi32, #tpu.memory_space<hbm>>
      %dma_start3A_9 = arith.constant 0 : i32
      %dma_start3A_10 = tpu.memref_slice %arg3[%mul3A_2, %dma_start3A_9] : memref<256x256xi32, #tpu.memory_space<hbm>> -> memref<8x256xi32, #tpu.memory_space<hbm>>
      tpu.enqueue_dma source(%arg4 : memref<8x256xi32, #tpu.memory_space<vmem>>) target(%dma_start3A_10 : memref<8x256xi32, #tpu.memory_space<hbm>>) target_semaphore(%run_scoped3A : memref<!tpu.dma_semaphore, #tpu.memory_space<semaphore_mem>>)
      %dma_wait3A = arith.constant 0 : i32
      %dma_wait3A_11 = tpu.memref_slice %arg3[%mul3A_2, %dma_wait3A] : memref<256x256xi32, #tpu.memory_space<hbm>> -> memref<8x256xi32, #tpu.memory_space<hbm>>
      %dma_wait3A_12 = arith.constant 0 : i32
      %dma_wait3A_13 = tpu.memref_slice %arg3[%mul3A_2, %dma_wait3A_12] : memref<256x256xi32, #tpu.memory_space<hbm>> -> memref<8x256xi32, #tpu.memory_space<hbm>>
      tpu.wait_dma2 semaphore(%run_scoped3A : memref<!tpu.dma_semaphore, #tpu.memory_space<semaphore_mem>>) src(%arg4 : memref<8x256xi32, #tpu.memory_space<vmem>>) dst(%dma_wait3A_13 : memref<8x256xi32, #tpu.memory_space<hbm>>)
      tpu.yield
    }) : () -> ()
    return
  }
}

#map = affine_map<(d0, d1) -> (0, 0)>
module attributes {stable_mosaic.version = 14 : i64} {
  func.func @body(%arg0: i32, %arg1: i32, %arg2: memref<4096x256xi32, #tpu.memory_space<hbm>>, %arg3: memref<128x256xi32, #tpu.memory_space<hbm>>, %arg4: memref<4x256xi32, #tpu.memory_space<vmem>>, %arg5: memref<4x256xi32, #tpu.memory_space<vmem>>) attributes {dimension_semantics = [#tpu.dimension_semantics<core_parallel>, #tpu.dimension_semantics<subcore_parallel>], iteration_bounds = array<i64: 2, 16>, scalar_prefetch = 0 : i64, scratch_operands = 2 : i64, tpu.core_type = #tpu.core_type<sc_vector_subcore>, window_params = [{transform_indices = #map}, {transform_indices = #map}]} {
    %mul3A = arith.constant 16 : i32
    %mul3A_0 = arith.muli %arg0, %mul3A : i32
    %add3A = arith.addi %mul3A_0, %arg1 : i32
    %mul3A_1 = arith.constant 4 : i32
    %mul3A_2 = arith.muli %add3A, %mul3A_1 : i32
    "tpu.region"() ({
      %run_scoped3A = tpu.sem_alloc : memref<!tpu.dma_semaphore, #tpu.memory_space<semaphore_mem>>
      %dma_start3A = arith.constant 0 : i32
      %dma_start3A_8 = tpu.memref_slice %arg2[%mul3A_2, %dma_start3A] : memref<4096x256xi32, #tpu.memory_space<hbm>> -> memref<4x256xi32, #tpu.memory_space<hbm>>
      %dma_start3A_9 = arith.constant 0 : i32
      %dma_start3A_10 = tpu.memref_slice %arg2[%mul3A_2, %dma_start3A_9] : memref<4096x256xi32, #tpu.memory_space<hbm>> -> memref<4x256xi32, #tpu.memory_space<hbm>>
      tpu.enqueue_dma source(%dma_start3A_10 : memref<4x256xi32, #tpu.memory_space<hbm>>) target(%arg4 : memref<4x256xi32, #tpu.memory_space<vmem>>) target_semaphore(%run_scoped3A : memref<!tpu.dma_semaphore, #tpu.memory_space<semaphore_mem>>)
      %dma_wait3A = arith.constant 0 : i32
      %dma_wait3A_11 = tpu.memref_slice %arg2[%mul3A_2, %dma_wait3A] : memref<4096x256xi32, #tpu.memory_space<hbm>> -> memref<4x256xi32, #tpu.memory_space<hbm>>
      %dma_wait3A_12 = arith.constant 0 : i32
      %dma_wait3A_13 = tpu.memref_slice %arg2[%mul3A_2, %dma_wait3A_12] : memref<4096x256xi32, #tpu.memory_space<hbm>> -> memref<4x256xi32, #tpu.memory_space<hbm>>
      tpu.wait_dma2 semaphore(%run_scoped3A : memref<!tpu.dma_semaphore, #tpu.memory_space<semaphore_mem>>) src(%dma_wait3A_13 : memref<4x256xi32, #tpu.memory_space<hbm>>) dst(%arg4 : memref<4x256xi32, #tpu.memory_space<vmem>>)
      tpu.yield
    }) : () -> ()
    %scan3A = arith.constant 0 : i32
    %scan3A_3 = arith.constant 1 : i32
    %scan3A_4 = arith.constant 31 : i32
    %scan3A_5 = arith.addi %scan3A_3, %scan3A_4 : i32
    %scan3A_6 = arith.constant 1 : i32
    scf.for %scan3A_8 = %scan3A_3 to %scan3A_5 step %scan3A_6  : i32 {
      %mul3A_9 = arith.constant 128 : i32
      %mul3A_10 = arith.muli %scan3A_8, %mul3A_9 : i32
      %add3A_11 = arith.addi %mul3A_10, %mul3A_2 : i32
      "tpu.region"() ({
        %run_scoped3A = tpu.sem_alloc : memref<!tpu.dma_semaphore, #tpu.memory_space<semaphore_mem>>
        %dma_start3A = arith.constant 0 : i32
        %dma_start3A_17 = tpu.memref_slice %arg2[%add3A_11, %dma_start3A] : memref<4096x256xi32, #tpu.memory_space<hbm>> -> memref<4x256xi32, #tpu.memory_space<hbm>>
        %dma_start3A_18 = arith.constant 0 : i32
        %dma_start3A_19 = tpu.memref_slice %arg2[%add3A_11, %dma_start3A_18] : memref<4096x256xi32, #tpu.memory_space<hbm>> -> memref<4x256xi32, #tpu.memory_space<hbm>>
        tpu.enqueue_dma source(%dma_start3A_19 : memref<4x256xi32, #tpu.memory_space<hbm>>) target(%arg5 : memref<4x256xi32, #tpu.memory_space<vmem>>) target_semaphore(%run_scoped3A : memref<!tpu.dma_semaphore, #tpu.memory_space<semaphore_mem>>)
        %dma_wait3A = arith.constant 0 : i32
        %dma_wait3A_20 = tpu.memref_slice %arg2[%add3A_11, %dma_wait3A] : memref<4096x256xi32, #tpu.memory_space<hbm>> -> memref<4x256xi32, #tpu.memory_space<hbm>>
        %dma_wait3A_21 = arith.constant 0 : i32
        %dma_wait3A_22 = tpu.memref_slice %arg2[%add3A_11, %dma_wait3A_21] : memref<4096x256xi32, #tpu.memory_space<hbm>> -> memref<4x256xi32, #tpu.memory_space<hbm>>
        tpu.wait_dma2 semaphore(%run_scoped3A : memref<!tpu.dma_semaphore, #tpu.memory_space<semaphore_mem>>) src(%dma_wait3A_22 : memref<4x256xi32, #tpu.memory_space<hbm>>) dst(%arg5 : memref<4x256xi32, #tpu.memory_space<vmem>>)
        tpu.yield
      }) : () -> ()
      %scan3A_12 = arith.constant 0 : i32
      %scan3A_13 = arith.constant 4 : i32
      %scan3A_14 = arith.addi %scan3A_12, %scan3A_13 : i32
      %scan3A_15 = arith.constant 1 : i32
      scf.for %scan3A_17 = %scan3A_12 to %scan3A_14 step %scan3A_15  : i32 {
        %scan3A_18 = arith.constant 0 : i32
        %scan3A_19 = arith.constant 16 : i32
        %scan3A_20 = arith.addi %scan3A_18, %scan3A_19 : i32
        %scan3A_21 = arith.constant 1 : i32
        scf.for %scan3A_23 = %scan3A_18 to %scan3A_20 step %scan3A_21  : i32 {
          %mul3A_24 = arith.constant 16 : i32
          %mul3A_25 = arith.muli %scan3A_23, %mul3A_24 : i32
          %get3A = arith.index_cast %scan3A_17 : i32 to index
          %get3A_26 = arith.index_cast %mul3A_25 : i32 to index
          %get3A_27 = tpu.vector_load %arg4[%get3A, %get3A_26] {strides = array<i32>} : memref<4x256xi32, #tpu.memory_space<vmem>>, vector<16xi32>,
          %get3A_28 = arith.index_cast %scan3A_17 : i32 to index
          %get3A_29 = arith.index_cast %mul3A_25 : i32 to index
          %get3A_30 = tpu.vector_load %arg5[%get3A_28, %get3A_29] {strides = array<i32>} : memref<4x256xi32, #tpu.memory_space<vmem>>, vector<16xi32>,
          %add3A_31 = arith.addi %get3A_27, %get3A_30 : vector<16xi32>
          %swap3A = arith.index_cast %scan3A_17 : i32 to index
          %swap3A_32 = arith.index_cast %mul3A_25 : i32 to index
          %swap3A_33 = tpu.vector_load %arg4[%swap3A, %swap3A_32] {strides = array<i32>} : memref<4x256xi32, #tpu.memory_space<vmem>>, vector<16xi32>,
          tpu.vector_store %arg4[%swap3A, %swap3A_32], %add3A_31 {strides = array<i32>} : memref<4x256xi32, #tpu.memory_space<vmem>>, vector<16xi32>,
        }
        %scan3A_22 = arith.constant 16 : i32
      }
      %scan3A_16 = arith.constant 4 : i32
    }
    %scan3A_7 = arith.constant 31 : i32
    "tpu.region"() ({
      %run_scoped3A = tpu.sem_alloc : memref<!tpu.dma_semaphore, #tpu.memory_space<semaphore_mem>>
      %dma_start3A = arith.constant 0 : i32
      %dma_start3A_8 = tpu.memref_slice %arg3[%mul3A_2, %dma_start3A] : memref<128x256xi32, #tpu.memory_space<hbm>> -> memref<4x256xi32, #tpu.memory_space<hbm>>
      %dma_start3A_9 = arith.constant 0 : i32
      %dma_start3A_10 = tpu.memref_slice %arg3[%mul3A_2, %dma_start3A_9] : memref<128x256xi32, #tpu.memory_space<hbm>> -> memref<4x256xi32, #tpu.memory_space<hbm>>
      tpu.enqueue_dma source(%arg4 : memref<4x256xi32, #tpu.memory_space<vmem>>) target(%dma_start3A_10 : memref<4x256xi32, #tpu.memory_space<hbm>>) target_semaphore(%run_scoped3A : memref<!tpu.dma_semaphore, #tpu.memory_space<semaphore_mem>>)
      %dma_wait3A = arith.constant 0 : i32
      %dma_wait3A_11 = tpu.memref_slice %arg3[%mul3A_2, %dma_wait3A] : memref<128x256xi32, #tpu.memory_space<hbm>> -> memref<4x256xi32, #tpu.memory_space<hbm>>
      %dma_wait3A_12 = arith.constant 0 : i32
      %dma_wait3A_13 = tpu.memref_slice %arg3[%mul3A_2, %dma_wait3A_12] : memref<128x256xi32, #tpu.memory_space<hbm>> -> memref<4x256xi32, #tpu.memory_space<hbm>>
      tpu.wait_dma2 semaphore(%run_scoped3A : memref<!tpu.dma_semaphore, #tpu.memory_space<semaphore_mem>>) src(%arg4 : memref<4x256xi32, #tpu.memory_space<vmem>>) dst(%dma_wait3A_13 : memref<4x256xi32, #tpu.memory_space<hbm>>)
      tpu.yield
    }) : () -> ()
    return
  }
}

#map = affine_map<(d0, d1) -> (0)>
#map1 = affine_map<(d0, d1) -> (0, 0)>
module attributes {stable_mosaic.version = 14 : i64} {
  func.func @_k3_body(%arg0: i32, %arg1: i32, %arg2: memref<16777216xf32, #tpu.memory_space<hbm>>, %arg3: memref<128x256xi32, #tpu.memory_space<hbm>>, %arg4: memref<8192x256xi32, #tpu.memory_space<hbm>>, %arg5: memref<16384xf32, #tpu.memory_space<vmem>>, %arg6: memref<256x256xi32, #tpu.memory_space<vmem>>, %arg7: memref<128x256xi32, #tpu.memory_space<vmem>>, %arg8: memref<256xi32, #tpu.memory_space<smem>>) attributes {dimension_semantics = [#tpu.dimension_semantics<core_parallel>, #tpu.dimension_semantics<subcore_parallel>], iteration_bounds = array<i64: 2, 16>, scalar_prefetch = 0 : i64, scratch_operands = 4 : i64, tpu.core_type = #tpu.core_type<sc_vector_subcore>, window_params = [{transform_indices = #map}, {transform_indices = #map1}, {transform_indices = #map1}]} {
    %mul3A = arith.constant 16 : i32
    %mul3A_0 = arith.muli %arg0, %mul3A : i32
    %add3A = arith.addi %mul3A_0, %arg1 : i32
    "tpu.region"() ({
      %run_scoped3A = tpu.sem_alloc : memref<!tpu.dma_semaphore, #tpu.memory_space<semaphore_mem>>
      tpu.enqueue_dma source(%arg3 : memref<128x256xi32, #tpu.memory_space<hbm>>) target(%arg7 : memref<128x256xi32, #tpu.memory_space<vmem>>) target_semaphore(%run_scoped3A : memref<!tpu.dma_semaphore, #tpu.memory_space<semaphore_mem>>)
      tpu.wait_dma2 semaphore(%run_scoped3A : memref<!tpu.dma_semaphore, #tpu.memory_space<semaphore_mem>>) src(%arg3 : memref<128x256xi32, #tpu.memory_space<hbm>>) dst(%arg7 : memref<128x256xi32, #tpu.memory_space<vmem>>)
      tpu.yield
    }) : () -> ()
    %scan3A = arith.constant 0 : i32
    %scan3A_1 = arith.constant 0 : i32
    %scan3A_2 = arith.constant 128 : i32
    %scan3A_3 = arith.addi %scan3A_1, %scan3A_2 : i32
    %scan3A_4 = arith.constant 1 : i32
    scf.for %scan3A_42 = %scan3A_1 to %scan3A_3 step %scan3A_4  : i32 {
      %broadcast_in_dim3A = arith.constant 0 : i32
      %broadcast_in_dim3A_43 = vector.broadcast %broadcast_in_dim3A : i32 to vector<16xi32>
      %scan3A_44 = arith.constant 0 : i32
      %scan3A_45 = arith.constant 16 : i32
      %scan3A_46 = arith.addi %scan3A_44, %scan3A_45 : i32
      %scan3A_47 = arith.constant 1 : i32
      %scan3A_48 = scf.for %scan3A_54 = %scan3A_44 to %scan3A_46 step %scan3A_47 iter_args(%scan3A_55 = %broadcast_in_dim3A_43) -> (vector<16xi32>)  : i32 {
        %mul3A_56 = arith.constant 16 : i32
        %mul3A_57 = arith.muli %scan3A_54, %mul3A_56 : i32
        %get3A = arith.index_cast %scan3A_42 : i32 to index
        %get3A_58 = arith.index_cast %mul3A_57 : i32 to index
        %get3A_59 = tpu.vector_load %arg7[%get3A, %get3A_58] {strides = array<i32>} : memref<128x256xi32, #tpu.memory_space<vmem>>, vector<16xi32>,
        %add3A_60 = arith.addi %scan3A_55, %get3A_59 : vector<16xi32>
        scf.yield %add3A_60 : vector<16xi32>
      }
      %scan3A_49 = arith.constant 16 : i32
      %reduce_sum3A = arith.constant true
      %reduce_sum3A_50 = vector.broadcast %reduce_sum3A : i1 to vector<16xi1>
      %reduce_sum3A_51 = tpu.scan <sum>, %scan3A_48 masked %reduce_sum3A_50 : vector<16xi32>, vector<16xi1> -> vector<16xi32>
      %reduce_sum3A_52 = vector.extract %reduce_sum3A_51[15] : i32 from vector<16xi32>
      %swap3A = arith.index_cast %scan3A_42 : i32 to index
      %swap3A_53 = memref.load %arg8[%swap3A] : memref<256xi32, #tpu.memory_space<smem>>
      memref.store %reduce_sum3A_52, %arg8[%swap3A] : memref<256xi32, #tpu.memory_space<smem>>
    }
    %scan3A_5 = arith.constant 128 : i32
    %scan3A_6 = arith.constant 167772 : i32
    %scan3A_7 = arith.constant 0 : i32
    %scan3A_8 = arith.constant 0 : i32
    %scan3A_9 = arith.constant 0 : i32
    %scan3A_10 = arith.constant 0 : i32
    %scan3A_11 = arith.constant 0 : i32
    %scan3A_12 = arith.constant 128 : i32
    %scan3A_13 = arith.addi %scan3A_11, %scan3A_12 : i32
    %scan3A_14 = arith.constant 1 : i32
    %scan3A_15:4 = scf.for %scan3A_42 = %scan3A_11 to %scan3A_13 step %scan3A_14 iter_args(%scan3A_43 = %scan3A_7, %scan3A_44 = %scan3A_8, %scan3A_45 = %scan3A_9, %scan3A_46 = %scan3A_10) -> (i32, i32, i32, i32)  : i32 {
      %sub3A = arith.constant 127 : i32
      %sub3A_47 = arith.subi %sub3A, %scan3A_42 : i32
      %get3A = arith.index_cast %sub3A_47 : i32 to index
      %get3A_48 = memref.load %arg8[%get3A] : memref<256xi32, #tpu.memory_space<smem>>
      %add3A_49 = arith.addi %scan3A_43, %get3A_48 : i32
      %ge3A = arith.cmpi sge, %add3A_49, %scan3A_6 : i32
      %eq3A = arith.constant 0 : i32
      %eq3A_50 = arith.cmpi eq, %scan3A_44, %eq3A : i32
      %and3A = arith.andi %eq3A_50, %ge3A : i1
      %select_n3A = arith.select %and3A, %sub3A_47, %scan3A_45 : i32
      %select_n3A_51 = arith.select %and3A, %scan3A_43, %scan3A_46 : i32
      %jit3A = arith.constant 1 : i32
      %select_n3A_52 = arith.select %ge3A, %jit3A, %scan3A_44 : i32
      %add3A_53 = arith.addi %scan3A_43, %get3A_48 : i32
      scf.yield %add3A_53, %select_n3A_52, %select_n3A, %select_n3A_51 : i32, i32, i32, i32
    }
    %scan3A_16 = arith.constant 128 : i32
    %scan3A_17 = arith.constant 167772 : i32
    %scan3A_18 = arith.constant 0 : i32
    %scan3A_19 = arith.constant 0 : i32
    %scan3A_20 = arith.constant 0 : i32
    %scan3A_21 = arith.constant 16 : i32
    %scan3A_22 = arith.addi %scan3A_20, %scan3A_21 : i32
    %scan3A_23 = arith.constant 1 : i32
    %scan3A_24:4 = scf.for %scan3A_42 = %scan3A_20 to %scan3A_22 step %scan3A_23 iter_args(%scan3A_43 = %scan3A_15#3, %scan3A_44 = %scan3A_18, %scan3A_45 = %scan3A_19, %scan3A_46 = %scan3A_15#3) -> (i32, i32, i32, i32)  : i32 {
      %sub3A = arith.constant 15 : i32
      %sub3A_47 = arith.subi %sub3A, %scan3A_42 : i32
      %mul3A_48 = arith.constant 16 : i32
      %mul3A_49 = arith.muli %sub3A_47, %mul3A_48 : i32
      %get3A = arith.index_cast %scan3A_15#2 : i32 to index
      %get3A_50 = arith.index_cast %mul3A_49 : i32 to index
      %get3A_51 = tpu.vector_load %arg7[%get3A, %get3A_50] {strides = array<i32>} : memref<128x256xi32, #tpu.memory_space<vmem>>, vector<16xi32>,
      %broadcast_in_dim3A = arith.constant true
      %broadcast_in_dim3A_52 = vector.broadcast %broadcast_in_dim3A : i1 to vector<16xi1>
      %masked_cumsum3A = tpu.scan <sum>, %get3A_51 masked %broadcast_in_dim3A_52 : vector<16xi32>, vector<16xi1> -> vector<16xi32>
      %reduce_sum3A = arith.constant true
      %reduce_sum3A_53 = vector.broadcast %reduce_sum3A : i1 to vector<16xi1>
      %reduce_sum3A_54 = tpu.scan <sum>, %get3A_51 masked %reduce_sum3A_53 : vector<16xi32>, vector<16xi1> -> vector<16xi32>
      %reduce_sum3A_55 = vector.extract %reduce_sum3A_54[15] : i32 from vector<16xi32>
      %sub3A_56 = vector.broadcast %reduce_sum3A_55 : i32 to vector<16xi32>
      %sub3A_57 = arith.subi %sub3A_56, %masked_cumsum3A : vector<16xi32>
      %add3A_58 = arith.addi %sub3A_57, %get3A_51 : vector<16xi32>
      %add3A_59 = vector.broadcast %scan3A_43 : i32 to vector<16xi32>
      %add3A_60 = arith.addi %add3A_59, %add3A_58 : vector<16xi32>
      %ge3A = vector.broadcast %scan3A_17 : i32 to vector<16xi32>
      %ge3A_61 = arith.cmpi sge, %add3A_60, %ge3A : vector<16xi32>
      %all_reduce_population_count3A = tpu.all_reduce %ge3A_61 {dim = 0 : i64, kind = #tpu.reduction_kind<sum>} : vector<16xi1> -> vector<16xi32>
      %reduce_max3A = arith.constant true
      %reduce_max3A_62 = vector.broadcast %reduce_max3A : i1 to vector<16xi1>
      %reduce_max3A_63 = arith.constant -2147483648 : i32
      %reduce_max3A_64 = vector.broadcast %reduce_max3A_63 : i32 to vector<16xi32>
      %reduce_max3A_65 = arith.xori %all_reduce_population_count3A, %reduce_max3A_64 : vector<16xi32>
      %reduce_max3A_66 = tpu.scan <max>, %reduce_max3A_65 masked %reduce_max3A_62 : vector<16xi32>, vector<16xi1> -> vector<16xi32>
      %reduce_max3A_67 = arith.xori %reduce_max3A_66, %reduce_max3A_64 : vector<16xi32>
      %reduce_max3A_68 = vector.extract %reduce_max3A_67[15] : i32 from vector<16xi32>
      %eq3A = arith.constant 0 : i32
      %eq3A_69 = arith.cmpi eq, %scan3A_44, %eq3A : i32
      %gt3A = arith.constant 0 : i32
      %gt3A_70 = arith.cmpi sgt, %reduce_max3A_68, %gt3A : i32
      %and3A = arith.andi %eq3A_69, %gt3A_70 : i1
      %sub3A_71 = arith.constant 1 : i32
      %sub3A_72 = arith.subi %reduce_max3A_68, %sub3A_71 : i32
      %iota3A = tpu.iota {dimensions = array<i32: 0>} : vector<16xi32>
      %eq3A_73 = vector.broadcast %sub3A_72 : i32 to vector<16xi32>
      %eq3A_74 = arith.cmpi eq, %iota3A, %eq3A_73 : vector<16xi32>
      %broadcast_in_dim3A_75 = arith.constant 0 : i32
      %broadcast_in_dim3A_76 = vector.broadcast %broadcast_in_dim3A_75 : i32 to vector<16xi32>
      %select_n3A = arith.select %eq3A_74, %masked_cumsum3A, %broadcast_in_dim3A_76 : vector<16xi1>, vector<16xi32>
      %reduce_sum3A_77 = arith.constant true
      %reduce_sum3A_78 = vector.broadcast %reduce_sum3A_77 : i1 to vector<16xi1>
      %reduce_sum3A_79 = tpu.scan <sum>, %select_n3A masked %reduce_sum3A_78 : vector<16xi32>, vector<16xi1> -> vector<16xi32>
      %reduce_sum3A_80 = vector.extract %reduce_sum3A_79[15] : i32 from vector<16xi32>
      %mul3A_81 = arith.constant 256 : i32
      %mul3A_82 = arith.muli %scan3A_15#2, %mul3A_81 : i32
      %mul3A_83 = arith.constant 16 : i32
      %mul3A_84 = arith.muli %sub3A_47, %mul3A_83 : i32
      %add3A_85 = arith.addi %mul3A_82, %mul3A_84 : i32
      %add3A_86 = arith.addi %add3A_85, %sub3A_72 : i32
      %select_n3A_87 = arith.select %and3A, %add3A_86, %scan3A_45 : i32
      %add3A_88 = arith.addi %scan3A_43, %reduce_sum3A_55 : i32
      %sub3A_89 = arith.subi %add3A_88, %reduce_sum3A_80 : i32
      %select_n3A_90 = arith.select %and3A, %sub3A_89, %scan3A_46 : i32
      %gt3A_91 = arith.constant 0 : i32
      %gt3A_92 = arith.cmpi sgt, %reduce_max3A_68, %gt3A_91 : i32
      %jit3A = arith.constant 1 : i32
      %select_n3A_93 = arith.select %gt3A_92, %jit3A, %scan3A_44 : i32
      %add3A_94 = arith.addi %scan3A_43, %reduce_sum3A_55 : i32
      scf.yield %add3A_94, %select_n3A_93, %select_n3A_87, %select_n3A_90 : i32, i32, i32, i32
    }
    %scan3A_25 = arith.constant 16 : i32
    %scan3A_26 = arith.constant 0 : i32
    %scan3A_27 = arith.constant 0 : i32
    %scan3A_28 = arith.constant 256 : i32
    %scan3A_29 = arith.addi %scan3A_27, %scan3A_28 : i32
    %scan3A_30 = arith.constant 1 : i32
    scf.for %scan3A_42 = %scan3A_27 to %scan3A_29 step %scan3A_30  : i32 {
      %scan3A_43 = arith.constant 0 : i32
      %scan3A_44 = arith.constant 16 : i32
      %scan3A_45 = arith.addi %scan3A_43, %scan3A_44 : i32
      %scan3A_46 = arith.constant 1 : i32
      scf.for %scan3A_48 = %scan3A_43 to %scan3A_45 step %scan3A_46  : i32 {
        %broadcast_in_dim3A = arith.constant 0 : i32
        %broadcast_in_dim3A_49 = vector.broadcast %broadcast_in_dim3A : i32 to vector<16xi32>
        %mul3A_50 = arith.constant 16 : i32
        %mul3A_51 = arith.muli %scan3A_48, %mul3A_50 : i32
        %swap3A = arith.index_cast %scan3A_42 : i32 to index
        %swap3A_52 = arith.index_cast %mul3A_51 : i32 to index
        %swap3A_53 = tpu.vector_load %arg6[%swap3A, %swap3A_52] {strides = array<i32>} : memref<256x256xi32, #tpu.memory_space<vmem>>, vector<16xi32>,
        tpu.vector_store %arg6[%swap3A, %swap3A_52], %broadcast_in_dim3A_49 {strides = array<i32>} : memref<256x256xi32, #tpu.memory_space<vmem>>, vector<16xi32>,
      }
      %scan3A_47 = arith.constant 16 : i32
    }
    %scan3A_31 = arith.constant 256 : i32
    %mul3A_32 = arith.constant 524288 : i32
    %mul3A_33 = arith.muli %add3A, %mul3A_32 : i32
    %scan3A_34 = arith.constant 0 : i32
    %scan3A_35 = arith.constant 0 : i32
    %scan3A_36 = arith.constant 32 : i32
    %scan3A_37 = arith.addi %scan3A_35, %scan3A_36 : i32
    %scan3A_38 = arith.constant 1 : i32
    scf.for %scan3A_42 = %scan3A_35 to %scan3A_37 step %scan3A_38  : i32 {
      %mul3A_43 = arith.constant 16384 : i32
      %mul3A_44 = arith.muli %scan3A_42, %mul3A_43 : i32
      %add3A_45 = arith.addi %mul3A_33, %mul3A_44 : i32
      "tpu.region"() ({
        %run_scoped3A = tpu.sem_alloc : memref<!tpu.dma_semaphore, #tpu.memory_space<semaphore_mem>>
        %dma_start3A = tpu.memref_slice %arg2[%add3A_45] : memref<16777216xf32, #tpu.memory_space<hbm>> -> memref<16384xf32, #tpu.memory_space<hbm>>
        %dma_start3A_52 = tpu.memref_slice %arg2[%add3A_45] : memref<16777216xf32, #tpu.memory_space<hbm>> -> memref<16384xf32, #tpu.memory_space<hbm>>
        tpu.enqueue_dma source(%dma_start3A_52 : memref<16384xf32, #tpu.memory_space<hbm>>) target(%arg5 : memref<16384xf32, #tpu.memory_space<vmem>>) target_semaphore(%run_scoped3A : memref<!tpu.dma_semaphore, #tpu.memory_space<semaphore_mem>>)
        %dma_wait3A = tpu.memref_slice %arg2[%add3A_45] : memref<16777216xf32, #tpu.memory_space<hbm>> -> memref<16384xf32, #tpu.memory_space<hbm>>
        %dma_wait3A_53 = tpu.memref_slice %arg2[%add3A_45] : memref<16777216xf32, #tpu.memory_space<hbm>> -> memref<16384xf32, #tpu.memory_space<hbm>>
        tpu.wait_dma2 semaphore(%run_scoped3A : memref<!tpu.dma_semaphore, #tpu.memory_space<semaphore_mem>>) src(%dma_wait3A_53 : memref<16384xf32, #tpu.memory_space<hbm>>) dst(%arg5 : memref<16384xf32, #tpu.memory_space<vmem>>)
        tpu.yield
      }) : () -> ()
      %scan3A_46 = arith.constant 0 : i32
      %scan3A_47 = arith.constant 0 : i32
      %scan3A_48 = arith.constant 1024 : i32
      %scan3A_49 = arith.addi %scan3A_47, %scan3A_48 : i32
      %scan3A_50 = arith.constant 1 : i32
      scf.for %scan3A_52 = %scan3A_47 to %scan3A_49 step %scan3A_50  : i32 {
        %mul3A_53 = arith.constant 16 : i32
        %mul3A_54 = arith.muli %scan3A_52, %mul3A_53 : i32
        %get3A = arith.index_cast %mul3A_54 : i32 to index
        %get3A_55 = tpu.vector_load %arg5[%get3A] {strides = array<i32>} : memref<16384xf32, #tpu.memory_space<vmem>>, vector<16xf32>,
        %bitcast_convert_type3A = tpu.bitcast %get3A_55 : vector<16xf32> -> vector<16xi32>
        %and3A = arith.constant 2147483647 : i32
        %and3A_56 = vector.broadcast %and3A : i32 to vector<16xi32>
        %and3A_57 = arith.andi %bitcast_convert_type3A, %and3A_56 : vector<16xi32>
        %shift_right_arithmetic3A = arith.constant 16 : i32
        %shift_right_arithmetic3A_58 = vector.broadcast %shift_right_arithmetic3A : i32 to vector<16xi32>
        %shift_right_arithmetic3A_59 = arith.shrsi %and3A_57, %shift_right_arithmetic3A_58 : vector<16xi32>
        %eq3A = vector.broadcast %scan3A_24#2 : i32 to vector<16xi32>
        %eq3A_60 = arith.cmpi eq, %shift_right_arithmetic3A_59, %eq3A : vector<16xi32>
        %and3A_61 = arith.constant 65535 : i32
        %and3A_62 = vector.broadcast %and3A_61 : i32 to vector<16xi32>
        %and3A_63 = arith.andi %and3A_57, %and3A_62 : vector<16xi32>
        %unique3A, %unique3A_64 = tpu.scan_count mask(%eq3A_60 : vector<16xi1>) value(%and3A_63 : vector<16xi32>) : vector<16xi1>, vector<16xi32>
        %shift_right_arithmetic3A_65 = arith.constant 8 : i32
        %shift_right_arithmetic3A_66 = vector.broadcast %shift_right_arithmetic3A_65 : i32 to vector<16xi32>
        %shift_right_arithmetic3A_67 = arith.shrsi %and3A_63, %shift_right_arithmetic3A_66 : vector<16xi32>
        %and3A_68 = arith.constant 255 : i32
        %and3A_69 = vector.broadcast %and3A_68 : i32 to vector<16xi32>
        %and3A_70 = arith.andi %and3A_63, %and3A_69 : vector<16xi32>
        %and3A_71 = arith.andi %unique3A, %eq3A_60 : vector<16xi1>
        tpu.vector_store_idx %arg6[%shift_right_arithmetic3A_67, %and3A_70], %unique3A_64 masked %and3A_71 {add = true} : memref<256x256xi32, #tpu.memory_space<vmem>>[vector<16xi32>, vector<16xi32>], vector<16xi32>, vector<16xi1>
      }
      %scan3A_51 = arith.constant 1024 : i32
    }
    %scan3A_39 = arith.constant 32 : i32
    %mul3A_40 = arith.constant 256 : i32
    %mul3A_41 = arith.muli %add3A, %mul3A_40 : i32
    "tpu.region"() ({
      %run_scoped3A = tpu.sem_alloc : memref<!tpu.dma_semaphore, #tpu.memory_space<semaphore_mem>>
      %dma_start3A = arith.constant 0 : i32
      %dma_start3A_42 = tpu.memref_slice %arg4[%mul3A_41, %dma_start3A] : memref<8192x256xi32, #tpu.memory_space<hbm>> -> memref<256x256xi32, #tpu.memory_space<hbm>>
      %dma_start3A_43 = arith.constant 0 : i32
      %dma_start3A_44 = tpu.memref_slice %arg4[%mul3A_41, %dma_start3A_43] : memref<8192x256xi32, #tpu.memory_space<hbm>> -> memref<256x256xi32, #tpu.memory_space<hbm>>
      tpu.enqueue_dma source(%arg6 : memref<256x256xi32, #tpu.memory_space<vmem>>) target(%dma_start3A_44 : memref<256x256xi32, #tpu.memory_space<hbm>>) target_semaphore(%run_scoped3A : memref<!tpu.dma_semaphore, #tpu.memory_space<semaphore_mem>>)
      %dma_wait3A = arith.constant 0 : i32
      %dma_wait3A_45 = tpu.memref_slice %arg4[%mul3A_41, %dma_wait3A] : memref<8192x256xi32, #tpu.memory_space<hbm>> -> memref<256x256xi32, #tpu.memory_space<hbm>>
      %dma_wait3A_46 = arith.constant 0 : i32
      %dma_wait3A_47 = tpu.memref_slice %arg4[%mul3A_41, %dma_wait3A_46] : memref<8192x256xi32, #tpu.memory_space<hbm>> -> memref<256x256xi32, #tpu.memory_space<hbm>>
      tpu.wait_dma2 semaphore(%run_scoped3A : memref<!tpu.dma_semaphore, #tpu.memory_space<semaphore_mem>>) src(%arg6 : memref<256x256xi32, #tpu.memory_space<vmem>>) dst(%dma_wait3A_47 : memref<256x256xi32, #tpu.memory_space<hbm>>)
      tpu.yield
    }) : () -> ()
    return
  }
}

#map = affine_map<(d0, d1) -> (0)>
#map1 = affine_map<(d0, d1) -> (0, 0)>
module attributes {stable_mosaic.version = 14 : i64} {
  func.func @_k1_body(%arg0: i32, %arg1: i32, %arg2: memref<16777216xf32, #tpu.memory_space<hbm>>, %arg3: memref<16777216xf32, #tpu.memory_space<hbm>>, %arg4: memref<16777216xf32, #tpu.memory_space<hbm>>, %arg5: memref<4096x256xi32, #tpu.memory_space<hbm>>, %arg6: memref<16384xf32, #tpu.memory_space<vmem>>, %arg7: memref<16384xf32, #tpu.memory_space<vmem>>, %arg8: memref<16384xf32, #tpu.memory_space<vmem>>, %arg9: memref<128x256xi32, #tpu.memory_space<vmem>>) attributes {dimension_semantics = [#tpu.dimension_semantics<core_parallel>, #tpu.dimension_semantics<subcore_parallel>], iteration_bounds = array<i64: 2, 16>, scalar_prefetch = 0 : i64, scratch_operands = 4 : i64, tpu.core_type = #tpu.core_type<sc_vector_subcore>, window_params = [{transform_indices = #map}, {transform_indices = #map}, {transform_indices = #map}, {transform_indices = #map1}]} {
    %mul3A = arith.constant 16 : i32
    %mul3A_0 = arith.muli %arg0, %mul3A : i32
    %add3A = arith.addi %mul3A_0, %arg1 : i32
    %scan3A = arith.constant 0 : i32
    %scan3A_1 = arith.constant 0 : i32
    %scan3A_2 = arith.constant 128 : i32
    %scan3A_3 = arith.addi %scan3A_1, %scan3A_2 : i32
    %scan3A_4 = arith.constant 1 : i32
    scf.for %scan3A_16 = %scan3A_1 to %scan3A_3 step %scan3A_4  : i32 {
      %scan3A_17 = arith.constant 0 : i32
      %scan3A_18 = arith.constant 16 : i32
      %scan3A_19 = arith.addi %scan3A_17, %scan3A_18 : i32
      %scan3A_20 = arith.constant 1 : i32
      scf.for %scan3A_22 = %scan3A_17 to %scan3A_19 step %scan3A_20  : i32 {
        %broadcast_in_dim3A = arith.constant 0 : i32
        %broadcast_in_dim3A_23 = vector.broadcast %broadcast_in_dim3A : i32 to vector<16xi32>
        %mul3A_24 = arith.constant 16 : i32
        %mul3A_25 = arith.muli %scan3A_22, %mul3A_24 : i32
        %swap3A = arith.index_cast %scan3A_16 : i32 to index
        %swap3A_26 = arith.index_cast %mul3A_25 : i32 to index
        %swap3A_27 = tpu.vector_load %arg9[%swap3A, %swap3A_26] {strides = array<i32>} : memref<128x256xi32, #tpu.memory_space<vmem>>, vector<16xi32>,
        tpu.vector_store %arg9[%swap3A, %swap3A_26], %broadcast_in_dim3A_23 {strides = array<i32>} : memref<128x256xi32, #tpu.memory_space<vmem>>, vector<16xi32>,
      }
      %scan3A_21 = arith.constant 16 : i32
    }
    %scan3A_5 = arith.constant 128 : i32
    %mul3A_6 = arith.constant 524288 : i32
    %mul3A_7 = arith.muli %add3A, %mul3A_6 : i32
    %scan3A_8 = arith.constant 0 : i32
    %scan3A_9 = arith.constant 0 : i32
    %scan3A_10 = arith.constant 32 : i32
    %scan3A_11 = arith.addi %scan3A_9, %scan3A_10 : i32
    %scan3A_12 = arith.constant 1 : i32
    scf.for %scan3A_16 = %scan3A_9 to %scan3A_11 step %scan3A_12  : i32 {
      %mul3A_17 = arith.constant 16384 : i32
      %mul3A_18 = arith.muli %scan3A_16, %mul3A_17 : i32
      %add3A_19 = arith.addi %mul3A_7, %mul3A_18 : i32
      "tpu.region"() ({
        %run_scoped3A = tpu.sem_alloc : memref<!tpu.dma_semaphore, #tpu.memory_space<semaphore_mem>>
        %dma_start3A = tpu.memref_slice %arg2[%add3A_19] : memref<16777216xf32, #tpu.memory_space<hbm>> -> memref<16384xf32, #tpu.memory_space<hbm>>
        %dma_start3A_26 = tpu.memref_slice %arg2[%add3A_19] : memref<16777216xf32, #tpu.memory_space<hbm>> -> memref<16384xf32, #tpu.memory_space<hbm>>
        tpu.enqueue_dma source(%dma_start3A_26 : memref<16384xf32, #tpu.memory_space<hbm>>) target(%arg6 : memref<16384xf32, #tpu.memory_space<vmem>>) target_semaphore(%run_scoped3A : memref<!tpu.dma_semaphore, #tpu.memory_space<semaphore_mem>>)
        %dma_wait3A = tpu.memref_slice %arg2[%add3A_19] : memref<16777216xf32, #tpu.memory_space<hbm>> -> memref<16384xf32, #tpu.memory_space<hbm>>
        %dma_wait3A_27 = tpu.memref_slice %arg2[%add3A_19] : memref<16777216xf32, #tpu.memory_space<hbm>> -> memref<16384xf32, #tpu.memory_space<hbm>>
        tpu.wait_dma2 semaphore(%run_scoped3A : memref<!tpu.dma_semaphore, #tpu.memory_space<semaphore_mem>>) src(%dma_wait3A_27 : memref<16384xf32, #tpu.memory_space<hbm>>) dst(%arg6 : memref<16384xf32, #tpu.memory_space<vmem>>)
        tpu.yield
      }) : () -> ()
      "tpu.region"() ({
        %run_scoped3A = tpu.sem_alloc : memref<!tpu.dma_semaphore, #tpu.memory_space<semaphore_mem>>
        %dma_start3A = tpu.memref_slice %arg3[%add3A_19] : memref<16777216xf32, #tpu.memory_space<hbm>> -> memref<16384xf32, #tpu.memory_space<hbm>>
        %dma_start3A_26 = tpu.memref_slice %arg3[%add3A_19] : memref<16777216xf32, #tpu.memory_space<hbm>> -> memref<16384xf32, #tpu.memory_space<hbm>>
        tpu.enqueue_dma source(%dma_start3A_26 : memref<16384xf32, #tpu.memory_space<hbm>>) target(%arg7 : memref<16384xf32, #tpu.memory_space<vmem>>) target_semaphore(%run_scoped3A : memref<!tpu.dma_semaphore, #tpu.memory_space<semaphore_mem>>)
        %dma_wait3A = tpu.memref_slice %arg3[%add3A_19] : memref<16777216xf32, #tpu.memory_space<hbm>> -> memref<16384xf32, #tpu.memory_space<hbm>>
        %dma_wait3A_27 = tpu.memref_slice %arg3[%add3A_19] : memref<16777216xf32, #tpu.memory_space<hbm>> -> memref<16384xf32, #tpu.memory_space<hbm>>
        tpu.wait_dma2 semaphore(%run_scoped3A : memref<!tpu.dma_semaphore, #tpu.memory_space<semaphore_mem>>) src(%dma_wait3A_27 : memref<16384xf32, #tpu.memory_space<hbm>>) dst(%arg7 : memref<16384xf32, #tpu.memory_space<vmem>>)
        tpu.yield
      }) : () -> ()
      %scan3A_20 = arith.constant 0 : i32
      %scan3A_21 = arith.constant 0 : i32
      %scan3A_22 = arith.constant 1024 : i32
      %scan3A_23 = arith.addi %scan3A_21, %scan3A_22 : i32
      %scan3A_24 = arith.constant 1 : i32
      scf.for %scan3A_26 = %scan3A_21 to %scan3A_23 step %scan3A_24  : i32 {
        %mul3A_27 = arith.constant 16 : i32
        %mul3A_28 = arith.muli %scan3A_26, %mul3A_27 : i32
        %get3A = arith.index_cast %mul3A_28 : i32 to index
        %get3A_29 = tpu.vector_load %arg7[%get3A] {strides = array<i32>} : memref<16384xf32, #tpu.memory_space<vmem>>, vector<16xf32>,
        %get3A_30 = arith.index_cast %mul3A_28 : i32 to index
        %get3A_31 = tpu.vector_load %arg6[%get3A_30] {strides = array<i32>} : memref<16384xf32, #tpu.memory_space<vmem>>, vector<16xf32>,
        %sub3A = arith.subf %get3A_29, %get3A_31 : vector<16xf32>
        %swap3A = arith.index_cast %mul3A_28 : i32 to index
        %swap3A_32 = tpu.vector_load %arg8[%swap3A] {strides = array<i32>} : memref<16384xf32, #tpu.memory_space<vmem>>, vector<16xf32>,
        tpu.vector_store %arg8[%swap3A], %sub3A {strides = array<i32>} : memref<16384xf32, #tpu.memory_space<vmem>>, vector<16xf32>,
        %bitcast_convert_type3A = tpu.bitcast %sub3A : vector<16xf32> -> vector<16xi32>
        %and3A = arith.constant 2147483647 : i32
        %and3A_33 = vector.broadcast %and3A : i32 to vector<16xi32>
        %and3A_34 = arith.andi %bitcast_convert_type3A, %and3A_33 : vector<16xi32>
        %shift_right_arithmetic3A = arith.constant 16 : i32
        %shift_right_arithmetic3A_35 = vector.broadcast %shift_right_arithmetic3A : i32 to vector<16xi32>
        %shift_right_arithmetic3A_36 = arith.shrsi %and3A_34, %shift_right_arithmetic3A_35 : vector<16xi32>
        %broadcast_in_dim3A = arith.constant true
        %broadcast_in_dim3A_37 = vector.broadcast %broadcast_in_dim3A : i1 to vector<16xi1>
        %unique3A, %unique3A_38 = tpu.scan_count mask(%broadcast_in_dim3A_37 : vector<16xi1>) value(%shift_right_arithmetic3A_36 : vector<16xi32>) : vector<16xi1>, vector<16xi32>
        %shift_right_arithmetic3A_39 = arith.constant 8 : i32
        %shift_right_arithmetic3A_40 = vector.broadcast %shift_right_arithmetic3A_39 : i32 to vector<16xi32>
        %shift_right_arithmetic3A_41 = arith.shrsi %shift_right_arithmetic3A_36, %shift_right_arithmetic3A_40 : vector<16xi32>
        %and3A_42 = arith.constant 255 : i32
        %and3A_43 = vector.broadcast %and3A_42 : i32 to vector<16xi32>
        %and3A_44 = arith.andi %shift_right_arithmetic3A_36, %and3A_43 : vector<16xi32>
        tpu.vector_store_idx %arg9[%shift_right_arithmetic3A_41, %and3A_44], %unique3A_38 masked %unique3A {add = true} : memref<128x256xi32, #tpu.memory_space<vmem>>[vector<16xi32>, vector<16xi32>], vector<16xi32>, vector<16xi1>
      }
      %scan3A_25 = arith.constant 1024 : i32
      "tpu.region"() ({
        %run_scoped3A = tpu.sem_alloc : memref<!tpu.dma_semaphore, #tpu.memory_space<semaphore_mem>>
        %dma_start3A = tpu.memref_slice %arg4[%add3A_19] : memref<16777216xf32, #tpu.memory_space<hbm>> -> memref<16384xf32, #tpu.memory_space<hbm>>
        %dma_start3A_26 = tpu.memref_slice %arg4[%add3A_19] : memref<16777216xf32, #tpu.memory_space<hbm>> -> memref<16384xf32, #tpu.memory_space<hbm>>
        tpu.enqueue_dma source(%arg8 : memref<16384xf32, #tpu.memory_space<vmem>>) target(%dma_start3A_26 : memref<16384xf32, #tpu.memory_space<hbm>>) target_semaphore(%run_scoped3A : memref<!tpu.dma_semaphore, #tpu.memory_space<semaphore_mem>>)
        %dma_wait3A = tpu.memref_slice %arg4[%add3A_19] : memref<16777216xf32, #tpu.memory_space<hbm>> -> memref<16384xf32, #tpu.memory_space<hbm>>
        %dma_wait3A_27 = tpu.memref_slice %arg4[%add3A_19] : memref<16777216xf32, #tpu.memory_space<hbm>> -> memref<16384xf32, #tpu.memory_space<hbm>>
        tpu.wait_dma2 semaphore(%run_scoped3A : memref<!tpu.dma_semaphore, #tpu.memory_space<semaphore_mem>>) src(%arg8 : memref<16384xf32, #tpu.memory_space<vmem>>) dst(%dma_wait3A_27 : memref<16384xf32, #tpu.memory_space<hbm>>)
        tpu.yield
      }) : () -> ()
    }
    %scan3A_13 = arith.constant 32 : i32
    %mul3A_14 = arith.constant 128 : i32
    %mul3A_15 = arith.muli %add3A, %mul3A_14 : i32
    "tpu.region"() ({
      %run_scoped3A = tpu.sem_alloc : memref<!tpu.dma_semaphore, #tpu.memory_space<semaphore_mem>>
      %dma_start3A = arith.constant 0 : i32
      %dma_start3A_16 = tpu.memref_slice %arg5[%mul3A_15, %dma_start3A] : memref<4096x256xi32, #tpu.memory_space<hbm>> -> memref<128x256xi32, #tpu.memory_space<hbm>>
      %dma_start3A_17 = arith.constant 0 : i32
      %dma_start3A_18 = tpu.memref_slice %arg5[%mul3A_15, %dma_start3A_17] : memref<4096x256xi32, #tpu.memory_space<hbm>> -> memref<128x256xi32, #tpu.memory_space<hbm>>
      tpu.enqueue_dma source(%arg9 : memref<128x256xi32, #tpu.memory_space<vmem>>) target(%dma_start3A_18 : memref<128x256xi32, #tpu.memory_space<hbm>>) target_semaphore(%run_scoped3A : memref<!tpu.dma_semaphore, #tpu.memory_space<semaphore_mem>>)
      %dma_wait3A = arith.constant 0 : i32
      %dma_wait3A_19 = tpu.memref_slice %arg5[%mul3A_15, %dma_wait3A] : memref<4096x256xi32, #tpu.memory_space<hbm>> -> memref<128x256xi32, #tpu.memory_space<hbm>>
      %dma_wait3A_20 = arith.constant 0 : i32
      %dma_wait3A_21 = tpu.memref_slice %arg5[%mul3A_15, %dma_wait3A_20] : memref<4096x256xi32, #tpu.memory_space<hbm>> -> memref<128x256xi32, #tpu.memory_space<hbm>>
      tpu.wait_dma2 semaphore(%run_scoped3A : memref<!tpu.dma_semaphore, #tpu.memory_space<semaphore_mem>>) src(%arg9 : memref<128x256xi32, #tpu.memory_space<vmem>>) dst(%dma_wait3A_21 : memref<128x256xi32, #tpu.memory_space<hbm>>)
      tpu.yield
    }) : () -> ()
    return
  }
}

#map = affine_map<(d0, d1) -> (0)>
#map1 = affine_map<(d0, d1) -> (0, 0)>
module attributes {stable_mosaic.version = 14 : i64} {
  func.func @_k5_body(%arg0: i32, %arg1: i32, %arg2: memref<16777216xf32, #tpu.memory_space<hbm>>, %arg3: memref<128x256xi32, #tpu.memory_space<hbm>>, %arg4: memref<256x256xi32, #tpu.memory_space<hbm>>, %arg5: memref<16777216xf32, #tpu.memory_space<hbm>>, %arg6: memref<16777216xf32, #tpu.memory_space<hbm>>, %arg7: memref<16xf32, #tpu.memory_space<hbm>>, %arg8: memref<8192xf32, #tpu.memory_space<vmem>>, %arg9: memref<8192xf32, #tpu.memory_space<vmem>>, %arg10: memref<8192xf32, #tpu.memory_space<vmem>>, %arg11: memref<128x256xi32, #tpu.memory_space<vmem>>, %arg12: memref<256x256xi32, #tpu.memory_space<vmem>>, %arg13: memref<16xf32, #tpu.memory_space<vmem>>, %arg14: memref<256xi32, #tpu.memory_space<smem>>) attributes {dimension_semantics = [#tpu.dimension_semantics<core_parallel>, #tpu.dimension_semantics<subcore_parallel>], iteration_bounds = array<i64: 2, 16>, scalar_prefetch = 0 : i64, scratch_operands = 7 : i64, tpu.core_type = #tpu.core_type<sc_vector_subcore>, window_params = [{transform_indices = #map}, {transform_indices = #map1}, {transform_indices = #map1}, {transform_indices = #map}, {transform_indices = #map}, {transform_indices = #map}]} {
    %mul3A = arith.constant 16 : i32
    %mul3A_0 = arith.muli %arg0, %mul3A : i32
    %add3A = arith.addi %mul3A_0, %arg1 : i32
    "tpu.region"() ({
      %run_scoped3A = tpu.sem_alloc : memref<!tpu.dma_semaphore, #tpu.memory_space<semaphore_mem>>
      tpu.enqueue_dma source(%arg3 : memref<128x256xi32, #tpu.memory_space<hbm>>) target(%arg11 : memref<128x256xi32, #tpu.memory_space<vmem>>) target_semaphore(%run_scoped3A : memref<!tpu.dma_semaphore, #tpu.memory_space<semaphore_mem>>)
      tpu.wait_dma2 semaphore(%run_scoped3A : memref<!tpu.dma_semaphore, #tpu.memory_space<semaphore_mem>>) src(%arg3 : memref<128x256xi32, #tpu.memory_space<hbm>>) dst(%arg11 : memref<128x256xi32, #tpu.memory_space<vmem>>)
      tpu.yield
    }) : () -> ()
    "tpu.region"() ({
      %run_scoped3A = tpu.sem_alloc : memref<!tpu.dma_semaphore, #tpu.memory_space<semaphore_mem>>
      tpu.enqueue_dma source(%arg4 : memref<256x256xi32, #tpu.memory_space<hbm>>) target(%arg12 : memref<256x256xi32, #tpu.memory_space<vmem>>) target_semaphore(%run_scoped3A : memref<!tpu.dma_semaphore, #tpu.memory_space<semaphore_mem>>)
      tpu.wait_dma2 semaphore(%run_scoped3A : memref<!tpu.dma_semaphore, #tpu.memory_space<semaphore_mem>>) src(%arg4 : memref<256x256xi32, #tpu.memory_space<hbm>>) dst(%arg12 : memref<256x256xi32, #tpu.memory_space<vmem>>)
      tpu.yield
    }) : () -> ()
    %scan3A = arith.constant 0 : i32
    %scan3A_1 = arith.constant 0 : i32
    %scan3A_2 = arith.constant 128 : i32
    %scan3A_3 = arith.addi %scan3A_1, %scan3A_2 : i32
    %scan3A_4 = arith.constant 1 : i32
    scf.for %scan3A_61 = %scan3A_1 to %scan3A_3 step %scan3A_4  : i32 {
      %broadcast_in_dim3A = arith.constant 0 : i32
      %broadcast_in_dim3A_62 = vector.broadcast %broadcast_in_dim3A : i32 to vector<16xi32>
      %scan3A_63 = arith.constant 0 : i32
      %scan3A_64 = arith.constant 16 : i32
      %scan3A_65 = arith.addi %scan3A_63, %scan3A_64 : i32
      %scan3A_66 = arith.constant 1 : i32
      %scan3A_67 = scf.for %scan3A_73 = %scan3A_63 to %scan3A_65 step %scan3A_66 iter_args(%scan3A_74 = %broadcast_in_dim3A_62) -> (vector<16xi32>)  : i32 {
        %mul3A_75 = arith.constant 16 : i32
        %mul3A_76 = arith.muli %scan3A_73, %mul3A_75 : i32
        %get3A = arith.index_cast %scan3A_61 : i32 to index
        %get3A_77 = arith.index_cast %mul3A_76 : i32 to index
        %get3A_78 = tpu.vector_load %arg11[%get3A, %get3A_77] {strides = array<i32>} : memref<128x256xi32, #tpu.memory_space<vmem>>, vector<16xi32>,
        %add3A_79 = arith.addi %scan3A_74, %get3A_78 : vector<16xi32>
        scf.yield %add3A_79 : vector<16xi32>
      }
      %scan3A_68 = arith.constant 16 : i32
      %reduce_sum3A = arith.constant true
      %reduce_sum3A_69 = vector.broadcast %reduce_sum3A : i1 to vector<16xi1>
      %reduce_sum3A_70 = tpu.scan <sum>, %scan3A_67 masked %reduce_sum3A_69 : vector<16xi32>, vector<16xi1> -> vector<16xi32>
      %reduce_sum3A_71 = vector.extract %reduce_sum3A_70[15] : i32 from vector<16xi32>
      %swap3A = arith.index_cast %scan3A_61 : i32 to index
      %swap3A_72 = memref.load %arg14[%swap3A] : memref<256xi32, #tpu.memory_space<smem>>
      memref.store %reduce_sum3A_71, %arg14[%swap3A] : memref<256xi32, #tpu.memory_space<smem>>
    }
    %scan3A_5 = arith.constant 128 : i32
    %scan3A_6 = arith.constant 167772 : i32
    %scan3A_7 = arith.constant 0 : i32
    %scan3A_8 = arith.constant 0 : i32
    %scan3A_9 = arith.constant 0 : i32
    %scan3A_10 = arith.constant 0 : i32
    %scan3A_11 = arith.constant 0 : i32
    %scan3A_12 = arith.constant 128 : i32
    %scan3A_13 = arith.addi %scan3A_11, %scan3A_12 : i32
    %scan3A_14 = arith.constant 1 : i32
    %scan3A_15:4 = scf.for %scan3A_61 = %scan3A_11 to %scan3A_13 step %scan3A_14 iter_args(%scan3A_62 = %scan3A_7, %scan3A_63 = %scan3A_8, %scan3A_64 = %scan3A_9, %scan3A_65 = %scan3A_10) -> (i32, i32, i32, i32)  : i32 {
      %sub3A = arith.constant 127 : i32
      %sub3A_66 = arith.subi %sub3A, %scan3A_61 : i32
      %get3A = arith.index_cast %sub3A_66 : i32 to index
      %get3A_67 = memref.load %arg14[%get3A] : memref<256xi32, #tpu.memory_space<smem>>
      %add3A_68 = arith.addi %scan3A_62, %get3A_67 : i32
      %ge3A = arith.cmpi sge, %add3A_68, %scan3A_6 : i32
      %eq3A_69 = arith.constant 0 : i32
      %eq3A_70 = arith.cmpi eq, %scan3A_63, %eq3A_69 : i32
      %and3A = arith.andi %eq3A_70, %ge3A : i1
      %select_n3A = arith.select %and3A, %sub3A_66, %scan3A_64 : i32
      %select_n3A_71 = arith.select %and3A, %scan3A_62, %scan3A_65 : i32
      %jit3A = arith.constant 1 : i32
      %select_n3A_72 = arith.select %ge3A, %jit3A, %scan3A_63 : i32
      %add3A_73 = arith.addi %scan3A_62, %get3A_67 : i32
      scf.yield %add3A_73, %select_n3A_72, %select_n3A, %select_n3A_71 : i32, i32, i32, i32
    }
    %scan3A_16 = arith.constant 128 : i32
    %scan3A_17 = arith.constant 167772 : i32
    %scan3A_18 = arith.constant 0 : i32
    %scan3A_19 = arith.constant 0 : i32
    %scan3A_20 = arith.constant 0 : i32
    %scan3A_21 = arith.constant 16 : i32
    %scan3A_22 = arith.addi %scan3A_20, %scan3A_21 : i32
    %scan3A_23 = arith.constant 1 : i32
    %scan3A_24:4 = scf.for %scan3A_61 = %scan3A_20 to %scan3A_22 step %scan3A_23 iter_args(%scan3A_62 = %scan3A_15#3, %scan3A_63 = %scan3A_18, %scan3A_64 = %scan3A_19, %scan3A_65 = %scan3A_15#3) -> (i32, i32, i32, i32)  : i32 {
      %sub3A = arith.constant 15 : i32
      %sub3A_66 = arith.subi %sub3A, %scan3A_61 : i32
      %mul3A_67 = arith.constant 16 : i32
      %mul3A_68 = arith.muli %sub3A_66, %mul3A_67 : i32
      %get3A = arith.index_cast %scan3A_15#2 : i32 to index
      %get3A_69 = arith.index_cast %mul3A_68 : i32 to index
      %get3A_70 = tpu.vector_load %arg11[%get3A, %get3A_69] {strides = array<i32>} : memref<128x256xi32, #tpu.memory_space<vmem>>, vector<16xi32>,
      %broadcast_in_dim3A = arith.constant true
      %broadcast_in_dim3A_71 = vector.broadcast %broadcast_in_dim3A : i1 to vector<16xi1>
      %masked_cumsum3A = tpu.scan <sum>, %get3A_70 masked %broadcast_in_dim3A_71 : vector<16xi32>, vector<16xi1> -> vector<16xi32>
      %reduce_sum3A = arith.constant true
      %reduce_sum3A_72 = vector.broadcast %reduce_sum3A : i1 to vector<16xi1>
      %reduce_sum3A_73 = tpu.scan <sum>, %get3A_70 masked %reduce_sum3A_72 : vector<16xi32>, vector<16xi1> -> vector<16xi32>
      %reduce_sum3A_74 = vector.extract %reduce_sum3A_73[15] : i32 from vector<16xi32>
      %sub3A_75 = vector.broadcast %reduce_sum3A_74 : i32 to vector<16xi32>
      %sub3A_76 = arith.subi %sub3A_75, %masked_cumsum3A : vector<16xi32>
      %add3A_77 = arith.addi %sub3A_76, %get3A_70 : vector<16xi32>
      %add3A_78 = vector.broadcast %scan3A_62 : i32 to vector<16xi32>
      %add3A_79 = arith.addi %add3A_78, %add3A_77 : vector<16xi32>
      %ge3A = vector.broadcast %scan3A_17 : i32 to vector<16xi32>
      %ge3A_80 = arith.cmpi sge, %add3A_79, %ge3A : vector<16xi32>
      %all_reduce_population_count3A = tpu.all_reduce %ge3A_80 {dim = 0 : i64, kind = #tpu.reduction_kind<sum>} : vector<16xi1> -> vector<16xi32>
      %reduce_max3A = arith.constant true
      %reduce_max3A_81 = vector.broadcast %reduce_max3A : i1 to vector<16xi1>
      %reduce_max3A_82 = arith.constant -2147483648 : i32
      %reduce_max3A_83 = vector.broadcast %reduce_max3A_82 : i32 to vector<16xi32>
      %reduce_max3A_84 = arith.xori %all_reduce_population_count3A, %reduce_max3A_83 : vector<16xi32>
      %reduce_max3A_85 = tpu.scan <max>, %reduce_max3A_84 masked %reduce_max3A_81 : vector<16xi32>, vector<16xi1> -> vector<16xi32>
      %reduce_max3A_86 = arith.xori %reduce_max3A_85, %reduce_max3A_83 : vector<16xi32>
      %reduce_max3A_87 = vector.extract %reduce_max3A_86[15] : i32 from vector<16xi32>
      %eq3A_88 = arith.constant 0 : i32
      %eq3A_89 = arith.cmpi eq, %scan3A_63, %eq3A_88 : i32
      %gt3A = arith.constant 0 : i32
      %gt3A_90 = arith.cmpi sgt, %reduce_max3A_87, %gt3A : i32
      %and3A = arith.andi %eq3A_89, %gt3A_90 : i1
      %sub3A_91 = arith.constant 1 : i32
      %sub3A_92 = arith.subi %reduce_max3A_87, %sub3A_91 : i32
      %iota3A = tpu.iota {dimensions = array<i32: 0>} : vector<16xi32>
      %eq3A_93 = vector.broadcast %sub3A_92 : i32 to vector<16xi32>
      %eq3A_94 = arith.cmpi eq, %iota3A, %eq3A_93 : vector<16xi32>
      %broadcast_in_dim3A_95 = arith.constant 0 : i32
      %broadcast_in_dim3A_96 = vector.broadcast %broadcast_in_dim3A_95 : i32 to vector<16xi32>
      %select_n3A = arith.select %eq3A_94, %masked_cumsum3A, %broadcast_in_dim3A_96 : vector<16xi1>, vector<16xi32>
      %reduce_sum3A_97 = arith.constant true
      %reduce_sum3A_98 = vector.broadcast %reduce_sum3A_97 : i1 to vector<16xi1>
      %reduce_sum3A_99 = tpu.scan <sum>, %select_n3A masked %reduce_sum3A_98 : vector<16xi32>, vector<16xi1> -> vector<16xi32>
      %reduce_sum3A_100 = vector.extract %reduce_sum3A_99[15] : i32 from vector<16xi32>
      %mul3A_101 = arith.constant 256 : i32
      %mul3A_102 = arith.muli %scan3A_15#2, %mul3A_101 : i32
      %mul3A_103 = arith.constant 16 : i32
      %mul3A_104 = arith.muli %sub3A_66, %mul3A_103 : i32
      %add3A_105 = arith.addi %mul3A_102, %mul3A_104 : i32
      %add3A_106 = arith.addi %add3A_105, %sub3A_92 : i32
      %select_n3A_107 = arith.select %and3A, %add3A_106, %scan3A_64 : i32
      %add3A_108 = arith.addi %scan3A_62, %reduce_sum3A_74 : i32
      %sub3A_109 = arith.subi %add3A_108, %reduce_sum3A_100 : i32
      %select_n3A_110 = arith.select %and3A, %sub3A_109, %scan3A_65 : i32
      %gt3A_111 = arith.constant 0 : i32
      %gt3A_112 = arith.cmpi sgt, %reduce_max3A_87, %gt3A_111 : i32
      %jit3A = arith.constant 1 : i32
      %select_n3A_113 = arith.select %gt3A_112, %jit3A, %scan3A_63 : i32
      %add3A_114 = arith.addi %scan3A_62, %reduce_sum3A_74 : i32
      scf.yield %add3A_114, %select_n3A_113, %select_n3A_107, %select_n3A_110 : i32, i32, i32, i32
    }
    %scan3A_25 = arith.constant 16 : i32
    %scan3A_26 = arith.constant 0 : i32
    %scan3A_27 = arith.constant 0 : i32
    %scan3A_28 = arith.constant 256 : i32
    %scan3A_29 = arith.addi %scan3A_27, %scan3A_28 : i32
    %scan3A_30 = arith.constant 1 : i32
    scf.for %scan3A_61 = %scan3A_27 to %scan3A_29 step %scan3A_30  : i32 {
      %broadcast_in_dim3A = arith.constant 0 : i32
      %broadcast_in_dim3A_62 = vector.broadcast %broadcast_in_dim3A : i32 to vector<16xi32>
      %scan3A_63 = arith.constant 0 : i32
      %scan3A_64 = arith.constant 16 : i32
      %scan3A_65 = arith.addi %scan3A_63, %scan3A_64 : i32
      %scan3A_66 = arith.constant 1 : i32
      %scan3A_67 = scf.for %scan3A_73 = %scan3A_63 to %scan3A_65 step %scan3A_66 iter_args(%scan3A_74 = %broadcast_in_dim3A_62) -> (vector<16xi32>)  : i32 {
        %mul3A_75 = arith.constant 16 : i32
        %mul3A_76 = arith.muli %scan3A_73, %mul3A_75 : i32
        %get3A = arith.index_cast %scan3A_61 : i32 to index
        %get3A_77 = arith.index_cast %mul3A_76 : i32 to index
        %get3A_78 = tpu.vector_load %arg12[%get3A, %get3A_77] {strides = array<i32>} : memref<256x256xi32, #tpu.memory_space<vmem>>, vector<16xi32>,
        %add3A_79 = arith.addi %scan3A_74, %get3A_78 : vector<16xi32>
        scf.yield %add3A_79 : vector<16xi32>
      }
      %scan3A_68 = arith.constant 16 : i32
      %reduce_sum3A = arith.constant true
      %reduce_sum3A_69 = vector.broadcast %reduce_sum3A : i1 to vector<16xi1>
      %reduce_sum3A_70 = tpu.scan <sum>, %scan3A_67 masked %reduce_sum3A_69 : vector<16xi32>, vector<16xi1> -> vector<16xi32>
      %reduce_sum3A_71 = vector.extract %reduce_sum3A_70[15] : i32 from vector<16xi32>
      %swap3A = arith.index_cast %scan3A_61 : i32 to index
      %swap3A_72 = memref.load %arg14[%swap3A] : memref<256xi32, #tpu.memory_space<smem>>
      memref.store %reduce_sum3A_71, %arg14[%swap3A] : memref<256xi32, #tpu.memory_space<smem>>
    }
    %scan3A_31 = arith.constant 256 : i32
    %scan3A_32 = arith.constant 167772 : i32
    %scan3A_33 = arith.constant 0 : i32
    %scan3A_34 = arith.constant 0 : i32
    %scan3A_35 = arith.constant 0 : i32
    %scan3A_36 = arith.constant 256 : i32
    %scan3A_37 = arith.addi %scan3A_35, %scan3A_36 : i32
    %scan3A_38 = arith.constant 1 : i32
    %scan3A_39:4 = scf.for %scan3A_61 = %scan3A_35 to %scan3A_37 step %scan3A_38 iter_args(%scan3A_62 = %scan3A_24#3, %scan3A_63 = %scan3A_33, %scan3A_64 = %scan3A_34, %scan3A_65 = %scan3A_24#3) -> (i32, i32, i32, i32)  : i32 {
      %sub3A = arith.constant 255 : i32
      %sub3A_66 = arith.subi %sub3A, %scan3A_61 : i32
      %get3A = arith.index_cast %sub3A_66 : i32 to index
      %get3A_67 = memref.load %arg14[%get3A] : memref<256xi32, #tpu.memory_space<smem>>
      %add3A_68 = arith.addi %scan3A_62, %get3A_67 : i32
      %ge3A = arith.cmpi sge, %add3A_68, %scan3A_32 : i32
      %eq3A_69 = arith.constant 0 : i32
      %eq3A_70 = arith.cmpi eq, %scan3A_63, %eq3A_69 : i32
      %and3A = arith.andi %eq3A_70, %ge3A : i1
      %select_n3A = arith.select %and3A, %sub3A_66, %scan3A_64 : i32
      %select_n3A_71 = arith.select %and3A, %scan3A_62, %scan3A_65 : i32
      %jit3A = arith.constant 1 : i32
      %select_n3A_72 = arith.select %ge3A, %jit3A, %scan3A_63 : i32
      %add3A_73 = arith.addi %scan3A_62, %get3A_67 : i32
      scf.yield %add3A_73, %select_n3A_72, %select_n3A, %select_n3A_71 : i32, i32, i32, i32
    }
    %scan3A_40 = arith.constant 256 : i32
    %scan3A_41 = arith.constant 167772 : i32
    %scan3A_42 = arith.constant 0 : i32
    %scan3A_43 = arith.constant 0 : i32
    %scan3A_44 = arith.constant 0 : i32
    %scan3A_45 = arith.constant 16 : i32
    %scan3A_46 = arith.addi %scan3A_44, %scan3A_45 : i32
    %scan3A_47 = arith.constant 1 : i32
    %scan3A_48:4 = scf.for %scan3A_61 = %scan3A_44 to %scan3A_46 step %scan3A_47 iter_args(%scan3A_62 = %scan3A_39#3, %scan3A_63 = %scan3A_42, %scan3A_64 = %scan3A_43, %scan3A_65 = %scan3A_39#3) -> (i32, i32, i32, i32)  : i32 {
      %sub3A = arith.constant 15 : i32
      %sub3A_66 = arith.subi %sub3A, %scan3A_61 : i32
      %mul3A_67 = arith.constant 16 : i32
      %mul3A_68 = arith.muli %sub3A_66, %mul3A_67 : i32
      %get3A = arith.index_cast %scan3A_39#2 : i32 to index
      %get3A_69 = arith.index_cast %mul3A_68 : i32 to index
      %get3A_70 = tpu.vector_load %arg12[%get3A, %get3A_69] {strides = array<i32>} : memref<256x256xi32, #tpu.memory_space<vmem>>, vector<16xi32>,
      %broadcast_in_dim3A = arith.constant true
      %broadcast_in_dim3A_71 = vector.broadcast %broadcast_in_dim3A : i1 to vector<16xi1>
      %masked_cumsum3A = tpu.scan <sum>, %get3A_70 masked %broadcast_in_dim3A_71 : vector<16xi32>, vector<16xi1> -> vector<16xi32>
      %reduce_sum3A = arith.constant true
      %reduce_sum3A_72 = vector.broadcast %reduce_sum3A : i1 to vector<16xi1>
      %reduce_sum3A_73 = tpu.scan <sum>, %get3A_70 masked %reduce_sum3A_72 : vector<16xi32>, vector<16xi1> -> vector<16xi32>
      %reduce_sum3A_74 = vector.extract %reduce_sum3A_73[15] : i32 from vector<16xi32>
      %sub3A_75 = vector.broadcast %reduce_sum3A_74 : i32 to vector<16xi32>
      %sub3A_76 = arith.subi %sub3A_75, %masked_cumsum3A : vector<16xi32>
      %add3A_77 = arith.addi %sub3A_76, %get3A_70 : vector<16xi32>
      %add3A_78 = vector.broadcast %scan3A_62 : i32 to vector<16xi32>
      %add3A_79 = arith.addi %add3A_78, %add3A_77 : vector<16xi32>
      %ge3A = vector.broadcast %scan3A_41 : i32 to vector<16xi32>
      %ge3A_80 = arith.cmpi sge, %add3A_79, %ge3A : vector<16xi32>
      %all_reduce_population_count3A = tpu.all_reduce %ge3A_80 {dim = 0 : i64, kind = #tpu.reduction_kind<sum>} : vector<16xi1> -> vector<16xi32>
      %reduce_max3A = arith.constant true
      %reduce_max3A_81 = vector.broadcast %reduce_max3A : i1 to vector<16xi1>
      %reduce_max3A_82 = arith.constant -2147483648 : i32
      %reduce_max3A_83 = vector.broadcast %reduce_max3A_82 : i32 to vector<16xi32>
      %reduce_max3A_84 = arith.xori %all_reduce_population_count3A, %reduce_max3A_83 : vector<16xi32>
      %reduce_max3A_85 = tpu.scan <max>, %reduce_max3A_84 masked %reduce_max3A_81 : vector<16xi32>, vector<16xi1> -> vector<16xi32>
      %reduce_max3A_86 = arith.xori %reduce_max3A_85, %reduce_max3A_83 : vector<16xi32>
      %reduce_max3A_87 = vector.extract %reduce_max3A_86[15] : i32 from vector<16xi32>
      %eq3A_88 = arith.constant 0 : i32
      %eq3A_89 = arith.cmpi eq, %scan3A_63, %eq3A_88 : i32
      %gt3A = arith.constant 0 : i32
      %gt3A_90 = arith.cmpi sgt, %reduce_max3A_87, %gt3A : i32
      %and3A = arith.andi %eq3A_89, %gt3A_90 : i1
      %sub3A_91 = arith.constant 1 : i32
      %sub3A_92 = arith.subi %reduce_max3A_87, %sub3A_91 : i32
      %iota3A = tpu.iota {dimensions = array<i32: 0>} : vector<16xi32>
      %eq3A_93 = vector.broadcast %sub3A_92 : i32 to vector<16xi32>
      %eq3A_94 = arith.cmpi eq, %iota3A, %eq3A_93 : vector<16xi32>
      %broadcast_in_dim3A_95 = arith.constant 0 : i32
      %broadcast_in_dim3A_96 = vector.broadcast %broadcast_in_dim3A_95 : i32 to vector<16xi32>
      %select_n3A = arith.select %eq3A_94, %masked_cumsum3A, %broadcast_in_dim3A_96 : vector<16xi1>, vector<16xi32>
      %reduce_sum3A_97 = arith.constant true
      %reduce_sum3A_98 = vector.broadcast %reduce_sum3A_97 : i1 to vector<16xi1>
      %reduce_sum3A_99 = tpu.scan <sum>, %select_n3A masked %reduce_sum3A_98 : vector<16xi32>, vector<16xi1> -> vector<16xi32>
      %reduce_sum3A_100 = vector.extract %reduce_sum3A_99[15] : i32 from vector<16xi32>
      %mul3A_101 = arith.constant 256 : i32
      %mul3A_102 = arith.muli %scan3A_39#2, %mul3A_101 : i32
      %mul3A_103 = arith.constant 16 : i32
      %mul3A_104 = arith.muli %sub3A_66, %mul3A_103 : i32
      %add3A_105 = arith.addi %mul3A_102, %mul3A_104 : i32
      %add3A_106 = arith.addi %add3A_105, %sub3A_92 : i32
      %select_n3A_107 = arith.select %and3A, %add3A_106, %scan3A_64 : i32
      %add3A_108 = arith.addi %scan3A_62, %reduce_sum3A_74 : i32
      %sub3A_109 = arith.subi %add3A_108, %reduce_sum3A_100 : i32
      %select_n3A_110 = arith.select %and3A, %sub3A_109, %scan3A_65 : i32
      %gt3A_111 = arith.constant 0 : i32
      %gt3A_112 = arith.cmpi sgt, %reduce_max3A_87, %gt3A_111 : i32
      %jit3A = arith.constant 1 : i32
      %select_n3A_113 = arith.select %gt3A_112, %jit3A, %scan3A_63 : i32
      %add3A_114 = arith.addi %scan3A_62, %reduce_sum3A_74 : i32
      scf.yield %add3A_114, %select_n3A_113, %select_n3A_107, %select_n3A_110 : i32, i32, i32, i32
    }
    %scan3A_49 = arith.constant 16 : i32
    %shift_left3A = arith.constant 16 : i32
    %shift_left3A_50 = arith.shli %scan3A_24#2, %shift_left3A : i32
    %or3A = arith.ori %shift_left3A_50, %scan3A_48#2 : i32
    %eq3A = arith.constant 0 : i32
    %eq3A_51 = arith.cmpi eq, %add3A, %eq3A : i32
    %convert_element_type3A = arith.extui %eq3A_51 : i1 to i32
    %cond3A = arith.constant 0 : i32
    %cond3A_52 = arith.cmpi ne, %convert_element_type3A, %cond3A : i32
    scf.if %cond3A_52 {
      %convert_element_type3A_61 = arith.sitofp %scan3A_48#3 : i32 to f32
      %mul3A_62 = arith.constant 2.000000e+00 : f32
      %mul3A_63 = arith.mulf %mul3A_62, %convert_element_type3A_61 : f32
      %sub3A = arith.constant 0x4B800000 : f32
      %sub3A_64 = arith.subf %mul3A_63, %sub3A : f32
      %mul3A_65 = arith.constant 2.98023224E-7 : f32
      %mul3A_66 = arith.mulf %sub3A_64, %mul3A_65 : f32
      %iota3A = tpu.iota {dimensions = array<i32: 0>} : vector<16xi32>
      %eq3A_67 = arith.constant 0 : i32
      %eq3A_68 = vector.broadcast %eq3A_67 : i32 to vector<16xi32>
      %eq3A_69 = arith.cmpi eq, %iota3A, %eq3A_68 : vector<16xi32>
      %jit3A = arith.constant 0.000000e+00 : f32
      %broadcast_in_dim3A = vector.broadcast %mul3A_66 : f32 to vector<16xf32>
      %broadcast_in_dim3A_70 = vector.broadcast %jit3A : f32 to vector<16xf32>
      %select_n3A = arith.select %eq3A_69, %broadcast_in_dim3A, %broadcast_in_dim3A_70 : vector<16xi1>, vector<16xf32>
      %swap3A = arith.constant 0 : index
      %swap3A_71 = tpu.vector_load %arg13[%swap3A] {strides = array<i32>} : memref<16xf32, #tpu.memory_space<vmem>>, vector<16xf32>,
      tpu.vector_store %arg13[%swap3A], %select_n3A {strides = array<i32>} : memref<16xf32, #tpu.memory_space<vmem>>, vector<16xf32>,
      "tpu.region"() ({
        %run_scoped3A = tpu.sem_alloc : memref<!tpu.dma_semaphore, #tpu.memory_space<semaphore_mem>>
        tpu.enqueue_dma source(%arg13 : memref<16xf32, #tpu.memory_space<vmem>>) target(%arg7 : memref<16xf32, #tpu.memory_space<hbm>>) target_semaphore(%run_scoped3A : memref<!tpu.dma_semaphore, #tpu.memory_space<semaphore_mem>>)
        tpu.wait_dma2 semaphore(%run_scoped3A : memref<!tpu.dma_semaphore, #tpu.memory_space<semaphore_mem>>) src(%arg13 : memref<16xf32, #tpu.memory_space<vmem>>) dst(%arg7 : memref<16xf32, #tpu.memory_space<hbm>>)
        tpu.yield
      }) : () -> ()
    } else {
    }
    %mul3A_53 = arith.constant 524288 : i32
    %mul3A_54 = arith.muli %add3A, %mul3A_53 : i32
    %scan3A_55 = arith.constant 0 : i32
    %scan3A_56 = arith.constant 0 : i32
    %scan3A_57 = arith.constant 64 : i32
    %scan3A_58 = arith.addi %scan3A_56, %scan3A_57 : i32
    %scan3A_59 = arith.constant 1 : i32
    scf.for %scan3A_61 = %scan3A_56 to %scan3A_58 step %scan3A_59  : i32 {
      %mul3A_62 = arith.constant 8192 : i32
      %mul3A_63 = arith.muli %scan3A_61, %mul3A_62 : i32
      %add3A_64 = arith.addi %mul3A_54, %mul3A_63 : i32
      "tpu.region"() ({
        %run_scoped3A = tpu.sem_alloc : memref<!tpu.dma_semaphore, #tpu.memory_space<semaphore_mem>>
        %dma_start3A = tpu.memref_slice %arg2[%add3A_64] : memref<16777216xf32, #tpu.memory_space<hbm>> -> memref<8192xf32, #tpu.memory_space<hbm>>
        %dma_start3A_71 = tpu.memref_slice %arg2[%add3A_64] : memref<16777216xf32, #tpu.memory_space<hbm>> -> memref<8192xf32, #tpu.memory_space<hbm>>
        tpu.enqueue_dma source(%dma_start3A_71 : memref<8192xf32, #tpu.memory_space<hbm>>) target(%arg8 : memref<8192xf32, #tpu.memory_space<vmem>>) target_semaphore(%run_scoped3A : memref<!tpu.dma_semaphore, #tpu.memory_space<semaphore_mem>>)
        %dma_wait3A = tpu.memref_slice %arg2[%add3A_64] : memref<16777216xf32, #tpu.memory_space<hbm>> -> memref<8192xf32, #tpu.memory_space<hbm>>
        %dma_wait3A_72 = tpu.memref_slice %arg2[%add3A_64] : memref<16777216xf32, #tpu.memory_space<hbm>> -> memref<8192xf32, #tpu.memory_space<hbm>>
        tpu.wait_dma2 semaphore(%run_scoped3A : memref<!tpu.dma_semaphore, #tpu.memory_space<semaphore_mem>>) src(%dma_wait3A_72 : memref<8192xf32, #tpu.memory_space<hbm>>) dst(%arg8 : memref<8192xf32, #tpu.memory_space<vmem>>)
        tpu.yield
      }) : () -> ()
      %scan3A_65 = arith.constant 0 : i32
      %scan3A_66 = arith.constant 0 : i32
      %scan3A_67 = arith.constant 512 : i32
      %scan3A_68 = arith.addi %scan3A_66, %scan3A_67 : i32
      %scan3A_69 = arith.constant 1 : i32
      scf.for %scan3A_71 = %scan3A_66 to %scan3A_68 step %scan3A_69  : i32 {
        %mul3A_72 = arith.constant 16 : i32
        %mul3A_73 = arith.muli %scan3A_71, %mul3A_72 : i32
        %get3A = arith.index_cast %mul3A_73 : i32 to index
        %get3A_74 = tpu.vector_load %arg8[%get3A] {strides = array<i32>} : memref<8192xf32, #tpu.memory_space<vmem>>, vector<16xf32>,
        %bitcast_convert_type3A = tpu.bitcast %get3A_74 : vector<16xf32> -> vector<16xi32>
        %and3A = arith.constant 2147483647 : i32
        %and3A_75 = vector.broadcast %and3A : i32 to vector<16xi32>
        %and3A_76 = arith.andi %bitcast_convert_type3A, %and3A_75 : vector<16xi32>
        %gt3A = vector.broadcast %or3A : i32 to vector<16xi32>
        %gt3A_77 = arith.cmpi sgt, %and3A_76, %gt3A : vector<16xi32>
        %broadcast_in_dim3A = arith.constant 5.000000e+00 : f32
        %broadcast_in_dim3A_78 = vector.broadcast %broadcast_in_dim3A : f32 to vector<16xf32>
        %broadcast_in_dim3A_79 = arith.constant -5.000000e+00 : f32
        %broadcast_in_dim3A_80 = vector.broadcast %broadcast_in_dim3A_79 : f32 to vector<16xf32>
        %select_n3A = arith.select %gt3A_77, %broadcast_in_dim3A_78, %broadcast_in_dim3A_80 : vector<16xi1>, vector<16xf32>
        %swap3A = arith.index_cast %mul3A_73 : i32 to index
        %swap3A_81 = tpu.vector_load %arg10[%swap3A] {strides = array<i32>} : memref<8192xf32, #tpu.memory_space<vmem>>, vector<16xf32>,
        tpu.vector_store %arg10[%swap3A], %select_n3A {strides = array<i32>} : memref<8192xf32, #tpu.memory_space<vmem>>, vector<16xf32>,
        %broadcast_in_dim3A_82 = arith.constant 0.993307173 : f32
        %broadcast_in_dim3A_83 = vector.broadcast %broadcast_in_dim3A_82 : f32 to vector<16xf32>
        %broadcast_in_dim3A_84 = arith.constant 0.00669285096 : f32
        %broadcast_in_dim3A_85 = vector.broadcast %broadcast_in_dim3A_84 : f32 to vector<16xf32>
        %select_n3A_86 = arith.select %gt3A_77, %broadcast_in_dim3A_83, %broadcast_in_dim3A_85 : vector<16xi1>, vector<16xf32>
        %mul3A_87 = arith.mulf %get3A_74, %select_n3A_86 : vector<16xf32>
        %swap3A_88 = arith.index_cast %mul3A_73 : i32 to index
        %swap3A_89 = tpu.vector_load %arg9[%swap3A_88] {strides = array<i32>} : memref<8192xf32, #tpu.memory_space<vmem>>, vector<16xf32>,
        tpu.vector_store %arg9[%swap3A_88], %mul3A_87 {strides = array<i32>} : memref<8192xf32, #tpu.memory_space<vmem>>, vector<16xf32>,
      }
      %scan3A_70 = arith.constant 512 : i32
      "tpu.region"() ({
        %run_scoped3A = tpu.sem_alloc : memref<!tpu.dma_semaphore, #tpu.memory_space<semaphore_mem>>
        %dma_start3A = tpu.memref_slice %arg5[%add3A_64] : memref<16777216xf32, #tpu.memory_space<hbm>> -> memref<8192xf32, #tpu.memory_space<hbm>>
        %dma_start3A_71 = tpu.memref_slice %arg5[%add3A_64] : memref<16777216xf32, #tpu.memory_space<hbm>> -> memref<8192xf32, #tpu.memory_space<hbm>>
        tpu.enqueue_dma source(%arg9 : memref<8192xf32, #tpu.memory_space<vmem>>) target(%dma_start3A_71 : memref<8192xf32, #tpu.memory_space<hbm>>) target_semaphore(%run_scoped3A : memref<!tpu.dma_semaphore, #tpu.memory_space<semaphore_mem>>)
        %dma_wait3A = tpu.memref_slice %arg5[%add3A_64] : memref<16777216xf32, #tpu.memory_space<hbm>> -> memref<8192xf32, #tpu.memory_space<hbm>>
        %dma_wait3A_72 = tpu.memref_slice %arg5[%add3A_64] : memref<16777216xf32, #tpu.memory_space<hbm>> -> memref<8192xf32, #tpu.memory_space<hbm>>
        tpu.wait_dma2 semaphore(%run_scoped3A : memref<!tpu.dma_semaphore, #tpu.memory_space<semaphore_mem>>) src(%arg9 : memref<8192xf32, #tpu.memory_space<vmem>>) dst(%dma_wait3A_72 : memref<8192xf32, #tpu.memory_space<hbm>>)
        tpu.yield
      }) : () -> ()
      "tpu.region"() ({
        %run_scoped3A = tpu.sem_alloc : memref<!tpu.dma_semaphore, #tpu.memory_space<semaphore_mem>>
        %dma_start3A = tpu.memref_slice %arg6[%add3A_64] : memref<16777216xf32, #tpu.memory_space<hbm>> -> memref<8192xf32, #tpu.memory_space<hbm>>
        %dma_start3A_71 = tpu.memref_slice %arg6[%add3A_64] : memref<16777216xf32, #tpu.memory_space<hbm>> -> memref<8192xf32, #tpu.memory_space<hbm>>
        tpu.enqueue_dma source(%arg10 : memref<8192xf32, #tpu.memory_space<vmem>>) target(%dma_start3A_71 : memref<8192xf32, #tpu.memory_space<hbm>>) target_semaphore(%run_scoped3A : memref<!tpu.dma_semaphore, #tpu.memory_space<semaphore_mem>>)
        %dma_wait3A = tpu.memref_slice %arg6[%add3A_64] : memref<16777216xf32, #tpu.memory_space<hbm>> -> memref<8192xf32, #tpu.memory_space<hbm>>
        %dma_wait3A_72 = tpu.memref_slice %arg6[%add3A_64] : memref<16777216xf32, #tpu.memory_space<hbm>> -> memref<8192xf32, #tpu.memory_space<hbm>>
        tpu.wait_dma2 semaphore(%run_scoped3A : memref<!tpu.dma_semaphore, #tpu.memory_space<semaphore_mem>>) src(%arg10 : memref<8192xf32, #tpu.memory_space<vmem>>) dst(%dma_wait3A_72 : memref<8192xf32, #tpu.memory_space<hbm>>)
        tpu.yield
      }) : () -> ()
    }
    %scan3A_60 = arith.constant 64 : i32
    return
  }
}

</mosaic_0001>

<sc_bundles>
// kernel: kernel.10.cloned.1.call-start
scs
__scs_entry_jumppad:
0x0: {  	(pc) =	sbr.rel $0x88, $3  }
0x1: {  	(tag) =	ssettag $0x0;
	lr =	simm.s32 $0x1  }
0x2: {  	[smem:$0x3F9F] =	sst lr;
	_ =	strace $0xD0000000  }
0x3: {  	_ = 	snop  }
0x4: {  	_ = 	snop  }
0x5: {  	_ = 	snop  }
0x6: {  	_ = 	snop  }
0x7: {  	_ = 	snop  }
__scs_overlays_trampoline_lowered:
0x8: {  	[smem:$0x3FAE] =	sst s0  }
0x9: {  	[smem:$0x3FAF] =	sst s1  }
0xa: {  	[smem:$0x3FB0] =	sst s2  }
0xb: {  	[smem:$0x3FB1] =	sst s3  }
0xc: {  	[smem:$0x3FB2] =	sst s4  }
0xd: {  	[smem:$0x3FB3] =	sst s5  }
0xe: {  	[smem:$0x3FB4] =	sst s6  }
0xf: {  	[smem:$0x3FB5] =	sst s7  }
0x10: {  	[smem:$0x3FB6] =	sst s8  }
0x11: {  	[smem:$0x3FB7] =	sst s9;
	s0 =	simm.s32 @!p0 $0x0  }
0x12: {  	s1 =	sld [smem:$0x3F9D];
	s0 =	simm.s32 @p0 $0x1  }
0x13: {  	[smem:$0x3FB8] =	sst s0;
	s0 =	simm.s32 @!p1 $0x0  }
0x14: {  	s2 =	sld [smem:$0x3F9C];
	s0 =	simm.s32 @p1 $0x1  }
0x15: {  	[smem:$0x3FB9] =	sst s0;
	s0 =	simm.s32 @!p2 $0x0  }
0x16: {  	s3 =	sld [smem:$0x3FDB];
	s0 =	simm.s32 @p2 $0x1  }
0x17: {  	s4 =	simm.s32 $0x1BF5;
	[smem:$0x3FBB] =	sst s0  }
0x18: {  	s0 =	sld [smem:$0x3F9E];
	_ =	swait.ge [sflag:s4], $0x0  }
0x19: {  	s7 =	sld [smem:$0x3F9F]  }
0x1a: {  	s8 =	sadd.s32 $0xFFFFE003, lr  }
0x1b: {  	s9 =	sadd.s32 $0xFFFFFEF7, lr;
	s5 =	simm.s32 $0xFFFFFFFF;
	p2 =	slt.u32 s8, $0xFFFFF086  }
0x1c: {  	p1 =	slt.u32 s9, $0xF7A;
	s5 =	simm.s32 @!p2 $0x0  }
0x1d: {  	s5 =	simm.s32 @p1 $0x1;
	p0 =	seq.s32 s7, s2  }
0x1e: {  	s7 =	smul.u32 @!p0 $0xF7A, s2;
	p2 =	seq.s32 @!p0 s5, $0x0  }
0x1f: {  	s9 =	smul.u32 $0xF7A, s1;
	s8 =	simm.s32 @!p0 $0x1BF5;
	p2 =	por !p2, p0  }
0x20: {  	[sflag:s8] =	ssyncset.s32 @!p0 $0xFFFFF086;
	s6 =	sadd.s32 @!p0 s3, s7;
	s7 =	simm.s32 @!p0 $0x108  }
0x21: {  	s3 =	sadd.s32 s3, s9;
	s6 =	sadd.s32 @!p0 $0x88, s6;
	s7 =	simm.s32 @p2 $0x1082  }
0x22: {  	[simem:s7], [sflag:s8] =	dma.local @!p0 [hbm:s6], $0xF7A  }
0x23: {  	s9 =	sor.u32 $0xD0000000, s2;
	s6 =	simm.s32 $0x108;
	_ =	swait.ge @!p0 [sflag:s8], $0x0  }
0x24: {  	s3 =	sadd.s32 $0x88, s3;
	s6 =	simm.s32 @!p1 $0x1082;
	[sflag:s4] =	ssyncset.s32 $0xFFFFF086  }
0x25: {  	[simem:s6], [sflag:s4] =	dma.local [hbm:s3], $0xF7A  }
0x26: {  	[smem:$0x3F9F] =	sst s1;
	(tag) =	ssettag s2;
	_ =	strace s9  }
0x27: {  	s1 =	sld [smem:$0x3FAF]  }
0x28: {  	s2 =	sld [smem:$0x3FB0]  }
0x29: {  	s4 =	sld [smem:$0x3FB2]  }
0x2a: {  	p0 =	seq.s32 s5, $0x0;
	s5 =	sld [smem:$0x3FB3]  }
0x2b: {  	s6 =	sld [smem:$0x3FB4]  }
0x2c: {  	s7 =	sld [smem:$0x3FB5]  }
0x2d: {  	s3 =	simm.s32 $0x108;
	s8 =	sld [smem:$0x3FB6]  }
0x2e: {  	s3 =	simm.s32 @!p0 $0x1082;
	s9 =	sld [smem:$0x3FB7]  }
0x2f: {  	lr =	sadd.s32 s0, s3;
	s0 =	sld [smem:$0x3FAE]  }
0x30: {  	s3 =	sld [smem:$0x3FB1]  }
0x31: {  	[smem:$0x3FBA] =	sst s10  }
0x32: {  	s10 =	sld [smem:$0x3FB8];
	_ =	sdelay $0x3  }
0x33: {  	p0 =	seq.s32 s10, $0x1;
	s10 =	sld [smem:$0x3FBA];
	_ =	sdelay $0x3  }
0x34: {  	[smem:$0x3FBA] =	sst s10  }
0x35: {  	s10 =	sld [smem:$0x3FB9];
	_ =	sdelay $0x3  }
0x36: {  	p1 =	seq.s32 s10, $0x1;
	s10 =	sld [smem:$0x3FBA];
	_ =	sdelay $0x3  }
0x37: {  	[smem:$0x3FBA] =	sst s10  }
0x38: {  	s10 =	sld [smem:$0x3FBB]  }
0x39: {  	_ = 	snop;
	(pc) =	sbr.ind lr, $3  }
0x3a: {  	_ = 	snop  }
0x3b: {  	_ = 	snop  }
0x3c: {  	p2 =	seq.s32 s10, $0x1;
	s10 =	sld [smem:$0x3FBA]  }
0x3d: {  	_ =	shalt  }
0x3e: {  	_ =	shalt  }
0x3f: {  	_ =	shalt  }
0x40: {  	_ =	shalt  }
0x41: {  	_ =	shalt  }
0x42: {  	_ =	shalt  }
0x43: {  	_ =	shalt  }
0x44: {  	_ =	shalt  }
0x45: {  	_ =	shalt  }
0x46: {  	_ =	shalt  }
0x47: {  	_ =	shalt  }
0x48: {  	_ =	shalt  }
0x49: {  	_ =	shalt  }
0x4a: {  	_ =	shalt  }
0x4b: {  	_ =	shalt  }
0x4c: {  	_ =	shalt  }
0x4d: {  	_ =	shalt  }
0x4e: {  	_ =	shalt  }
0x4f: {  	_ =	shalt  }
0x50: {  	_ =	shalt  }
0x51: {  	_ =	shalt  }
0x52: {  	_ =	shalt  }
0x53: {  	_ =	shalt  }
0x54: {  	_ =	shalt  }
0x55: {  	_ =	shalt  }
0x56: {  	_ =	shalt  }
0x57: {  	_ =	shalt  }
0x58: {  	_ =	shalt  }
0x59: {  	_ =	shalt  }
0x5a: {  	_ =	shalt  }
0x5b: {  	_ =	shalt  }
0x5c: {  	_ =	shalt  }
0x5d: {  	_ =	shalt  }
0x5e: {  	_ =	shalt  }
0x5f: {  	_ =	shalt  }
0x60: {  	_ =	shalt  }
0x61: {  	_ =	shalt  }
0x62: {  	_ =	shalt  }
0x63: {  	_ =	shalt  }
0x64: {  	_ =	shalt  }
0x65: {  	_ =	shalt  }
0x66: {  	_ =	shalt  }
0x67: {  	_ =	shalt  }
0x68: {  	_ =	shalt  }
0x69: {  	_ =	shalt  }
0x6a: {  	_ =	shalt  }
0x6b: {  	_ =	shalt  }
0x6c: {  	_ =	shalt  }
0x6d: {  	_ =	shalt  }
0x6e: {  	_ =	shalt  }
0x6f: {  	_ =	shalt  }
0x70: {  	_ =	shalt  }
0x71: {  	_ =	shalt  }
0x72: {  	_ =	shalt  }
0x73: {  	_ =	shalt  }
0x74: {  	_ =	shalt  }
0x75: {  	_ =	shalt  }
0x76: {  	_ =	shalt  }
0x77: {  	_ =	shalt  }
0x78: {  	_ =	shalt  }
0x79: {  	_ =	shalt  }
0x7a: {  	_ =	shalt  }
0x7b: {  	_ =	shalt  }
0x7c: {  	_ =	shalt  }
0x7d: {  	_ =	shalt  }
0x7e: {  	_ =	shalt  }
0x7f: {  	_ =	shalt  }
0x80: {  	_ =	shalt  }
0x81: {  	_ =	shalt  }
0x82: {  	_ =	shalt  }
0x83: {  	_ =	shalt  }
0x84: {  	_ =	shalt  }
0x85: {  	_ =	shalt  }
0x86: {  	_ =	shalt  }
0x87: {  	_ =	shalt  }
.Lfunc_end0:
.L_simem_size_0:
called_computation.1_lowered:
.L_overlay_start_0:
0x88: {  	s2 =	sld [smem:$0x3FD9]  }
0x89: {  	s3 =	sld [smem:$0x3FFE];
	_ =	sdelay $0x1  }
0x8a: {  	s1 =	srdreg.scid  }
0x8b: {  	s0 =	sand.u32 $0x1, s1  }
0x8c: {  	s14 =	sshll.u32 s0, $0xA;
	s2 =	sadd.s32 s3, s2  }
0x8d: {  	s2 =	sadd.s32 s2, s14  }
0x8e: {  	[smem:$0x3FC6] =	sst s2  }
0x8f: {  	_ = 	snop  }
0x90: {  	s2 =	sld [smem:$0x3FD0];
	_ =	sdelay $0x2  }
0x91: {  	s15 =	simm.s32 $0xA;
	s4 =	simm.s32 $0x10  }
0x92: {  	[smem:s4], [sflag:s15] =	dma.local [hbm:s2], $0x1  }
0x93: {  	_ =	swait.eq [sflag:s15], $0x1  }
0x94: {  	[sflag:s15] =	ssyncset.done $0x0  }
0x95: {  	[sflag:s15] =	ssyncadd.s32 $0xFFFFFFFF  }
0x96: {  	s16 =	sld [smem:$0x11];
	(tm) =	ssettm $0x1  }
0x97: {  	s17 =	sld [smem:$0x3FFB];
	_ =	sdelay $0x3  }
0x98: {  	_ =	strace s17  }
0x99: {  	s3 =	sld [smem:$0x3FFC];
	_ =	sdelay $0x3  }
0x9a: {  	_ =	strace s3  }
0x9b: {  	s3 =	sld [smem:$0x3FFD];
	_ =	sdelay $0x3  }
0x9c: {  	_ =	strace s3  }
0x9d: {  	_ =	strace $0x8FFFFFFF  }
0x9e: {  	s18 =	sld [smem:$0x3FDB];
	_ =	sdelay $0x1  }
0x9f: {  	s19 =	simm.s32 $_scs_section_size  }
0xa0: {  	s5 =	simm.s32 $_size__tile_overlayer_lowered;
	s6 =	simm.s32 $_tile_overlayer_lowered  }
0xa1: {  	s22 =	simm.s32 $0x1BFF;
	s21 =	sshll.u32 s6, $0x1;
	s3 =	sadd.s32 s19, s18  }
0xa2: {  	s7 =	simm.s32 $0x0;
	s20 =	sshll.u32 s5, $0x1;
	s5 =	sadd.s32 s21, s3  }
0xa3: {  	[timem:s7], [sflag:s22] =	dma.local [hbm:s5], s20  }
0xa4: {  	_ =	swait.ge [sflag:s22], s20  }
0xa5: {  	s4 =	ssub.s32 $0x0, s20;
	[sflag:s22] =	ssyncset.done $0x0  }
0xa6: {  	[sflag:s22] =	ssyncadd.s32 s4;
	_ =	sdelay $0x1  }
0xa7: {  	s23 =	simm.s32 $0x1B8B  }
0xa8: {  	_ =	swait.ge [sflag:s23], $0x1  }
0xa9: {  	[sflag:s23] =	ssyncset.done $0x0  }
0xaa: {  	s25 =	simm.s32 $0x1B8E;
	s24 =	sld [smem:$0x3FFE];
	[sflag:s23] =	ssyncadd.s32 $0xFFFFFFFF  }
0xab: {  	s26 =	simm.s32 $execute0_lowered;
	[smem:$0x3FD2] =	sst s25  }
0xac: {  	s5 =	sshll.u32 s26, $0x1;
	_ =	strace $0x80000049;
	[dreg:$0x1] =	wrdreg $0xFFFFFFFF  }
0xad: {  	s28 =	simm.s32 $_size_execute0_lowered;
	s3 =	sadd.s32 s3, s5;
	[dreg:$0x0] =	wrdreg $0x0  }
0xae: {  	s5 =	sshll.u32 s28, $0x1;
	[dreg:$0x2] =	wrdreg s3  }
0xaf: {  	[dreg:$0x3] =	wrdreg s5  }
0xb0: {  	[dreg:$0x4] =	wrdreg $0xC0  }
0xb1: {  	_ =	task [dreg:s7], $0x5FFFF  }
0xb2: {  	[dreg:$0x1] =	wrdreg $0xFFFFFFFF  }
0xb3: {  	[dreg:$0x0] =	wrdreg $0x60  }
0xb4: {  	[dreg:$0x2] =	wrdreg s16  }
0xb5: {  	[dreg:$0x3] =	wrdreg s24  }
0xb6: {  	[dreg:$0x4] =	wrdreg $0x9  }
0xb7: {  	_ =	task.clear_ibuf [dreg:s7], $0x5FFFF;
	_ =	strace $0x90000049  }
0xb8: {  	s29 =	simm.s32 $0x9;
	_ =	strace $0x8000004B  }
0xb9: {  	_ =	swait.ge [sflag:s29], $0x1  }
0xba: {  	[sflag:s29] =	ssyncadd.s32 $0xFFFFFFFF  }
0xbb: {  	_ =	strace $0x9000004B  }
0xbc: {  	_ =	sfence  }
0xbd: {  	s30 =	sld [smem:$0x0];
	_ =	sdelay $0x2  }
0xbe: {  	s31 =	sshll.u32 s1, $0xD;
	s1 =	sshrl.u32 s1, $0x2  }
0xbf: {  	s3 =	sand.u32 $0x4000, s31;
	s1 =	sadd.s32 s1, s30  }
0xc0: {  	s0 =	sor.u32 s3, s0;
	s1 =	sshll.u32 s1, $0x11  }
0xc1: {  	s0 =	sor.u32 s1, s0  }
0xc2: {  	s0 =	sadd.s32 $0x8F2B, s0  }
0xc3: {  	[sflag:s0] =	ssyncadd.remote.s32 $0x1  }
0xc4: {  	_ =	sfence.sel $0xFFFF  }
0xc5: {  	[dreg:$0x0] =	wrdreg $0xFFFFFFFF;
	(pc) =	sbr.abs _section_cstart, $3  }
0xc6: {  	[dreg:$0x1] =	wrdreg $0xFFFFFFFF  }
0xc7: {  	_ =	task.clear_ibuf [dreg:s7], $0x2FFFF;
	_ =	strace $0x9FFFFFFF  }
0xc8: {  	(tm) =	ssettm $0x7FFFFFFF  }
0xc9: {  	_ =	shalt  }
tec
execute0_lowered:
.L_overlay_start_1:
0x0: {  	(tag) =	ssettag $0x1  }
0x1: {  	s3 =	rddreg [dreg:$0x0]  }
0x2: {  	s4 =	rddreg [dreg:$0x1]  }
0x3: {  	s0 =	rddreg [dreg:$0x2]  }
0x4: {  	s5 =	srdreg.scid;
	s1 =	stileid.u32  }
0x5: {  	s2 =	simm.s32 $0x0;
	s5 =	sand.u32 $0x1, s5;
	s6 =	sshll.u32 s1, $0x7  }
0x6: {  	s8 =	sshll.u32 s1, $0x6;
	[smem:$0x7FF] =	sst s2;
	s7 =	sshll.u32 s5, $0xB  }
0x7: {  	s6 =	sand.u32 $0x700, s6;
	s30 =	sand.u32 $0x40, s8;
	s5 =	ssub.s32 $0x2, s5  }
0x8: {  	_ =	strace $0x8000004A;
	s6 =	sor.u32 s6, s7;
	s31 =	sshrl.u32 s5, $0x1  }
0x9: {  	s7 =	sadd.s32 s3, s30;
	s8 =	sor.u32 s30, s6;
	s10 =	ssub.s32 s5, s31  }
0xa: {  	s9 =	sadd.s32 s8, s4;
	s3 =	sadd.s32 s3, s8;
	s4 =	sadd.s32 s6, s7  }
0xb: {  	s6 =	smax.u32 s10, $0x1;
	s7 =	simm.s32 $0x200;
	s8 =	simm.s32 $0x400  }
0xc: {  	s10 =	simm.s32 $0x0;
	s5 =	sadd.s32 $0x201C00, s9;
	s9 =	simm.s32 $0x1  }
.LBB2_1:
0xd: {  	[tilespmem:s2], [sflag:$0x1] =	stream.strided.gather [hbm4b:s3+s7], $0x400, s8, s7, $0x38;
	[tilespmem:$0x800] =	vst v63  }
0xe: {  	_ =	swait.ge [sflag:s9], $0x400  }
0xf: {  	[sflag:s9] =	ssyncset.done $0x0  }
0x10: {  	s11 =	simm.s32 $0x1;
	[sflag:s9] =	ssyncadd.s32 $0xFFFFFC00  }
.LBB2_2:
0x11: {  	s12 =	sshll.u32 s11, $0xC  }
0x12: {  	s12 =	sadd.s32 s12, s4  }
0x13: {  	[tilespmem:s8], [sflag:$0x1] =	stream.strided.gather [hbm4b:s12+s7], $0x400, s8, s7, $0x38;
	[tilespmem:$0x800] =	vst v63  }
0x14: {  	s30 =	simm.s32 $0x0;
	_ =	swait.ge [sflag:s9], $0x400  }
0x15: {  	s13 =	sand.u32 $0x70, s30;
	s12 =	sand.u32 $0x200, s30;
	[sflag:s9] =	ssyncset.done $0x0  }
0x16: {  	s12 =	sor.u32 s13, s12;
	[sflag:s9] =	ssyncadd.s32 $0xFFFFFC00  }
0x17: {  	v0 =	vld [tilespmem:s12+$0x400]  }
0x18: {  	v1 =	vld [tilespmem:s12+$0x0];
	_ =	sdelay $0x2  }
0x19: {  	s31 =	simm.s32 $0x10;
	s14 =	simm.s32 $0x40  }
0x1a: {  	s15 =	sand.u32 $0x200, s14;
	s13 =	sand.u32 $0x70, s31  }
0x1b: {  	s17 =	sor.u32 s13, s15;
	s15 =	simm.s32 $0x20;
	s16 =	smov.u32 s12;
	v0 =	vadd.s32 v1, v0  }
.LBB2_3:
0x1c: {  	p0 =	sne.s32 s15, $0xF0;
	v1 =	vld [tilespmem:s17+$0x400];
	[tilespmem:s16+$0x0] =	vst v0;
	s16 =	smov.u32 s17  }
0x1d: {  	v0 =	vld [tilespmem:s16+$0x0]  }
.Ltmp0:
0x1e: {  	(pc) =	sbr.rel @p0 .LBB2_3-.Ltmp0, $4  }
0x1f: {  	_ = 	snop  }
0x20: {  	s14 =	sadd.s32 $0x40, s14  }
0x21: {  	s17 =	sand.u32 $0x70, s15;
	s18 =	sand.u32 $0x200, s14  }
0x22: {  	s15 =	sadd.s32 $0x10, s15;
	s17 =	sor.u32 s17, s18;
	v0 =	vadd.s32 v0, v1  }
0x23: {  	v1 =	vld [tilespmem:s17+$0x400];
	[tilespmem:s16+$0x0] =	vst v0  }
0x24: {  	v0 =	vld [tilespmem:s17+$0x0];
	_ =	sdelay $0x4  }
0x25: {  	v0 =	vadd.s32 v0, v1  }
0x26: {  	[tilespmem:s17+$0x0] =	vst v0  }
0x27: {  	v0 =	vld [tilespmem:s12+$0x480]  }
0x28: {  	v1 =	vld [tilespmem:s12+$0x80];
	_ =	sdelay $0x2  }
0x29: {  	s14 =	simm.s32 $0x40  }
0x2a: {  	s15 =	sand.u32 $0x200, s14  }
0x2b: {  	s15 =	sor.u32 s13, s15;
	s13 =	simm.s32 $0x20;
	v0 =	vadd.s32 v1, v0  }
.LBB2_5:
0x2c: {  	p0 =	sne.s32 s13, $0xF0;
	v1 =	vld [tilespmem:s15+$0x480];
	[tilespmem:s12+$0x80] =	vst v0;
	s12 =	smov.u32 s15  }
0x2d: {  	v0 =	vld [tilespmem:s12+$0x80]  }
.Ltmp1:
0x2e: {  	(pc) =	sbr.rel @p0 .LBB2_5-.Ltmp1, $4  }
0x2f: {  	_ = 	snop  }
0x30: {  	s14 =	sadd.s32 $0x40, s14  }
0x31: {  	s15 =	sand.u32 $0x70, s13;
	s16 =	sand.u32 $0x200, s14  }
0x32: {  	s13 =	sadd.s32 $0x10, s13;
	s15 =	sor.u32 s15, s16;
	v0 =	vadd.s32 v0, v1  }
0x33: {  	v1 =	vld [tilespmem:s15+$0x480];
	[tilespmem:s12+$0x80] =	vst v0  }
0x34: {  	v0 =	vld [tilespmem:s15+$0x80];
	_ =	sdelay $0x3  }
0x35: {  	s29 =	simm.s32 $0x0  }
0x36: {  	s13 =	sand.u32 $0x70, s29;
	s12 =	sand.u32 $0x200, s29;
	v0 =	vadd.s32 v0, v1  }
0x37: {  	s12 =	sor.u32 s13, s12;
	[tilespmem:s15+$0x80] =	vst v0  }
0x38: {  	v0 =	vld [tilespmem:s12+$0x500]  }
0x39: {  	v1 =	vld [tilespmem:s12+$0x100];
	_ =	sdelay $0x2  }
0x3a: {  	s30 =	simm.s32 $0x10;
	s14 =	simm.s32 $0x40  }
0x3b: {  	s31 =	sand.u32 $0x200, s14;
	s13 =	sand.u32 $0x70, s30  }
0x3c: {  	s17 =	sor.u32 s13, s31;
	s16 =	smov.u32 s12;
	s15 =	simm.s32 $0x20;
	v0 =	vadd.s32 v1, v0  }
.LBB2_7:
0x3d: {  	p0 =	sne.s32 s15, $0xF0;
	v1 =	vld [tilespmem:s17+$0x500];
	[tilespmem:s16+$0x100] =	vst v0;
	s16 =	smov.u32 s17  }
0x3e: {  	v0 =	vld [tilespmem:s16+$0x100]  }
.Ltmp2:
0x3f: {  	(pc) =	sbr.rel @p0 .LBB2_7-.Ltmp2, $4  }
0x40: {  	_ = 	snop  }
0x41: {  	s14 =	sadd.s32 $0x40, s14  }
0x42: {  	s17 =	sand.u32 $0x70, s15;
	s18 =	sand.u32 $0x200, s14  }
0x43: {  	s15 =	sadd.s32 $0x10, s15;
	s17 =	sor.u32 s17, s18;
	v0 =	vadd.s32 v0, v1  }
0x44: {  	v1 =	vld [tilespmem:s17+$0x500];
	[tilespmem:s16+$0x100] =	vst v0  }
0x45: {  	v0 =	vld [tilespmem:s17+$0x100];
	_ =	sdelay $0x4  }
0x46: {  	v0 =	vadd.s32 v0, v1  }
0x47: {  	[tilespmem:s17+$0x100] =	vst v0  }
0x48: {  	v0 =	vld [tilespmem:s12+$0x580]  }
0x49: {  	v1 =	vld [tilespmem:s12+$0x180];
	_ =	sdelay $0x2  }
0x4a: {  	s14 =	simm.s32 $0x40  }
0x4b: {  	s15 =	sand.u32 $0x200, s14  }
0x4c: {  	s15 =	sor.u32 s13, s15;
	s13 =	simm.s32 $0x20;
	v0 =	vadd.s32 v1, v0  }
.LBB2_9:
0x4d: {  	p0 =	sne.s32 s13, $0xF0;
	v1 =	vld [tilespmem:s15+$0x580];
	[tilespmem:s12+$0x180] =	vst v0;
	s12 =	smov.u32 s15  }
0x4e: {  	v0 =	vld [tilespmem:s12+$0x180]  }
.Ltmp3:
0x4f: {  	(pc) =	sbr.rel @p0 .LBB2_9-.Ltmp3, $4  }
0x50: {  	_ = 	snop  }
0x51: {  	s14 =	sadd.s32 $0x40, s14  }
0x52: {  	s15 =	sand.u32 $0x70, s13;
	s16 =	sand.u32 $0x200, s14  }
0x53: {  	s13 =	sadd.s32 $0x10, s13;
	s15 =	sor.u32 s15, s16;
	v0 =	vadd.s32 v0, v1  }
0x54: {  	v1 =	vld [tilespmem:s15+$0x580];
	[tilespmem:s12+$0x180] =	vst v0  }
0x55: {  	s11 =	sadd.s32 $0x1, s11;
	v0 =	vld [tilespmem:s15+$0x180]  }
0x56: {  	p0 =	sne.s32 s11, $0x20  }
.Ltmp4:
0x57: {  	_ = 	snop;
	(pc) =	sbr.rel @p0 .LBB2_2-.Ltmp4, $3  }
0x58: {  	_ =	sdelay $0x1  }
0x59: {  	v0 =	vadd.s32 v0, v1  }
0x5a: {  	[tilespmem:s15+$0x180] =	vst v0  }
0x5b: {  	s10 =	sadd.s32 $0x1, s10  }
0x5c: {  	p0 =	sne.s32 s10, s6  }
.Ltmp5:
0x5d: {  	_ = 	snop;
	(pc) =	sbr.rel @p0 .LBB2_1-.Ltmp5, $4  }
0x5e: {  	[hbm4b:s5+s7] =	stream.strided.scatter [tilespmem:s2], [sflag:$0x1], $0x400, s8, s7, $0x38;
	[tilespmem:$0x800] =	vst v63  }
0x5f: {  	_ =	swait.ge [sflag:s9], $0x400  }
0x60: {  	[sflag:s9] =	ssyncset.done $0x0  }
0x61: {  	[sflag:s9] =	ssyncadd.s32 $0xFFFFFC00  }
0x62: {  	_ =	sfence.sel $0x180000  }
0x63: {  	[bflag:$0x0] =	sbarrier.arrive $0xFFFF  }
0x64: {  	p0 =	sne.s32 s1, $0x0;
	_ =	strace $0x9000004A  }
0x65: {  	s0 =	sadd.s32 @!p0 $0x100000, s0;
	[bflag:$0x2] =	sbarrier.arrive $0xFFFF  }
0x66: {  	[sflag:s0] =	ssyncadd.tile.s32 @!p0 $0x1;
	_ =	shalt  }
.Lfunc_end2:
_tile_overlayer_lowered:
.L_overlay_start_2:
0x67: {  	(tag) =	ssettag $0x2  }
0x68: {  	s0 =	rddreg [dreg:$0x0];
	s2 =	stileid.u32  }
0x69: {  	s1 =	rddreg [dreg:$0x1];
	p0 =	sne.s32 s2, $0x0  }
0x6a: {  	s3 =	rddreg [dreg:$0x2];
	[bflag:$0x3] =	sbarrier.arrive $0xFFFF;
	s2 =	simm.s32 @!p0 $0x1C01  }
0x6b: {  	[timem:s3], [sflag:s2] =	dma.local @!p0 [hbm:s0], s1  }
0x6c: {  	s0 =	simm.s32 @!p0 $0x1  }
0x6d: {  	_ =	swait.ge @!p0 [sflag:s0], s1  }
0x6e: {  	s1 =	ssub.s32 @!p0 $0x0, s1;
	[sflag:s0] =	ssyncset.done @!p0 $0x0  }
0x6f: {  	[sflag:s0] =	ssyncadd.s32 @!p0 s1  }
0x70: {  	[bflag:$0x3] =	sbarrier.arrive $0xFFFF  }
0x71: {  	_ =	shalt  }

// kernel: kernel.13.cloned.1.call-start
scs
__scs_entry_jumppad:
0x0: {  	(pc) =	sbr.rel $0x88, $3  }
0x1: {  	(tag) =	ssettag $0x0;
	lr =	simm.s32 $0x1  }
0x2: {  	[smem:$0x3F9F] =	sst lr;
	_ =	strace $0xD0000000  }
0x3: {  	_ = 	snop  }
0x4: {  	_ = 	snop  }
0x5: {  	_ = 	snop  }
0x6: {  	_ = 	snop  }
0x7: {  	_ = 	snop  }
__scs_overlays_trampoline_lowered:
0x8: {  	[smem:$0x3FAE] =	sst s0  }
0x9: {  	[smem:$0x3FAF] =	sst s1  }
0xa: {  	[smem:$0x3FB0] =	sst s2  }
0xb: {  	[smem:$0x3FB1] =	sst s3  }
0xc: {  	[smem:$0x3FB2] =	sst s4  }
0xd: {  	[smem:$0x3FB3] =	sst s5  }
0xe: {  	[smem:$0x3FB4] =	sst s6  }
0xf: {  	[smem:$0x3FB5] =	sst s7  }
0x10: {  	[smem:$0x3FB6] =	sst s8  }
0x11: {  	[smem:$0x3FB7] =	sst s9;
	s0 =	simm.s32 @!p0 $0x0  }
0x12: {  	s1 =	sld [smem:$0x3F9D];
	s0 =	simm.s32 @p0 $0x1  }
0x13: {  	[smem:$0x3FB8] =	sst s0;
	s0 =	simm.s32 @!p1 $0x0  }
0x14: {  	s2 =	sld [smem:$0x3F9C];
	s0 =	simm.s32 @p1 $0x1  }
0x15: {  	[smem:$0x3FB9] =	sst s0;
	s0 =	simm.s32 @!p2 $0x0  }
0x16: {  	s3 =	sld [smem:$0x3FDB];
	s0 =	simm.s32 @p2 $0x1  }
0x17: {  	s4 =	simm.s32 $0x1BF5;
	[smem:$0x3FBB] =	sst s0  }
0x18: {  	s0 =	sld [smem:$0x3F9E];
	_ =	swait.ge [sflag:s4], $0x0  }
0x19: {  	s7 =	sld [smem:$0x3F9F]  }
0x1a: {  	s8 =	sadd.s32 $0xFFFFE003, lr  }
0x1b: {  	s9 =	sadd.s32 $0xFFFFFEF7, lr;
	s5 =	simm.s32 $0xFFFFFFFF;
	p2 =	slt.u32 s8, $0xFFFFF086  }
0x1c: {  	p1 =	slt.u32 s9, $0xF7A;
	s5 =	simm.s32 @!p2 $0x0  }
0x1d: {  	s5 =	simm.s32 @p1 $0x1;
	p0 =	seq.s32 s7, s2  }
0x1e: {  	s7 =	smul.u32 @!p0 $0xF7A, s2;
	p2 =	seq.s32 @!p0 s5, $0x0  }
0x1f: {  	s9 =	smul.u32 $0xF7A, s1;
	s8 =	simm.s32 @!p0 $0x1BF5;
	p2 =	por !p2, p0  }
0x20: {  	[sflag:s8] =	ssyncset.s32 @!p0 $0xFFFFF086;
	s6 =	sadd.s32 @!p0 s3, s7;
	s7 =	simm.s32 @!p0 $0x108  }
0x21: {  	s3 =	sadd.s32 s3, s9;
	s6 =	sadd.s32 @!p0 $0x88, s6;
	s7 =	simm.s32 @p2 $0x1082  }
0x22: {  	[simem:s7], [sflag:s8] =	dma.local @!p0 [hbm:s6], $0xF7A  }
0x23: {  	s9 =	sor.u32 $0xD0000000, s2;
	s6 =	simm.s32 $0x108;
	_ =	swait.ge @!p0 [sflag:s8], $0x0  }
0x24: {  	s3 =	sadd.s32 $0x88, s3;
	s6 =	simm.s32 @!p1 $0x1082;
	[sflag:s4] =	ssyncset.s32 $0xFFFFF086  }
0x25: {  	[simem:s6], [sflag:s4] =	dma.local [hbm:s3], $0xF7A  }
0x26: {  	[smem:$0x3F9F] =	sst s1;
	(tag) =	ssettag s2;
	_ =	strace s9  }
0x27: {  	s1 =	sld [smem:$0x3FAF]  }
0x28: {  	s2 =	sld [smem:$0x3FB0]  }
0x29: {  	s4 =	sld [smem:$0x3FB2]  }
0x2a: {  	p0 =	seq.s32 s5, $0x0;
	s5 =	sld [smem:$0x3FB3]  }
0x2b: {  	s6 =	sld [smem:$0x3FB4]  }
0x2c: {  	s7 =	sld [smem:$0x3FB5]  }
0x2d: {  	s3 =	simm.s32 $0x108;
	s8 =	sld [smem:$0x3FB6]  }
0x2e: {  	s3 =	simm.s32 @!p0 $0x1082;
	s9 =	sld [smem:$0x3FB7]  }
0x2f: {  	lr =	sadd.s32 s0, s3;
	s0 =	sld [smem:$0x3FAE]  }
0x30: {  	s3 =	sld [smem:$0x3FB1]  }
0x31: {  	[smem:$0x3FBA] =	sst s10  }
0x32: {  	s10 =	sld [smem:$0x3FB8];
	_ =	sdelay $0x3  }
0x33: {  	p0 =	seq.s32 s10, $0x1;
	s10 =	sld [smem:$0x3FBA];
	_ =	sdelay $0x3  }
0x34: {  	[smem:$0x3FBA] =	sst s10  }
0x35: {  	s10 =	sld [smem:$0x3FB9];
	_ =	sdelay $0x3  }
0x36: {  	p1 =	seq.s32 s10, $0x1;
	s10 =	sld [smem:$0x3FBA];
	_ =	sdelay $0x3  }
0x37: {  	[smem:$0x3FBA] =	sst s10  }
0x38: {  	s10 =	sld [smem:$0x3FBB]  }
0x39: {  	_ = 	snop;
	(pc) =	sbr.ind lr, $3  }
0x3a: {  	_ = 	snop  }
0x3b: {  	_ = 	snop  }
0x3c: {  	p2 =	seq.s32 s10, $0x1;
	s10 =	sld [smem:$0x3FBA]  }
0x3d: {  	_ =	shalt  }
0x3e: {  	_ =	shalt  }
0x3f: {  	_ =	shalt  }
0x40: {  	_ =	shalt  }
0x41: {  	_ =	shalt  }
0x42: {  	_ =	shalt  }
0x43: {  	_ =	shalt  }
0x44: {  	_ =	shalt  }
0x45: {  	_ =	shalt  }
0x46: {  	_ =	shalt  }
0x47: {  	_ =	shalt  }
0x48: {  	_ =	shalt  }
0x49: {  	_ =	shalt  }
0x4a: {  	_ =	shalt  }
0x4b: {  	_ =	shalt  }
0x4c: {  	_ =	shalt  }
0x4d: {  	_ =	shalt  }
0x4e: {  	_ =	shalt  }
0x4f: {  	_ =	shalt  }
0x50: {  	_ =	shalt  }
0x51: {  	_ =	shalt  }
0x52: {  	_ =	shalt  }
0x53: {  	_ =	shalt  }
0x54: {  	_ =	shalt  }
0x55: {  	_ =	shalt  }
0x56: {  	_ =	shalt  }
0x57: {  	_ =	shalt  }
0x58: {  	_ =	shalt  }
0x59: {  	_ =	shalt  }
0x5a: {  	_ =	shalt  }
0x5b: {  	_ =	shalt  }
0x5c: {  	_ =	shalt  }
0x5d: {  	_ =	shalt  }
0x5e: {  	_ =	shalt  }
0x5f: {  	_ =	shalt  }
0x60: {  	_ =	shalt  }
0x61: {  	_ =	shalt  }
0x62: {  	_ =	shalt  }
0x63: {  	_ =	shalt  }
0x64: {  	_ =	shalt  }
0x65: {  	_ =	shalt  }
0x66: {  	_ =	shalt  }
0x67: {  	_ =	shalt  }
0x68: {  	_ =	shalt  }
0x69: {  	_ =	shalt  }
0x6a: {  	_ =	shalt  }
0x6b: {  	_ =	shalt  }
0x6c: {  	_ =	shalt  }
0x6d: {  	_ =	shalt  }
0x6e: {  	_ =	shalt  }
0x6f: {  	_ =	shalt  }
0x70: {  	_ =	shalt  }
0x71: {  	_ =	shalt  }
0x72: {  	_ =	shalt  }
0x73: {  	_ =	shalt  }
0x74: {  	_ =	shalt  }
0x75: {  	_ =	shalt  }
0x76: {  	_ =	shalt  }
0x77: {  	_ =	shalt  }
0x78: {  	_ =	shalt  }
0x79: {  	_ =	shalt  }
0x7a: {  	_ =	shalt  }
0x7b: {  	_ =	shalt  }
0x7c: {  	_ =	shalt  }
0x7d: {  	_ =	shalt  }
0x7e: {  	_ =	shalt  }
0x7f: {  	_ =	shalt  }
0x80: {  	_ =	shalt  }
0x81: {  	_ =	shalt  }
0x82: {  	_ =	shalt  }
0x83: {  	_ =	shalt  }
0x84: {  	_ =	shalt  }
0x85: {  	_ =	shalt  }
0x86: {  	_ =	shalt  }
0x87: {  	_ =	shalt  }
.Lfunc_end0:
.L_simem_size_0:
called_computation.2_lowered:
.L_overlay_start_0:
0x88: {  	s2 =	sld [smem:$0x3FD9]  }
0x89: {  	s3 =	sld [smem:$0x3FFE];
	_ =	sdelay $0x1  }
0x8a: {  	s1 =	srdreg.scid  }
0x8b: {  	s0 =	sand.u32 $0x1, s1  }
0x8c: {  	s14 =	sshll.u32 s0, $0xA;
	s2 =	sadd.s32 s3, s2  }
0x8d: {  	s2 =	sadd.s32 s2, s14  }
0x8e: {  	[smem:$0x3FC6] =	sst s2  }
0x8f: {  	_ = 	snop  }
0x90: {  	s2 =	sld [smem:$0x3FD0];
	_ =	sdelay $0x2  }
0x91: {  	s15 =	simm.s32 $0xA;
	s4 =	simm.s32 $0x10  }
0x92: {  	[smem:s4], [sflag:s15] =	dma.local [hbm:s2], $0x1  }
0x93: {  	_ =	swait.eq [sflag:s15], $0x1  }
0x94: {  	[sflag:s15] =	ssyncset.done $0x0  }
0x95: {  	[sflag:s15] =	ssyncadd.s32 $0xFFFFFFFF  }
0x96: {  	s16 =	sld [smem:$0x11];
	(tm) =	ssettm $0x1  }
0x97: {  	s17 =	sld [smem:$0x3FFB];
	_ =	sdelay $0x3  }
0x98: {  	_ =	strace s17  }
0x99: {  	s3 =	sld [smem:$0x3FFC];
	_ =	sdelay $0x3  }
0x9a: {  	_ =	strace s3  }
0x9b: {  	s3 =	sld [smem:$0x3FFD];
	_ =	sdelay $0x3  }
0x9c: {  	_ =	strace s3  }
0x9d: {  	_ =	strace $0x8FFFFFFF  }
0x9e: {  	s18 =	sld [smem:$0x3FDB];
	_ =	sdelay $0x1  }
0x9f: {  	s19 =	simm.s32 $_scs_section_size  }
0xa0: {  	s5 =	simm.s32 $_size__tile_overlayer_lowered;
	s6 =	simm.s32 $_tile_overlayer_lowered  }
0xa1: {  	s22 =	simm.s32 $0x1BFF;
	s21 =	sshll.u32 s6, $0x1;
	s3 =	sadd.s32 s19, s18  }
0xa2: {  	s7 =	simm.s32 $0x0;
	s20 =	sshll.u32 s5, $0x1;
	s5 =	sadd.s32 s21, s3  }
0xa3: {  	[timem:s7], [sflag:s22] =	dma.local [hbm:s5], s20  }
0xa4: {  	_ =	swait.ge [sflag:s22], s20  }
0xa5: {  	s4 =	ssub.s32 $0x0, s20;
	[sflag:s22] =	ssyncset.done $0x0  }
0xa6: {  	[sflag:s22] =	ssyncadd.s32 s4;
	_ =	sdelay $0x1  }
0xa7: {  	s23 =	simm.s32 $0x1B8B  }
0xa8: {  	_ =	swait.ge [sflag:s23], $0x1  }
0xa9: {  	[sflag:s23] =	ssyncset.done $0x0  }
0xaa: {  	s25 =	simm.s32 $0x1B8E;
	s24 =	sld [smem:$0x3FFE];
	[sflag:s23] =	ssyncadd.s32 $0xFFFFFFFF  }
0xab: {  	s26 =	simm.s32 $execute0_lowered;
	[smem:$0x3FD2] =	sst s25  }
0xac: {  	s5 =	sshll.u32 s26, $0x1;
	_ =	strace $0x8000004C;
	[dreg:$0x1] =	wrdreg $0xFFFFFFFF  }
0xad: {  	s28 =	simm.s32 $_size_execute0_lowered;
	s3 =	sadd.s32 s3, s5;
	[dreg:$0x0] =	wrdreg $0x0  }
0xae: {  	s5 =	sshll.u32 s28, $0x1;
	[dreg:$0x2] =	wrdreg s3  }
0xaf: {  	[dreg:$0x3] =	wrdreg s5  }
0xb0: {  	[dreg:$0x4] =	wrdreg $0xC0  }
0xb1: {  	_ =	task [dreg:s7], $0x5FFFF  }
0xb2: {  	[dreg:$0x1] =	wrdreg $0xFFFFFFFF  }
0xb3: {  	[dreg:$0x0] =	wrdreg $0x60  }
0xb4: {  	[dreg:$0x2] =	wrdreg s24  }
0xb5: {  	[dreg:$0x3] =	wrdreg s16  }
0xb6: {  	[dreg:$0x4] =	wrdreg $0x9  }
0xb7: {  	_ =	task.clear_ibuf [dreg:s7], $0x5FFFF;
	_ =	strace $0x9000004C  }
0xb8: {  	s29 =	simm.s32 $0x9;
	_ =	strace $0x8000004E  }
0xb9: {  	_ =	swait.ge [sflag:s29], $0x1  }
0xba: {  	[sflag:s29] =	ssyncadd.s32 $0xFFFFFFFF  }
0xbb: {  	_ =	strace $0x9000004E  }
0xbc: {  	_ =	sfence  }
0xbd: {  	s30 =	sld [smem:$0x0];
	_ =	sdelay $0x2  }
0xbe: {  	s31 =	sshll.u32 s1, $0xD;
	s1 =	sshrl.u32 s1, $0x2  }
0xbf: {  	s3 =	sand.u32 $0x4000, s31;
	s1 =	sadd.s32 s1, s30  }
0xc0: {  	s0 =	sor.u32 s3, s0;
	s1 =	sshll.u32 s1, $0x11  }
0xc1: {  	s0 =	sor.u32 s1, s0  }
0xc2: {  	s0 =	sadd.s32 $0x8F2B, s0  }
0xc3: {  	[sflag:s0] =	ssyncadd.remote.s32 $0x1  }
0xc4: {  	_ =	sfence.sel $0xFFFF  }
0xc5: {  	[dreg:$0x0] =	wrdreg $0xFFFFFFFF;
	(pc) =	sbr.abs _section_cstart, $3  }
0xc6: {  	[dreg:$0x1] =	wrdreg $0xFFFFFFFF  }
0xc7: {  	_ =	task.clear_ibuf [dreg:s7], $0x2FFFF;
	_ =	strace $0x9FFFFFFF  }
0xc8: {  	(tm) =	ssettm $0x7FFFFFFF  }
0xc9: {  	_ =	shalt  }
tec
execute0_lowered:
.L_overlay_start_1:
0x0: {  	(tag) =	ssettag $0x1  }
0x1: {  	s3 =	rddreg [dreg:$0x0]  }
0x2: {  	s5 =	rddreg [dreg:$0x1]  }
0x3: {  	s1 =	srdreg.scid;
	s0 =	rddreg [dreg:$0x2]  }
0x4: {  	s2 =	simm.s32 $0x0;
	s9 =	simm.s32 $0x4000;
	s4 =	sand.u32 $0x1, s1  }
0x5: {  	s10 =	simm.s32 $0x0;
	s1 =	stileid.u32;
	s6 =	sshll.u32 s4, $0x4  }
0x6: {  	[smem:$0x7FF] =	sst s2;
	s4 =	ssub.s32 $0x2, s4;
	s6 =	sor.u32 s1, s6  }
0x7: {  	_ =	strace $0x8000004D;
	s8 =	sshrl.u32 s4, $0x1;
	s7 =	sshll.u32 s6, $0x10  }
0x8: {  	s8 =	ssub.s32 s4, s8;
	s6 =	sshll.u32 s6, $0xD;
	s7 =	sadd.s32 s7, s3  }
0x9: {  	s3 =	sadd.s32 $0x201C00, s3;
	s5 =	sadd.s32 s5, s6;
	s6 =	smax.u32 s8, $0x1  }
0xa: {  	v0 =	vimm.s32 $0x0;
	s8 =	simm.s32 $0x1;
	s4 =	sadd.s32 $0x1C00, s7;
	s7 =	simm.s32 $0x14000  }
.LBB2_1:
0xb: {  	p3 =	por $0x0, $0x0  }
.Ltmp0:
0xc: {  	_ = 	snop;
	(pc) =	sbr.rel @p3 .LBB2_2-.Ltmp0, $4  }
0xd: {  	[tilespmem:s7], [sflag:$0x1] =	stream.linear.gather [hbm4b:s3+s2], $0x8000, $0x38;
	[tilespmem:$0x1C000] =	vst v63  }
0xe: {  	s15 =	sand.u32 $0x7800, s2;
	s16 =	sand.u32 $0x380, s2;
	_ =	swait.ge [sflag:s8], $0x8000  }
0xf: {  	s12 =	simm.s32 $0x100;
	p0 =	por $0x0, $0x0;
	[sflag:s8] =	ssyncset.done $0x0  }
0x10: {  	p1 =	por $0x0, $0x0;
	p2 =	por $0x0, $0x0;
	[sflag:s8] =	ssyncadd.s32 $0xFFFF8000  }
0x11: {  	s13 =	sor.u32 s16, s15  }
0x12: {  	s11 =	sadd.s32 $0x14000, s13;
	v1 =	vld [tilespmem:s13+$0x14000]  }
0x13: {  	v2 =	vld [tilespmem:s11+$0x10]  }
0x14: {  	v3 =	vld [tilespmem:s11+$0x20]  }
0x15: {  	v4 =	vld [tilespmem:s11+$0x30]  }
0x16: {  	v5 =	vld [tilespmem:s11+$0x40]  }
0x17: {  	v6 =	vld [tilespmem:s11+$0x50]  }
0x18: {  	v1 =	vadd.s32 v1, v2;
	v2 =	vld [tilespmem:s11+$0x60]  }
0x19: {  	v1 =	vadd.s32 v1, v3;
	v3 =	vld [tilespmem:s11+$0x70]  }
0x1a: {  	v1 =	vadd.s32 v1, v4;
	v4 =	vld [tilespmem:s11+$0x400]  }
0x1b: {  	p3 =	por $0x0, $0x0;
	v1 =	vadd.s32 v1, v5;
	v5 =	vld [tilespmem:s11+$0x410]  }
.Ltmp1:
0x1c: {  	v6 =	vadd.s32 v1, v6;
	v1 =	vld [tilespmem:s11+$0x420];
	(pc) =	sbr.rel @p3 .LBB2_4-.Ltmp1, $4  }
0x1d: {  	v6 =	vadd.s32 v6, v2;
	v2 =	vld [tilespmem:s11+$0x430]  }
0x1e: {  	v6 =	vadd.s32 v6, v3;
	v3 =	vld [tilespmem:s11+$0x440]  }
0x1f: {  	s31 =	simm.s32 $0x80;
	s15 =	sand.u32 $0x7800, s12;
	v6 =	vadd.s32 v6, v4;
	v4 =	vld [tilespmem:s11+$0x450]  }
0x20: {  	s12 =	simm.s32 $0x200;
	p0 =	por $0x1, $0x1;
	s16 =	sand.u32 $0x380, s31;
	v6 =	vadd.s32 v6, v5;
	v5 =	vld [tilespmem:s11+$0x460]  }
0x21: {  	s13 =	sor.u32 s16, s15;
	v7 =	vld [tilespmem:s11+$0x470]  }
0x22: {  	v1 =	vadd.s32 v6, v1;
	s11 =	sadd.s32 $0x14000, s13;
	v8 =	vld [tilespmem:s13+$0x14000]  }
0x23: {  	v1 =	vadd.s32 v1, v2;
	v6 =	vld [tilespmem:s11+$0x10]  }
0x24: {  	v2 =	vld [tilespmem:s11+$0x20];
	v1 =	vadd.s32 v1, v3  }
0x25: {  	v3 =	vld [tilespmem:s11+$0x30];
	v1 =	vadd.s32 v1, v4  }
0x26: {  	v4 =	vld [tilespmem:s11+$0x40];
	v1 =	vadd.s32 v1, v5  }
0x27: {  	v5 =	vld [tilespmem:s11+$0x50];
	v1 =	vadd.s32 v1, v7  }
0x28: {  	v7 =	vld [tilespmem:s11+$0x60];
	(xrf0) =	vadd.scan.msk.s32 $0xffff, v1;
	v6 =	vadd.s32 v8, v6  }
0x29: {  	v1 =	vadd.s32 v6, v2;
	v6 =	vld [tilespmem:s11+$0x70]  }
0x2a: {  	v8 =	vld [tilespmem:s11+$0x400];
	v1 =	vadd.s32 v1, v3  }
0x2b: {  	p3 =	por $0x0, $0x0;
	v9 =	vld [tilespmem:s11+$0x410];
	v1 =	vadd.s32 v1, v4  }
.Ltmp2:
0x2c: {  	v2 =	vadd.s32 v1, v5;
	v1 =	vld [tilespmem:s11+$0x420];
	(pc) =	sbr.rel @p3 .LBB2_6-.Ltmp2, $4  }
0x2d: {  	v3 =	vadd.s32 v2, v7;
	v2 =	vld [tilespmem:s11+$0x430]  }
0x2e: {  	v5, _, _ =	vpop (xrf0);
	v4 =	vadd.s32 v3, v6;
	v3 =	vld [tilespmem:s11+$0x440]  }
0x2f: {  	s31 =	simm.s32 $0x100;
	s15 =	sand.u32 $0x7800, s12;
	(v2sf) =	vpush v5, $0xF;
	v5 =	vld [tilespmem:s11+$0x460];
	v6 =	vadd.s32 v4, v8  }
0x30: {  	s12 =	simm.s32 $0x300;
	p1 =	por $0x1, $0x1;
	s16 =	sand.u32 $0x380, s31;
	v4 =	vld [tilespmem:s11+$0x450];
	v6 =	vadd.s32 v6, v9  }
0x31: {  	_ = 	snop  }
0x32: {  	s13 =	sor.u32 s16, s15;
	v7 =	vld [tilespmem:s11+$0x470];
	v1 =	vadd.s32 v6, v1  }
0x33: {  	s11 =	sadd.s32 $0x14000, s13;
	v8 =	vld [tilespmem:s13+$0x14000];
	v1 =	vadd.s32 v1, v2  }
0x34: {  	v6 =	vld [tilespmem:s11+$0x10];
	v1 =	vadd.s32 v1, v3  }
0x35: {  	v2 =	vld [tilespmem:s11+$0x20];
	v1 =	vadd.s32 v1, v4  }
0x36: {  	v3 =	vld [tilespmem:s11+$0x30];
	v1 =	vadd.s32 v1, v5  }
0x37: {  	v4 =	vld [tilespmem:s11+$0x40];
	v1 =	vadd.s32 v1, v7  }
0x38: {  	v5 =	vld [tilespmem:s11+$0x50];
	(xrf0) =	vadd.scan.msk.s32 $0xffff, v1  }
0x39: {  	v7 =	vld [tilespmem:s11+$0x60];
	v6 =	vadd.s32 v8, v6  }
0x3a: {  	v1 =	vadd.s32 v6, v2;
	v6 =	vld [tilespmem:s11+$0x70]  }
0x3b: {  	v8 =	vld [tilespmem:s11+$0x400];
	v1 =	vadd.s32 v1, v3  }
0x3c: {  	p3 =	por $0x0, $0x0;
	v9 =	vld [tilespmem:s11+$0x410];
	v1 =	vadd.s32 v1, v4  }
.Ltmp3:
0x3d: {  	v2 =	vadd.s32 v1, v5;
	v1 =	vld [tilespmem:s11+$0x420];
	(pc) =	sbr.rel @p3 .LBB2_8-.Ltmp3, $4  }
0x3e: {  	v3 =	vadd.s32 v2, v7;
	v2 =	vld [tilespmem:s11+$0x430];
	v5, _, _ =	vpop (xrf0)  }
0x3f: {  	s15 =	sand.u32 $0x7800, s12;
	s14 =	spop (v2sf);
	v4 =	vadd.s32 v3, v6;
	v3 =	vld [tilespmem:s11+$0x440];
	(v2sf) =	vpush v5, $0xF  }
0x40: {  	p2 =	por $0x1, $0x1;
	s12 =	simm.s32 $0x0;
	s13 =	simm.s32 $0x180;
	v6 =	vadd.s32 v4, v8;
	v4 =	vld [tilespmem:s11+$0x450]  }
0x41: {  	s16 =	sand.u32 $0x380, s13;
	[smem:s2] =	sst s14;
	s14 =	simm.s32 $0x400;
	v5 =	vld [tilespmem:s11+$0x460];
	v6 =	vadd.s32 v6, v9  }
.LBB2_9:
0x42: {  	p3 =	seq.s32 s14, $0x7F00;
	s15 =	sor.u32 s16, s15;
	v1 =	vadd.s32 v6, v1;
	v6 =	vld [tilespmem:s11+$0x470]  }
0x43: {  	s11 =	sadd.s32 $0x14000, s15;
	v7 =	vld [tilespmem:s15+$0x14000];
	v1 =	vadd.s32 v1, v2  }
0x44: {  	v2 =	vld [tilespmem:s11+$0x10];
	v1 =	vadd.s32 v1, v3  }
0x45: {  	v3 =	vld [tilespmem:s11+$0x20];
	v1 =	vadd.s32 v1, v4  }
0x46: {  	v4 =	vld [tilespmem:s11+$0x30];
	v1 =	vadd.s32 v1, v5  }
0x47: {  	v5 =	vld [tilespmem:s11+$0x40];
	v1 =	vadd.s32 v1, v6  }
0x48: {  	v6 =	vld [tilespmem:s11+$0x50];
	(xrf0) =	vadd.scan.msk.s32 $0xffff, v1  }
0x49: {  	v1 =	vadd.s32 v7, v2;
	v2 =	vld [tilespmem:s11+$0x60]  }
0x4a: {  	v1 =	vadd.s32 v1, v3;
	v3 =	vld [tilespmem:s11+$0x70]  }
0x4b: {  	v1 =	vadd.s32 v1, v4;
	v4 =	vld [tilespmem:s11+$0x400]  }
0x4c: {  	v1 =	vadd.s32 v1, v5;
	v5 =	vld [tilespmem:s11+$0x410]  }
.Ltmp4:
0x4d: {  	v6 =	vadd.s32 v1, v6;
	v1 =	vld [tilespmem:s11+$0x420];
	(pc) =	sbr.rel @!p3 .LBB2_9-.Ltmp4, $4  }
0x4e: {  	s12 =	sadd.s32 $0x1, s12;
	v6 =	vadd.s32 v6, v2;
	v2 =	vld [tilespmem:s11+$0x430];
	v7, _, _ =	vpop (xrf0);
	s15 =	spop (v2sf)  }
0x4f: {  	v6 =	vadd.s32 v6, v3;
	v3 =	vld [tilespmem:s11+$0x440];
	(v2sf) =	vpush v7, $0xF;
	[smem:s12] =	sst s15  }
0x50: {  	s13 =	sadd.s32 $0x80, s13;
	v6 =	vadd.s32 v6, v4;
	v4 =	vld [tilespmem:s11+$0x450]  }
0x51: {  	s16 =	sand.u32 $0x380, s13;
	s15 =	sand.u32 $0x7800, s14;
	s14 =	sadd.s32 $0x100, s14;
	v6 =	vadd.s32 v6, v5;
	v5 =	vld [tilespmem:s11+$0x460]  }
.LBB2_10:
0x52: {  	s13 =	sor.u32 s16, s15;
	v7 =	vld @p0 [tilespmem:s11+$0x470]  }
0x53: {  	s30 =	sadd.s32 $0x14000, s13;
	v8 =	vld [tilespmem:s13+$0x14000]  }
0x54: {  	v9 =	vld [tilespmem:s30+$0x10]  }
0x55: {  	v10 =	vld [tilespmem:s30+$0x20]  }
0x56: {  	v11 =	vld [tilespmem:s30+$0x30]  }
0x57: {  	v12 =	vld [tilespmem:s30+$0x40]  }
0x58: {  	v13 =	vld [tilespmem:s30+$0x50]  }
0x59: {  	v54 =	vld [tilespmem:s30+$0x60];
	v8 =	vadd.s32 v8, v9  }
0x5a: {  	v55 =	vld [tilespmem:s30+$0x70];
	v8 =	vadd.s32 v8, v10  }
0x5b: {  	v56 =	vld [tilespmem:s30+$0x400];
	v8 =	vadd.s32 v8, v11  }
0x5c: {  	v57 =	vld [tilespmem:s30+$0x410];
	v8 =	vadd.s32 v8, v12  }
0x5d: {  	v58 =	vld [tilespmem:s30+$0x420];
	v8 =	vadd.s32 v8, v13  }
0x5e: {  	v59 =	vld [tilespmem:s30+$0x430];
	v8 =	vadd.s32 v8, v54  }
0x5f: {  	v60 =	vld [tilespmem:s30+$0x440];
	v8 =	vadd.s32 v8, v55  }
0x60: {  	v1 =	vadd.s32 @p0 v6, v1;
	v62 =	vld [tilespmem:s30+$0x450];
	v61 =	vadd.s32 v8, v56  }
0x61: {  	v1 =	vadd.s32 @p0 v1, v2;
	v63 =	vld [tilespmem:s30+$0x460];
	v2 =	vadd.s32 v61, v57  }
0x62: {  	v1 =	vadd.s32 @p0 v1, v3;
	v3 =	vld [tilespmem:s30+$0x470];
	v2 =	vadd.s32 v2, v58  }
0x63: {  	v1 =	vadd.s32 @p0 v1, v4;
	v2 =	vadd.s32 v2, v59  }
0x64: {  	v1 =	vadd.s32 @p0 v1, v5;
	v2 =	vadd.s32 v2, v60  }
0x65: {  	v1 =	vadd.s32 @p0 v1, v7;
	v2 =	vadd.s32 v2, v62  }
0x66: {  	(xrf0) =	vadd.scan.msk.s32 @p0 $0xffff, v1;
	v1 =	vadd.s32 v2, v63  }
0x67: {  	v1 =	vadd.s32 v1, v3  }
0x68: {  	(xrf0) =	vadd.scan.msk.s32 $0xffff, v1;
	_ =	sdelay $0x3  }
0x69: {  	v1, _, _ =	vpop @p0 (xrf0)  }
0x6a: {  	(v2sf) =	vpush @p0 v1, $0xF  }
0x6b: {  	v1, _, _ =	vpop (xrf0)  }
0x6c: {  	(v2sf) =	vpush v1, $0xF;
	_ =	sdelay $0x9  }
0x6d: {  	s11 =	sadd.s32 @p2 $0x1, s12;
	s12 =	simm.s32 $0x0  }
0x6e: {  	s12 =	smov.u32 @p2 s11;
	s13 =	spop @p1 (v2sf)  }
0x6f: {  	s11 =	sadd.s32 @p1 $0x1, s12;
	[smem:s12] =	sst @p1 s13;
	s12 =	simm.s32 $0x0  }
0x70: {  	s12 =	smov.u32 @p1 s11;
	s13 =	spop @p0 (v2sf)  }
0x71: {  	s11 =	sadd.s32 @p0 $0x1, s12;
	[smem:s12] =	sst @p0 s13;
	s12 =	simm.s32 $0x0  }
0x72: {  	s12 =	smov.u32 @p0 s11;
	s31 =	spop (v2sf)  }
0x73: {  	[smem:s12] =	sst s31  }
0x74: {  	s13 =	sld [smem:$0x7F]  }
0x75: {  	s14 =	simm.s32 $0x7E  }
0x76: {  	s17 =	simm.s32 $0x7E;
	s16 =	simm.s32 $0x0;
	s18 =	simm.s32 $0x0  }
0x77: {  	p2 =	por $0x1, $0x1;
	s11 =	simm.s32 $0x0;
	s15 =	sadd.s32 $0x0, s13  }
0x78: {  	s12 =	simm.s32 $0x7F;
	s13 =	simm.s32 $0x0;
	p0 =	sgt.s32 s15, $0x28F5B  }
.LBB2_11:
0x79: {  	s19 =	sld [smem:s17+$0x0]  }
0x7a: {  	p2 =	por !p2, !p0;
	s20 =	smov.u32 s14;
	p1 =	seq.s32 s14, $0x0  }
.Ltmp5:
0x7b: {  	s14 =	sadd.s32 $0xFFFFFFFF, s14;
	p2 =	por !p2, !p2;
	(pc) =	sbr.rel @!p1 .LBB2_11-.Ltmp5, $4  }
0x7c: {  	s11 =	smov.u32 @p2 s12;
	s13 =	smov.u32 @p2 s16;
	s12 =	smov.u32 s20  }
0x7d: {  	s16 =	smov.u32 s15  }
0x7e: {  	s18 =	simm.s32 @p0 $0x1;
	s15 =	sadd.s32 s15, s19  }
0x7f: {  	s17 =	sadd.s32 $0xFFFFFFFF, s17;
	p2 =	seq.s32 s18, $0x0;
	p0 =	sgt.s32 s15, $0x28F5B  }
0x80: {  	p0 =	por !p2, !p0  }
0x81: {  	p0 =	por !p0, !p0  }
0x82: {  	s11 =	smov.u32 @p0 s12  }
0x83: {  	s12 =	sshll.u32 s11, $0x8;
	s11 =	sshll.u32 s11, $0x7  }
0x84: {  	s14 =	sand.u32 $0x7800, s12;
	s11 =	sand.u32 $0x380, s11  }
0x85: {  	s23 =	simm.s32 $0x780;
	s24 =	simm.s32 $0xF0;
	s11 =	sor.u32 s11, s14  }
0x86: {  	s17 =	simm.s32 $0x700;
	s14 =	sand.u32 $0x400, s23;
	s15 =	sadd.s32 $0x14000, s11  }
0x87: {  	s13 =	smov.u32 @p0 s16;
	s16 =	sand.u32 $0x70, s24;
	s14 =	sadd.s32 s14, s15  }
0x88: {  	s25 =	simm.s32 $0xE0;
	s17 =	sand.u32 $0x400, s17;
	s14 =	sadd.s32 s16, s14  }
0x89: {  	s26 =	sand.u32 $0x70, s25;
	s29 =	sadd.s32 s17, s15;
	v1 =	vld [tilespmem:s14+$0x0]  }
0x8a: {  	s14 =	sadd.s32 s26, s29  }
0x8b: {  	v2 =	vld [tilespmem:s14+$0x0];
	_ =	sdelay $0x2  }
0x8c: {  	s30 =	simm.s32 $0x680;
	(xrf0) =	vadd.scan.msk.s32 $0xffff, v1  }
0x8d: {  	s31 =	simm.s32 $0xD0;
	s14 =	sand.u32 $0x400, s30  }
0x8e: {  	s16 =	sand.u32 $0x70, s31;
	s14 =	sadd.s32 s14, s15;
	(xrf0) =	vadd.scan.msk.s32 $0xffff, v2  }
0x8f: {  	s14 =	sadd.s32 s16, s14  }
0x90: {  	v3 =	vld [tilespmem:s14+$0x0];
	_ =	sdelay $0x1  }
0x91: {  	v4, _, _ =	vpop (xrf0)  }
0x92: {  	(v2sf) =	vpush v4, $0xF  }
0x93: {  	v5, _, _ =	vpop (xrf0)  }
0x94: {  	v1 =	vadd.s32 s13, v1;
	v6 =	vbroadcast v4, $0xF;
	(xrf0) =	vadd.scan.msk.s32 $0xffff, v3;
	(v2sf) =	vpush v5, $0xF  }
0x95: {  	v1 =	vsub.s32 v1, v4  }
0x96: {  	s17 =	simm.s32 $0x600;
	v1 =	vadd.s32 v6, v1  }
0x97: {  	s18 =	simm.s32 $0xC0;
	s14 =	sand.u32 $0x400, s17;
	vm0 =	vgt.s32 v1, $0x28F5B  }
0x98: {  	s16 =	sand.u32 $0x70, s18;
	s14 =	sadd.s32 s14, s15;
	v1 =	vmpcnt.ones.xlane vm0  }
0x99: {  	s14 =	sadd.s32 s16, s14  }
0x9a: {  	v4 =	vld [tilespmem:s14+$0x0];
	v1 =	vxor.u32 $0x80000000, v1;
	v6, _, _ =	vpop (xrf0)  }
0x9b: {  	(xrf0) =	vmax.scan.msk.u32 $0xffff, v1;
	(v2sf) =	vpush v6, $0xF;
	_ =	sdelay $0x3  }
0x9c: {  	(xrf0) =	vadd.scan.msk.s32 $0xffff, v4;
	_ =	sdelay $0x1  }
0x9d: {  	v1, _, _ =	vpop (xrf0);
	s19 =	spop (v2sf)  }
0x9e: {  	s20 =	simm.s32 $0x580;
	(v2sf) =	vpush v1, $0xF;
	s13 =	sadd.s32 s13, s19  }
0x9f: {  	s22 =	simm.s32 $0xB0;
	s16 =	sand.u32 $0x400, s20;
	v1 =	vbroadcast v5, $0xF;
	s18 =	spop (v2sf);
	v2 =	vadd.s32 s13, v2  }
0xa0: {  	s16 =	sadd.s32 s16, s15;
	s14 =	sand.u32 $0x70, s22;
	s13 =	sadd.s32 s13, s18;
	v2 =	vsub.s32 v2, v5  }
0xa1: {  	s21 =	simm.s32 $0x500;
	s14 =	sadd.s32 s14, s16;
	v7, _, _ =	vpop (xrf0);
	v3 =	vadd.s32 s13, v3;
	v1 =	vadd.s32 v1, v2;
	v2 =	vbroadcast v6, $0xF  }
0xa2: {  	s23 =	simm.s32 $0xA0;
	s17 =	sand.u32 $0x400, s21;
	v8 =	vld [tilespmem:s14+$0x0];
	(v2sf) =	vpush v7, $0xF;
	vm13 =	vgt.s32 v1, $0x28F5B;
	v1 =	vsub.s32 v3, v6  }
0xa3: {  	s24 =	sand.u32 $0x70, s23;
	s25 =	sadd.s32 s17, s15;
	v3 =	vmpcnt.ones.xlane vm13;
	v2 =	vadd.s32 v2, v1  }
0xa4: {  	s14 =	sadd.s32 s24, s25;
	vm14 =	vgt.s32 v2, $0x28F5B  }
0xa5: {  	v1 =	vld [tilespmem:s14+$0x0];
	v2 =	vxor.u32 $0x80000000, v3;
	v3 =	vmpcnt.ones.xlane vm14  }
0xa6: {  	s26 =	spop (v2sf);
	(xrf0) =	vmax.scan.msk.u32 $0xffff, v2  }
0xa7: {  	s13 =	sadd.s32 s13, s26;
	(xrf0) =	vadd.scan.msk.s32 $0xffff, v8;
	v2 =	vxor.u32 $0x80000000, v3  }
0xa8: {  	v3 =	vadd.s32 s13, v4;
	(xrf0) =	vmax.scan.msk.u32 $0xffff, v2;
	v2 =	vbroadcast v7, $0xF  }
0xa9: {  	v3 =	vsub.s32 v3, v7  }
0xaa: {  	(xrf0) =	vadd.scan.msk.s32 $0xffff, v1;
	v3 =	vadd.s32 v2, v3;
	_ =	sdelay $0x1  }
0xab: {  	v4, _, _ =	vpop (xrf0)  }
0xac: {  	p0 =	por $0x1, $0x1;
	s29 =	simm.s32 $0x480;
	vm15 =	vgt.s32 v3, $0x28F5B;
	s24 =	spop (v2sf);
	v3, _, _ =	vpop (xrf0);
	(v2sf) =	vpush v4, $0xF  }
0xad: {  	s11 =	sor.u32 $0x800000EF, s12;
	s30 =	simm.s32 $0x90;
	s16 =	sand.u32 $0x400, s29;
	(v2sf) =	vpush v3, $0xF  }
0xae: {  	s31 =	simm.s32 $0x400;
	s16 =	sadd.s32 s16, s15;
	s14 =	sand.u32 $0x70, s30;
	v6, _, _ =	vpop (xrf0)  }
0xaf: {  	s12 =	simm.s32 $0x0;
	s28 =	sand.u32 $0x400, s31;
	s14 =	sadd.s32 s14, s16;
	v4, _, _ =	vpop (xrf0);
	(v2sf) =	vpush v6, $0xF  }
0xb0: {  	s21 =	simm.s32 $0xFFFFFFF0;
	s17 =	simm.s32 $0xFFFFFFB0;
	v2 =	vld [tilespmem:s14+$0x0];
	s23 =	spop (v2sf);
	(v2sf) =	vpush v4, $0xF  }
0xb1: {  	s20 =	simm.s32 $0xFFFFFFD0;
	s22 =	simm.s32 $0xFFFFFFE0;
	s25 =	simm.s32 $0x380;
	v5 =	vmpcnt.ones.xlane vm15  }
0xb2: {  	s19 =	simm.s32 $0xFFFFFFC0;
	s18 =	simm.s32 $0x0;
	s16 =	simm.s32 $0xFFFFFFA0  }
0xb3: {  	s14 =	simm.s32 $0xFFFFFF90;
	s26 =	sadd.s32 s24, s11;
	p1 =	sgt.u32 s24, $0x80000000;
	v5 =	vxor.u32 $0x80000000, v5  }
0xb4: {  	s24 =	simm.s32 $0x0;
	s23 =	sadd.s32 s13, s23;
	s13 =	sadd.s32 $0x0, s26;
	(xrf0) =	vmax.scan.msk.u32 $0xffff, v5  }
0xb5: {  	s26 =	simm.s32 $0x80;
	v5 =	vbroadcast v3, $0xF;
	v6 =	vadd.s32 s23, v8;
	s24 =	smov.u32 @p1 s13;
	s13 =	simm.s32 $0x0;
	(xrf0) =	vadd.scan.msk.s32 $0xffff, v2  }
.LBB2_13:
0xb6: {  	s26 =	sand.u32 $0x70, s26;
	s28 =	sadd.s32 s28, s15;
	s13 =	smov.u32 @p0 s24  }
0xb7: {  	v6 =	vsub.s32 v6, v3;
	v3 =	vmov v4;
	s24 =	smov.u32 s25;
	s29 =	smov.u32 s21;
	s21 =	smov.u32 s22  }
0xb8: {  	s30 =	sadd.s32 $0xFFFFFF80, s25;
	s18 =	simm.s32 @p1 $0x1;
	s22 =	sadd.s32 s26, s28;
	v4 =	vadd.s32 v5, v6  }
0xb9: {  	p2 =	sne.s32 s25, $0x0;
	v7 =	vld [tilespmem:s22+$0x0];
	vm0 =	vgt.s32 v4, $0x28F5B;
	s22 =	smov.u32 s20;
	s20 =	smov.u32 s19  }
0xba: {  	s19 =	smov.u32 s17;
	s17 =	smov.u32 s16;
	s16 =	smov.u32 s14;
	v5 =	vmpcnt.ones.xlane vm0  }
.Ltmp6:
0xbb: {  	s14 =	sadd.s32 $0xFFFFFFF0, s14;
	v6, _, _ =	vpop (xrf0);
	s25 =	spop (v2sf);
	(pc) =	sbr.rel @p2 .LBB2_13-.Ltmp6, $4  }
0xbc: {  	p0 =	seq.s32 s18, $0x0;
	s26 =	spop (v2sf)  }
0xbd: {  	v4, _, _ =	vpop (xrf0);
	v5 =	vxor.u32 $0x80000000, v5;
	(v2sf) =	vpush v6, $0xF;
	s28 =	sadd.s32 s25, s11;
	p1 =	sgt.u32 s25, $0x80000000;
	s23 =	sadd.s32 s23, s26  }
0xbe: {  	(v2sf) =	vpush v4, $0xF;
	(xrf0) =	vmax.scan.msk.u32 $0xffff, v5;
	s25 =	sadd.s32 s29, s28;
	s28 =	sand.u32 $0x400, s24;
	s24 =	smov.u32 s13  }
0xbf: {  	s26 =	sadd.s32 $0xF0, s14;
	v5 =	vbroadcast v3, $0xF;
	(xrf0) =	vadd.scan.msk.s32 $0xffff, v7;
	v6 =	vadd.s32 s23, v1;
	s24 =	smov.u32 @p1 s25;
	v1 =	vmovc v2;
	v2 =	vmov v7;
	s25 =	smov.u32 s30  }
0xc0: {  	_ =	sdelay $0x3  }
0xc1: {  	v7, _, _ =	vpop (xrf0)  }
0xc2: {  	(v2sf) =	vpush v7, $0xF;
	v60, _, _ =	vpop (xrf0)  }
0xc3: {  	(v2sf) =	vpush v60, $0xF;
	_ =	sdelay $0x2  }
0xc4: {  	s25 =	sand.u32 $0x70, s26;
	s15 =	sadd.s32 s28, s15;
	v3 =	vsub.s32 v6, v3  }
0xc5: {  	s15 =	sadd.s32 s25, s15;
	v3 =	vadd.s32 v5, v3  }
0xc6: {  	v61 =	vld [tilespmem:s15+$0x0];
	vm0 =	vgt.s32 v3, $0x28F5B  }
0xc7: {  	v3 =	vmpcnt.ones.xlane vm0  }
0xc8: {  	s15 =	spop (v2sf)  }
0xc9: {  	s28 =	spop (v2sf);
	v3 =	vxor.u32 $0x80000000, v3  }
0xca: {  	s23 =	sadd.s32 s23, s28;
	(xrf0) =	vmax.scan.msk.u32 $0xffff, v3  }
0xcb: {  	v1 =	vadd.s32 s23, v1;
	v3 =	vbroadcast v4, $0xF;
	(xrf0) =	vadd.scan.msk.s32 $0xffff, v61  }
0xcc: {  	v1 =	vsub.s32 v1, v4;
	s25 =	spop (v2sf)  }
0xcd: {  	v1 =	vadd.s32 v3, v1;
	s29 =	spop (v2sf)  }
0xce: {  	vm13 =	vgt.s32 v1, $0x28F5B;
	s23 =	sadd.s32 s23, s29  }
0xcf: {  	v3 =	vbroadcast v60, $0xF;
	v1 =	vmpcnt.ones.xlane vm13;
	v2 =	vadd.s32 s23, v2;
	s26 =	spop (v2sf)  }
0xd0: {  	v62, _, _ =	vpop (xrf0);
	v2 =	vsub.s32 v2, v60;
	s30 =	spop (v2sf)  }
0xd1: {  	v1 =	vxor.u32 $0x80000000, v1;
	v63, _, _ =	vpop (xrf0);
	v2 =	vadd.s32 v3, v2;
	s23 =	sadd.s32 s23, s30  }
0xd2: {  	vm14 =	vgt.s32 v2, $0x28F5B;
	v2 =	vbroadcast v63, $0xF;
	v3 =	vadd.s32 s23, v61  }
0xd3: {  	(xrf0) =	vmax.scan.msk.u32 $0xffff, v1;
	v1 =	vmpcnt.ones.xlane vm14;
	v3 =	vsub.s32 v3, v63  }
0xd4: {  	v2 =	vadd.s32 v2, v3  }
0xd5: {  	v1 =	vxor.u32 $0x80000000, v1;
	vm15 =	vgt.s32 v2, $0x28F5B  }
0xd6: {  	(xrf0) =	vmax.scan.msk.u32 $0xffff, v1;
	v1 =	vmpcnt.ones.xlane vm15  }
0xd7: {  	(v2sf) =	vpush v62, $0xF  }
0xd8: {  	(v2sf) =	vpush v63, $0xF;
	v1 =	vxor.u32 $0x80000000, v1  }
0xd9: {  	v2, _, _ =	vpop (xrf0);
	(xrf0) =	vmax.scan.msk.u32 $0xffff, v1  }
0xda: {  	(v2sf) =	vpush v2, $0xF;
	_ =	sdelay $0x1  }
0xdb: {  	s13 =	smov.u32 @p0 s24;
	s18 =	simm.s32 @p1 $0x1;
	s31 =	sadd.s32 s15, s11;
	v1, _, _ =	vpop (xrf0)  }
0xdc: {  	p0 =	sgt.u32 s15, $0x80000000;
	s15 =	sadd.s32 s21, s31;
	s21 =	smov.u32 s13;
	(v2sf) =	vpush v1, $0xF  }
0xdd: {  	p1 =	seq.s32 s18, $0x0;
	s21 =	smov.u32 @p0 s15  }
0xde: {  	s18 =	simm.s32 @p0 $0x1;
	s13 =	smov.u32 @p1 s21;
	s24 =	sadd.s32 s25, s11;
	v1, _, _ =	vpop (xrf0)  }
0xdf: {  	s21 =	smov.u32 s13;
	p0 =	sgt.u32 s25, $0x80000000;
	s15 =	sadd.s32 s22, s24;
	(v2sf) =	vpush v1, $0xF  }
0xe0: {  	p1 =	seq.s32 s18, $0x0;
	s21 =	smov.u32 @p0 s15  }
0xe1: {  	s18 =	simm.s32 @p0 $0x1;
	s29 =	sand.u32 $0xF800, s12;
	s13 =	smov.u32 @p1 s21  }
0xe2: {  	s28 =	sadd.s32 s26, s11;
	p0 =	sgt.u32 s26, $0x80000000;
	s30 =	sand.u32 $0x380, s12  }
0xe3: {  	s15 =	sadd.s32 s20, s28;
	s20 =	smov.u32 s13;
	s12 =	sor.u32 s30, s29  }
0xe4: {  	p1 =	seq.s32 s18, $0x0;
	s18 =	simm.s32 @p0 $0x1;
	s20 =	smov.u32 @p0 s15;
	[tilespmem:s12+$0x4470] =	vst v0  }
0xe5: {  	s13 =	smov.u32 @p1 s20;
	[tilespmem:s12+$0x4000] =	vst v0;
	p1 =	seq.s32 s18, $0x0;
	s31 =	spop (v2sf)  }
0xe6: {  	[tilespmem:s12+$0x4010] =	vst v0;
	s22 =	sadd.s32 s31, s11;
	s23 =	spop (v2sf);
	p0 =	sgt.u32 s31, $0x80000000  }
0xe7: {  	[tilespmem:s12+$0x4020] =	vst v0;
	s31 =	simm.s32 $0x100;
	s15 =	sadd.s32 s19, s22;
	s19 =	smov.u32 s13  }
0xe8: {  	[tilespmem:s12+$0x4030] =	vst v0;
	s18 =	simm.s32 @p0 $0x1;
	s19 =	smov.u32 @p0 s15;
	s24 =	spop (v2sf)  }
0xe9: {  	[tilespmem:s12+$0x4040] =	vst v0;
	s13 =	smov.u32 @p1 s19;
	p1 =	seq.s32 s18, $0x0;
	s25 =	sadd.s32 s24, s11  }
0xea: {  	[tilespmem:s12+$0x4050] =	vst v0;
	p0 =	sgt.u32 s24, $0x80000000;
	s15 =	sadd.s32 s17, s25;
	s17 =	smov.u32 s13  }
0xeb: {  	[tilespmem:s12+$0x4060] =	vst v0;
	s18 =	simm.s32 @p0 $0x1;
	s17 =	smov.u32 @p0 s15;
	s26 =	spop (v2sf)  }
0xec: {  	[tilespmem:s12+$0x4070] =	vst v0;
	s13 =	smov.u32 @p1 s17;
	p1 =	seq.s32 s18, $0x0;
	s28 =	sadd.s32 s26, s11  }
0xed: {  	[tilespmem:s12+$0x4400] =	vst v0;
	p0 =	sgt.u32 s26, $0x80000000;
	s15 =	sadd.s32 s16, s28;
	s16 =	smov.u32 s13  }
0xee: {  	[tilespmem:s12+$0x4410] =	vst v0;
	s18 =	simm.s32 @p0 $0x1;
	s16 =	smov.u32 @p0 s15;
	s29 =	spop (v2sf)  }
0xef: {  	[tilespmem:s12+$0x4420] =	vst v0;
	s15 =	sand.u32 $0xF800, s31;
	s13 =	smov.u32 @p1 s16;
	s30 =	sadd.s32 s29, s11  }
0xf0: {  	[tilespmem:s12+$0x4430] =	vst v0;
	p0 =	sgt.u32 s29, $0x80000000;
	s11 =	sadd.s32 s14, s30;
	s14 =	smov.u32 s13  }
0xf1: {  	[tilespmem:s12+$0x4440] =	vst v0;
	p1 =	seq.s32 s18, $0x0;
	s14 =	smov.u32 @p0 s11;
	s11 =	simm.s32 $0x80  }
0xf2: {  	[tilespmem:s12+$0x4450] =	vst v0;
	s13 =	smov.u32 @p1 s14;
	s16 =	sand.u32 $0x380, s11;
	s14 =	simm.s32 $0x200  }
.LBB2_15:
0xf3: {  	p0 =	sne.s32 s14, $0xFF00;
	[tilespmem:s12+$0x4460] =	vst v0;
	s12 =	sor.u32 s16, s15  }
0xf4: {  	[tilespmem:s12+$0x4470] =	vst v0  }
0xf5: {  	[tilespmem:s12+$0x4000] =	vst v0  }
0xf6: {  	[tilespmem:s12+$0x4010] =	vst v0  }
0xf7: {  	[tilespmem:s12+$0x4020] =	vst v0  }
0xf8: {  	[tilespmem:s12+$0x4030] =	vst v0  }
0xf9: {  	[tilespmem:s12+$0x4040] =	vst v0  }
0xfa: {  	[tilespmem:s12+$0x4050] =	vst v0  }
0xfb: {  	[tilespmem:s12+$0x4060] =	vst v0  }
0xfc: {  	[tilespmem:s12+$0x4070] =	vst v0  }
0xfd: {  	[tilespmem:s12+$0x4400] =	vst v0  }
.Ltmp7:
0xfe: {  	[tilespmem:s12+$0x4410] =	vst v0;
	(pc) =	sbr.rel @p0 .LBB2_15-.Ltmp7, $4  }
0xff: {  	[tilespmem:s12+$0x4420] =	vst v0  }
0x100: {  	[tilespmem:s12+$0x4430] =	vst v0  }
0x101: {  	s11 =	sadd.s32 $0x80, s11;
	[tilespmem:s12+$0x4440] =	vst v0  }
0x102: {  	s15 =	sand.u32 $0xF800, s14;
	s14 =	sadd.s32 $0x100, s14;
	s16 =	sand.u32 $0x380, s11;
	[tilespmem:s12+$0x4450] =	vst v0  }
0x103: {  	s11 =	sor.u32 s16, s15;
	[tilespmem:s12+$0x4460] =	vst v0  }
0x104: {  	[tilespmem:s11+$0x4470] =	vst v0  }
0x105: {  	[tilespmem:s11+$0x4000] =	vst v0  }
0x106: {  	[tilespmem:s11+$0x4010] =	vst v0  }
0x107: {  	[tilespmem:s11+$0x4020] =	vst v0  }
0x108: {  	[tilespmem:s11+$0x4030] =	vst v0  }
0x109: {  	[tilespmem:s11+$0x4040] =	vst v0  }
0x10a: {  	[tilespmem:s11+$0x4050] =	vst v0  }
0x10b: {  	[tilespmem:s11+$0x4060] =	vst v0  }
0x10c: {  	[tilespmem:s11+$0x4070] =	vst v0  }
0x10d: {  	[tilespmem:s11+$0x4400] =	vst v0  }
0x10e: {  	[tilespmem:s11+$0x4410] =	vst v0  }
0x10f: {  	[tilespmem:s11+$0x4420] =	vst v0  }
0x110: {  	[tilespmem:s11+$0x4430] =	vst v0  }
0x111: {  	[tilespmem:s11+$0x4440] =	vst v0  }
0x112: {  	[tilespmem:s11+$0x4450] =	vst v0  }
0x113: {  	v1 =	vmov s13;
	s12 =	simm.s32 $0x0;
	[tilespmem:s11+$0x4460] =	vst v0;
	s11 =	simm.s32 $0x0  }
.LBB2_17:
0x114: {  	s13 =	sshll.u32 s12, $0xB  }
0x115: {  	s13 =	sadd.s32 s13, s4  }
0x116: {  	[tilespmem:s11], [sflag:$0x1] =	stream.linear.gather [hbm4b:s13+s11], $0x4000, $0x38;
	[tilespmem:$0x1C000] =	vst v63  }
0x117: {  	_ =	swait.ge [sflag:s8], $0x4000  }
0x118: {  	[sflag:s8] =	ssyncset.done $0x0  }
0x119: {  	s14 =	simm.s32 $0x0;
	s13 =	simm.s32 $0x40;
	[sflag:s8] =	ssyncadd.s32 $0xFFFFC000  }
.LBB2_18:
0x11a: {  	p0 =	sne.s32 s13, $0xFFC0;
	v2 =	vld [tilespmem:s14+$0x0];
	_ =	sdelay $0x4  }
0x11b: {  	v3 =	vshrl.u32 v2, $0x10  }
0x11c: {  	v3 =	vand.u32 $0x7FFF, v3  }
0x11d: {  	vm0 =	veq.s32 v3, v1;
	v3 =	vand.u32 $0xFFFF, v2  }
0x11e: {  	(xrf1) =	vunique.msk.u32 vm0, v3;
	_ =	sdelay $0xc  }
0x11f: {  	v3 =	vshll.u32 v2, $0x3  }
0x120: {  	v4 =	vshrl.u32 v2, $0x1;
	v2 =	vand.u32 $0xF87F, v2;
	v3 =	vand.u32 $0x400, v3;
	_, v5, vm1 =	vpop (xrf1)  }
0x121: {  	v4 =	vand.u32 $0x380, v4;
	v2 =	vor.u32 v3, v2;
	vm0 =	vmand vm0, vm1  }
0x122: {  	v2 =	vor.u32 v4, v2  }
.Ltmp8:
0x123: {  	(pc) =	sbr.rel @p0 .LBB2_18-.Ltmp8, $2  }
0x124: {  	_ =	sdelay $0x2  }
0x125: {  	s14 =	sshra.s32 s13, $0x2;
	s13 =	sadd.s32 $0x40, s13;
	[tilespmem:v2+s9+$0x0] =	vst.idx.add.s32.msk vm0, v5  }
0x126: {  	v2 =	vld [tilespmem:s14+$0x0];
	_ =	sdelay $0x4  }
0x127: {  	v3 =	vshrl.u32 v2, $0x10  }
0x128: {  	v3 =	vand.u32 $0x7FFF, v3  }
0x129: {  	vm0 =	veq.s32 v3, v1;
	v3 =	vand.u32 $0xFFFF, v2  }
0x12a: {  	(xrf1) =	vunique.msk.u32 vm0, v3;
	_ =	sdelay $0xc  }
0x12b: {  	v3 =	vshll.u32 v2, $0x3  }
0x12c: {  	v4 =	vshrl.u32 v2, $0x1;
	v2 =	vand.u32 $0xF87F, v2;
	v3 =	vand.u32 $0x400, v3;
	_, v5, vm1 =	vpop (xrf1)  }
0x12d: {  	s12 =	sadd.s32 $0x1, s12;
	v4 =	vand.u32 $0x380, v4;
	v2 =	vor.u32 v3, v2;
	vm0 =	vmand vm0, vm1  }
0x12e: {  	p0 =	sne.s32 s12, $0x20;
	v2 =	vor.u32 v4, v2  }
.Ltmp9:
0x12f: {  	_ = 	snop;
	(pc) =	sbr.rel @p0 .LBB2_17-.Ltmp9, $2  }
0x130: {  	_ =	sdelay $0x2  }
0x131: {  	[tilespmem:v2+s9+$0x0] =	vst.idx.add.s32.msk vm0, v5  }
0x132: {  	[hbm4b:s5+s2] =	stream.linear.scatter [tilespmem:s9], [sflag:$0x1], $0x10000, $0x38;
	[tilespmem:$0x1C000] =	vst v63  }
0x133: {  	s10 =	sadd.s32 $0x1, s10  }
0x134: {  	p0 =	sne.s32 s10, s6  }
.Ltmp10:
0x135: {  	_ = 	snop;
	(pc) =	sbr.rel @p0 .LBB2_1-.Ltmp10, $4  }
.Ltmp11:
0x136: {  	_ = 	snop;
	(pc) =	sbr.rel @!p0 .LBB2_21-.Ltmp11, $4  }
0x137: {  	_ =	swait.ge [sflag:s8], $0x10000  }
0x138: {  	[sflag:s8] =	ssyncset.done $0x0  }
0x139: {  	[sflag:s8] =	ssyncadd.s32 $0xFFFF0000  }
0x13a: {  	_ = 	snop  }
.LBB2_2:
.Ltmp12:
0x13b: {  	(pc) =	sbr.rel .LBB2_10-.Ltmp12, $2  }
0x13c: {  	_ =	sdelay $0x2  }
0x13d: {  	s12 =	simm.s32 $0x0  }
.LBB2_4:
.Ltmp13:
0x13e: {  	(pc) =	sbr.rel .LBB2_10-.Ltmp13, $2  }
0x13f: {  	_ =	sdelay $0x2  }
0x140: {  	s12 =	simm.s32 $0x0  }
.LBB2_6:
.Ltmp14:
0x141: {  	(pc) =	sbr.rel .LBB2_10-.Ltmp14, $2  }
0x142: {  	_ =	sdelay $0x2  }
0x143: {  	s12 =	simm.s32 $0x0  }
.LBB2_8:
.Ltmp15:
0x144: {  	(pc) =	sbr.rel .LBB2_10-.Ltmp15, $2  }
0x145: {  	_ =	sdelay $0x2  }
0x146: {  	s12 =	simm.s32 $0x0  }
.LBB2_21:
0x147: {  	_ =	sfence.sel $0x180000  }
0x148: {  	[bflag:$0x0] =	sbarrier.arrive $0xFFFF  }
0x149: {  	p0 =	sne.s32 s1, $0x0;
	_ =	strace $0x9000004D  }
0x14a: {  	s0 =	sadd.s32 @!p0 $0x100000, s0;
	[bflag:$0x2] =	sbarrier.arrive $0xFFFF  }
0x14b: {  	[sflag:s0] =	ssyncadd.tile.s32 @!p0 $0x1;
	_ =	shalt  }
.Lfunc_end2:
_tile_overlayer_lowered:
.L_overlay_start_2:
0x14c: {  	(tag) =	ssettag $0x2  }
0x14d: {  	s0 =	rddreg [dreg:$0x0];
	s2 =	stileid.u32  }
0x14e: {  	s1 =	rddreg [dreg:$0x1];
	p0 =	sne.s32 s2, $0x0  }
0x14f: {  	s3 =	rddreg [dreg:$0x2];
	[bflag:$0x3] =	sbarrier.arrive $0xFFFF;
	s2 =	simm.s32 @!p0 $0x1C01  }
0x150: {  	[timem:s3], [sflag:s2] =	dma.local @!p0 [hbm:s0], s1  }
0x151: {  	s0 =	simm.s32 @!p0 $0x1  }
0x152: {  	_ =	swait.ge @!p0 [sflag:s0], s1  }
0x153: {  	s1 =	ssub.s32 @!p0 $0x0, s1;
	[sflag:s0] =	ssyncset.done @!p0 $0x0  }
0x154: {  	[sflag:s0] =	ssyncadd.s32 @!p0 s1  }
0x155: {  	[bflag:$0x3] =	sbarrier.arrive $0xFFFF  }
0x156: {  	_ =	shalt  }

// kernel: kernel.16.cloned.1.call-start
scs
__scs_entry_jumppad:
0x0: {  	(pc) =	sbr.rel $0x88, $3  }
0x1: {  	(tag) =	ssettag $0x0;
	lr =	simm.s32 $0x1  }
0x2: {  	[smem:$0x3F9F] =	sst lr;
	_ =	strace $0xD0000000  }
0x3: {  	_ = 	snop  }
0x4: {  	_ = 	snop  }
0x5: {  	_ = 	snop  }
0x6: {  	_ = 	snop  }
0x7: {  	_ = 	snop  }
__scs_overlays_trampoline_lowered:
0x8: {  	[smem:$0x3FAE] =	sst s0  }
0x9: {  	[smem:$0x3FAF] =	sst s1  }
0xa: {  	[smem:$0x3FB0] =	sst s2  }
0xb: {  	[smem:$0x3FB1] =	sst s3  }
0xc: {  	[smem:$0x3FB2] =	sst s4  }
0xd: {  	[smem:$0x3FB3] =	sst s5  }
0xe: {  	[smem:$0x3FB4] =	sst s6  }
0xf: {  	[smem:$0x3FB5] =	sst s7  }
0x10: {  	[smem:$0x3FB6] =	sst s8  }
0x11: {  	[smem:$0x3FB7] =	sst s9;
	s0 =	simm.s32 @!p0 $0x0  }
0x12: {  	s1 =	sld [smem:$0x3F9D];
	s0 =	simm.s32 @p0 $0x1  }
0x13: {  	[smem:$0x3FB8] =	sst s0;
	s0 =	simm.s32 @!p1 $0x0  }
0x14: {  	s2 =	sld [smem:$0x3F9C];
	s0 =	simm.s32 @p1 $0x1  }
0x15: {  	[smem:$0x3FB9] =	sst s0;
	s0 =	simm.s32 @!p2 $0x0  }
0x16: {  	s3 =	sld [smem:$0x3FDB];
	s0 =	simm.s32 @p2 $0x1  }
0x17: {  	s4 =	simm.s32 $0x1BF5;
	[smem:$0x3FBB] =	sst s0  }
0x18: {  	s0 =	sld [smem:$0x3F9E];
	_ =	swait.ge [sflag:s4], $0x0  }
0x19: {  	s7 =	sld [smem:$0x3F9F]  }
0x1a: {  	s8 =	sadd.s32 $0xFFFFE003, lr  }
0x1b: {  	s9 =	sadd.s32 $0xFFFFFEF7, lr;
	s5 =	simm.s32 $0xFFFFFFFF;
	p2 =	slt.u32 s8, $0xFFFFF086  }
0x1c: {  	p1 =	slt.u32 s9, $0xF7A;
	s5 =	simm.s32 @!p2 $0x0  }
0x1d: {  	s5 =	simm.s32 @p1 $0x1;
	p0 =	seq.s32 s7, s2  }
0x1e: {  	s7 =	smul.u32 @!p0 $0xF7A, s2;
	p2 =	seq.s32 @!p0 s5, $0x0  }
0x1f: {  	s9 =	smul.u32 $0xF7A, s1;
	s8 =	simm.s32 @!p0 $0x1BF5;
	p2 =	por !p2, p0  }
0x20: {  	[sflag:s8] =	ssyncset.s32 @!p0 $0xFFFFF086;
	s6 =	sadd.s32 @!p0 s3, s7;
	s7 =	simm.s32 @!p0 $0x108  }
0x21: {  	s3 =	sadd.s32 s3, s9;
	s6 =	sadd.s32 @!p0 $0x88, s6;
	s7 =	simm.s32 @p2 $0x1082  }
0x22: {  	[simem:s7], [sflag:s8] =	dma.local @!p0 [hbm:s6], $0xF7A  }
0x23: {  	s9 =	sor.u32 $0xD0000000, s2;
	s6 =	simm.s32 $0x108;
	_ =	swait.ge @!p0 [sflag:s8], $0x0  }
0x24: {  	s3 =	sadd.s32 $0x88, s3;
	s6 =	simm.s32 @!p1 $0x1082;
	[sflag:s4] =	ssyncset.s32 $0xFFFFF086  }
0x25: {  	[simem:s6], [sflag:s4] =	dma.local [hbm:s3], $0xF7A  }
0x26: {  	[smem:$0x3F9F] =	sst s1;
	(tag) =	ssettag s2;
	_ =	strace s9  }
0x27: {  	s1 =	sld [smem:$0x3FAF]  }
0x28: {  	s2 =	sld [smem:$0x3FB0]  }
0x29: {  	s4 =	sld [smem:$0x3FB2]  }
0x2a: {  	p0 =	seq.s32 s5, $0x0;
	s5 =	sld [smem:$0x3FB3]  }
0x2b: {  	s6 =	sld [smem:$0x3FB4]  }
0x2c: {  	s7 =	sld [smem:$0x3FB5]  }
0x2d: {  	s3 =	simm.s32 $0x108;
	s8 =	sld [smem:$0x3FB6]  }
0x2e: {  	s3 =	simm.s32 @!p0 $0x1082;
	s9 =	sld [smem:$0x3FB7]  }
0x2f: {  	lr =	sadd.s32 s0, s3;
	s0 =	sld [smem:$0x3FAE]  }
0x30: {  	s3 =	sld [smem:$0x3FB1]  }
0x31: {  	[smem:$0x3FBA] =	sst s10  }
0x32: {  	s10 =	sld [smem:$0x3FB8];
	_ =	sdelay $0x3  }
0x33: {  	p0 =	seq.s32 s10, $0x1;
	s10 =	sld [smem:$0x3FBA];
	_ =	sdelay $0x3  }
0x34: {  	[smem:$0x3FBA] =	sst s10  }
0x35: {  	s10 =	sld [smem:$0x3FB9];
	_ =	sdelay $0x3  }
0x36: {  	p1 =	seq.s32 s10, $0x1;
	s10 =	sld [smem:$0x3FBA];
	_ =	sdelay $0x3  }
0x37: {  	[smem:$0x3FBA] =	sst s10  }
0x38: {  	s10 =	sld [smem:$0x3FBB]  }
0x39: {  	_ = 	snop;
	(pc) =	sbr.ind lr, $3  }
0x3a: {  	_ = 	snop  }
0x3b: {  	_ = 	snop  }
0x3c: {  	p2 =	seq.s32 s10, $0x1;
	s10 =	sld [smem:$0x3FBA]  }
0x3d: {  	_ =	shalt  }
0x3e: {  	_ =	shalt  }
0x3f: {  	_ =	shalt  }
0x40: {  	_ =	shalt  }
0x41: {  	_ =	shalt  }
0x42: {  	_ =	shalt  }
0x43: {  	_ =	shalt  }
0x44: {  	_ =	shalt  }
0x45: {  	_ =	shalt  }
0x46: {  	_ =	shalt  }
0x47: {  	_ =	shalt  }
0x48: {  	_ =	shalt  }
0x49: {  	_ =	shalt  }
0x4a: {  	_ =	shalt  }
0x4b: {  	_ =	shalt  }
0x4c: {  	_ =	shalt  }
0x4d: {  	_ =	shalt  }
0x4e: {  	_ =	shalt  }
0x4f: {  	_ =	shalt  }
0x50: {  	_ =	shalt  }
0x51: {  	_ =	shalt  }
0x52: {  	_ =	shalt  }
0x53: {  	_ =	shalt  }
0x54: {  	_ =	shalt  }
0x55: {  	_ =	shalt  }
0x56: {  	_ =	shalt  }
0x57: {  	_ =	shalt  }
0x58: {  	_ =	shalt  }
0x59: {  	_ =	shalt  }
0x5a: {  	_ =	shalt  }
0x5b: {  	_ =	shalt  }
0x5c: {  	_ =	shalt  }
0x5d: {  	_ =	shalt  }
0x5e: {  	_ =	shalt  }
0x5f: {  	_ =	shalt  }
0x60: {  	_ =	shalt  }
0x61: {  	_ =	shalt  }
0x62: {  	_ =	shalt  }
0x63: {  	_ =	shalt  }
0x64: {  	_ =	shalt  }
0x65: {  	_ =	shalt  }
0x66: {  	_ =	shalt  }
0x67: {  	_ =	shalt  }
0x68: {  	_ =	shalt  }
0x69: {  	_ =	shalt  }
0x6a: {  	_ =	shalt  }
0x6b: {  	_ =	shalt  }
0x6c: {  	_ =	shalt  }
0x6d: {  	_ =	shalt  }
0x6e: {  	_ =	shalt  }
0x6f: {  	_ =	shalt  }
0x70: {  	_ =	shalt  }
0x71: {  	_ =	shalt  }
0x72: {  	_ =	shalt  }
0x73: {  	_ =	shalt  }
0x74: {  	_ =	shalt  }
0x75: {  	_ =	shalt  }
0x76: {  	_ =	shalt  }
0x77: {  	_ =	shalt  }
0x78: {  	_ =	shalt  }
0x79: {  	_ =	shalt  }
0x7a: {  	_ =	shalt  }
0x7b: {  	_ =	shalt  }
0x7c: {  	_ =	shalt  }
0x7d: {  	_ =	shalt  }
0x7e: {  	_ =	shalt  }
0x7f: {  	_ =	shalt  }
0x80: {  	_ =	shalt  }
0x81: {  	_ =	shalt  }
0x82: {  	_ =	shalt  }
0x83: {  	_ =	shalt  }
0x84: {  	_ =	shalt  }
0x85: {  	_ =	shalt  }
0x86: {  	_ =	shalt  }
0x87: {  	_ =	shalt  }
.Lfunc_end0:
.L_simem_size_0:
called_computation.3_lowered:
.L_overlay_start_0:
0x88: {  	s2 =	sld [smem:$0x3FD9]  }
0x89: {  	s3 =	sld [smem:$0x3FFE];
	_ =	sdelay $0x1  }
0x8a: {  	s1 =	srdreg.scid  }
0x8b: {  	s0 =	sand.u32 $0x1, s1  }
0x8c: {  	s14 =	sshll.u32 s0, $0xA;
	s2 =	sadd.s32 s3, s2  }
0x8d: {  	s2 =	sadd.s32 s2, s14  }
0x8e: {  	[smem:$0x3FC6] =	sst s2  }
0x8f: {  	_ = 	snop  }
0x90: {  	s2 =	sld [smem:$0x3FD0];
	_ =	sdelay $0x2  }
0x91: {  	s15 =	simm.s32 $0xA;
	s4 =	simm.s32 $0x10  }
0x92: {  	[smem:s4], [sflag:s15] =	dma.local [hbm:s2], $0x1  }
0x93: {  	_ =	swait.eq [sflag:s15], $0x1  }
0x94: {  	[sflag:s15] =	ssyncset.done $0x0  }
0x95: {  	[sflag:s15] =	ssyncadd.s32 $0xFFFFFFFF  }
0x96: {  	s16 =	sld [smem:$0x11];
	(tm) =	ssettm $0x1  }
0x97: {  	s17 =	sld [smem:$0x3FFB];
	_ =	sdelay $0x3  }
0x98: {  	_ =	strace s17  }
0x99: {  	s3 =	sld [smem:$0x3FFC];
	_ =	sdelay $0x3  }
0x9a: {  	_ =	strace s3  }
0x9b: {  	s3 =	sld [smem:$0x3FFD];
	_ =	sdelay $0x3  }
0x9c: {  	_ =	strace s3  }
0x9d: {  	_ =	strace $0x8FFFFFFF  }
0x9e: {  	s18 =	sld [smem:$0x3FDB];
	_ =	sdelay $0x1  }
0x9f: {  	s19 =	simm.s32 $_scs_section_size  }
0xa0: {  	s5 =	simm.s32 $_size__tile_overlayer_lowered;
	s6 =	simm.s32 $_tile_overlayer_lowered  }
0xa1: {  	s22 =	simm.s32 $0x1BFF;
	s21 =	sshll.u32 s6, $0x1;
	s3 =	sadd.s32 s19, s18  }
0xa2: {  	s7 =	simm.s32 $0x0;
	s20 =	sshll.u32 s5, $0x1;
	s5 =	sadd.s32 s21, s3  }
0xa3: {  	[timem:s7], [sflag:s22] =	dma.local [hbm:s5], s20  }
0xa4: {  	_ =	swait.ge [sflag:s22], s20  }
0xa5: {  	s4 =	ssub.s32 $0x0, s20;
	[sflag:s22] =	ssyncset.done $0x0  }
0xa6: {  	[sflag:s22] =	ssyncadd.s32 s4;
	_ =	sdelay $0x1  }
0xa7: {  	s23 =	simm.s32 $0x1B8B  }
0xa8: {  	_ =	swait.ge [sflag:s23], $0x1  }
0xa9: {  	[sflag:s23] =	ssyncset.done $0x0  }
0xaa: {  	s25 =	simm.s32 $0x1B8E;
	s24 =	sld [smem:$0x3FFE];
	[sflag:s23] =	ssyncadd.s32 $0xFFFFFFFF  }
0xab: {  	s26 =	simm.s32 $execute0_lowered;
	[smem:$0x3FD2] =	sst s25  }
0xac: {  	s5 =	sshll.u32 s26, $0x1;
	_ =	strace $0x8000004F;
	[dreg:$0x1] =	wrdreg $0xFFFFFFFF  }
0xad: {  	s28 =	simm.s32 $_size_execute0_lowered;
	s3 =	sadd.s32 s3, s5;
	[dreg:$0x0] =	wrdreg $0x0  }
0xae: {  	s5 =	sshll.u32 s28, $0x1;
	[dreg:$0x2] =	wrdreg s3  }
0xaf: {  	[dreg:$0x3] =	wrdreg s5  }
0xb0: {  	[dreg:$0x4] =	wrdreg $0xC0  }
0xb1: {  	_ =	task [dreg:s7], $0x5FFFF  }
0xb2: {  	[dreg:$0x1] =	wrdreg $0xFFFFFFFF  }
0xb3: {  	[dreg:$0x0] =	wrdreg $0x60  }
0xb4: {  	[dreg:$0x2] =	wrdreg s16  }
0xb5: {  	[dreg:$0x3] =	wrdreg s24  }
0xb6: {  	[dreg:$0x4] =	wrdreg $0x9  }
0xb7: {  	_ =	task.clear_ibuf [dreg:s7], $0x5FFFF;
	_ =	strace $0x9000004F  }
0xb8: {  	s29 =	simm.s32 $0x9;
	_ =	strace $0x80000051  }
0xb9: {  	_ =	swait.ge [sflag:s29], $0x1  }
0xba: {  	[sflag:s29] =	ssyncadd.s32 $0xFFFFFFFF  }
0xbb: {  	_ =	strace $0x90000051  }
0xbc: {  	_ =	sfence  }
0xbd: {  	s30 =	sld [smem:$0x0];
	_ =	sdelay $0x2  }
0xbe: {  	s31 =	sshll.u32 s1, $0xD;
	s1 =	sshrl.u32 s1, $0x2  }
0xbf: {  	s3 =	sand.u32 $0x4000, s31;
	s1 =	sadd.s32 s1, s30  }
0xc0: {  	s0 =	sor.u32 s3, s0;
	s1 =	sshll.u32 s1, $0x11  }
0xc1: {  	s0 =	sor.u32 s1, s0  }
0xc2: {  	s0 =	sadd.s32 $0x8F2B, s0  }
0xc3: {  	[sflag:s0] =	ssyncadd.remote.s32 $0x1  }
0xc4: {  	_ =	sfence.sel $0xFFFF  }
0xc5: {  	[dreg:$0x0] =	wrdreg $0xFFFFFFFF;
	(pc) =	sbr.abs _section_cstart, $3  }
0xc6: {  	[dreg:$0x1] =	wrdreg $0xFFFFFFFF  }
0xc7: {  	_ =	task.clear_ibuf [dreg:s7], $0x2FFFF;
	_ =	strace $0x9FFFFFFF  }
0xc8: {  	(tm) =	ssettm $0x7FFFFFFF  }
0xc9: {  	_ =	shalt  }
tec
execute0_lowered:
.L_overlay_start_1:
0x0: {  	(tag) =	ssettag $0x1  }
0x1: {  	s3 =	rddreg [dreg:$0x0]  }
0x2: {  	s4 =	rddreg [dreg:$0x1]  }
0x3: {  	s0 =	rddreg [dreg:$0x2];
	s5 =	srdreg.scid  }
0x4: {  	s2 =	simm.s32 $0x0;
	s1 =	stileid.u32;
	s8 =	simm.s32 $0x0  }
0x5: {  	s5 =	sand.u32 $0x1, s5;
	s7 =	sshll.u32 s1, $0x8;
	[smem:$0x7FF] =	sst s2  }
0x6: {  	s6 =	sshll.u32 s5, $0xC;
	s5 =	ssub.s32 $0x2, s5;
	_ =	strace $0x80000050  }
0x7: {  	s6 =	sor.u32 s7, s6;
	s31 =	sshrl.u32 s5, $0x1;
	s7 =	simm.s32 $0x1  }
0x8: {  	s4 =	sadd.s32 s6, s4;
	s5 =	ssub.s32 s5, s31;
	s3 =	sadd.s32 s3, s6  }
0x9: {  	s6 =	simm.s32 $0x800;
	s4 =	sadd.s32 $0x202C00, s4;
	s5 =	smax.u32 s5, $0x1  }
.LBB2_1:
0xa: {  	[tilespmem:s2], [sflag:$0x1] =	stream.linear.gather [hbm4b:s3+s2], $0x800, $0x38;
	[tilespmem:$0x1000] =	vst v63  }
0xb: {  	_ =	swait.ge [sflag:s7], $0x800  }
0xc: {  	[sflag:s7] =	ssyncset.done $0x0  }
0xd: {  	s9 =	simm.s32 $0x1;
	[sflag:s7] =	ssyncadd.s32 $0xFFFFF800  }
.LBB2_2:
0xe: {  	s10 =	sshll.u32 s9, $0xD  }
0xf: {  	s11 =	simm.s32 $0x0;
	s10 =	sadd.s32 s10, s3  }
0x10: {  	[tilespmem:s6], [sflag:$0x1] =	stream.linear.gather [hbm4b:s10+s11], $0x800, $0x38;
	[tilespmem:$0x1000] =	vst v63  }
0x11: {  	_ =	swait.ge [sflag:s7], $0x800  }
0x12: {  	s30 =	sand.u32 $0x70, s11;
	s11 =	sand.u32 $0x400, s11;
	[sflag:s7] =	ssyncset.done $0x0  }
0x13: {  	s10 =	sor.u32 s30, s11;
	[sflag:s7] =	ssyncadd.s32 $0xFFFFF800  }
0x14: {  	v0 =	vld [tilespmem:s10+$0x800]  }
0x15: {  	v1 =	vld [tilespmem:s10+$0x0];
	_ =	sdelay $0x2  }
0x16: {  	s31 =	simm.s32 $0x80;
	s12 =	simm.s32 $0x10  }
0x17: {  	s13 =	sand.u32 $0x70, s12;
	s11 =	sand.u32 $0x400, s31  }
0x18: {  	s15 =	sor.u32 s13, s11;
	s13 =	simm.s32 $0x100;
	s14 =	smov.u32 s10;
	v0 =	vadd.s32 v1, v0  }
.LBB2_3:
0x19: {  	p0 =	sne.s32 s13, $0x780;
	v1 =	vld [tilespmem:s15+$0x800];
	[tilespmem:s14+$0x0] =	vst v0;
	s14 =	smov.u32 s15  }
0x1a: {  	v0 =	vld [tilespmem:s14+$0x0]  }
.Ltmp0:
0x1b: {  	(pc) =	sbr.rel @p0 .LBB2_3-.Ltmp0, $4  }
0x1c: {  	_ = 	snop  }
0x1d: {  	s12 =	sadd.s32 $0x10, s12  }
0x1e: {  	s16 =	sand.u32 $0x400, s13;
	s15 =	sand.u32 $0x70, s12  }
0x1f: {  	s13 =	sadd.s32 $0x80, s13;
	s15 =	sor.u32 s15, s16;
	v0 =	vadd.s32 v0, v1  }
0x20: {  	v1 =	vld [tilespmem:s15+$0x800];
	[tilespmem:s14+$0x0] =	vst v0  }
0x21: {  	v0 =	vld [tilespmem:s15+$0x0];
	_ =	sdelay $0x4  }
0x22: {  	v0 =	vadd.s32 v0, v1  }
0x23: {  	[tilespmem:s15+$0x0] =	vst v0  }
0x24: {  	v0 =	vld [tilespmem:s10+$0x880]  }
0x25: {  	v1 =	vld [tilespmem:s10+$0x80];
	_ =	sdelay $0x2  }
0x26: {  	s12 =	simm.s32 $0x10  }
0x27: {  	s13 =	sand.u32 $0x70, s12  }
0x28: {  	s13 =	sor.u32 s13, s11;
	s11 =	simm.s32 $0x100;
	v0 =	vadd.s32 v1, v0  }
.LBB2_5:
0x29: {  	p0 =	sne.s32 s11, $0x780;
	v1 =	vld [tilespmem:s13+$0x880];
	[tilespmem:s10+$0x80] =	vst v0;
	s10 =	smov.u32 s13  }
0x2a: {  	v0 =	vld [tilespmem:s10+$0x80]  }
.Ltmp1:
0x2b: {  	(pc) =	sbr.rel @p0 .LBB2_5-.Ltmp1, $4  }
0x2c: {  	_ = 	snop  }
0x2d: {  	s12 =	sadd.s32 $0x10, s12  }
0x2e: {  	s14 =	sand.u32 $0x400, s11;
	s13 =	sand.u32 $0x70, s12  }
0x2f: {  	s11 =	sadd.s32 $0x80, s11;
	s13 =	sor.u32 s13, s14;
	v0 =	vadd.s32 v0, v1  }
0x30: {  	v1 =	vld [tilespmem:s13+$0x880];
	[tilespmem:s10+$0x80] =	vst v0  }
0x31: {  	v0 =	vld [tilespmem:s13+$0x80];
	_ =	sdelay $0x3  }
0x32: {  	s29 =	simm.s32 $0x0  }
0x33: {  	s11 =	sand.u32 $0x70, s29;
	s10 =	sand.u32 $0x400, s29;
	v0 =	vadd.s32 v0, v1  }
0x34: {  	s10 =	sor.u32 s11, s10;
	[tilespmem:s13+$0x80] =	vst v0  }
0x35: {  	v0 =	vld [tilespmem:s10+$0x900]  }
0x36: {  	v1 =	vld [tilespmem:s10+$0x100];
	_ =	sdelay $0x2  }
0x37: {  	s30 =	simm.s32 $0x80;
	s12 =	simm.s32 $0x10  }
0x38: {  	s31 =	sand.u32 $0x70, s12;
	s11 =	sand.u32 $0x400, s30  }
0x39: {  	s15 =	sor.u32 s31, s11;
	s14 =	smov.u32 s10;
	s13 =	simm.s32 $0x100;
	v0 =	vadd.s32 v1, v0  }
.LBB2_7:
0x3a: {  	p0 =	sne.s32 s13, $0x780;
	v1 =	vld [tilespmem:s15+$0x900];
	[tilespmem:s14+$0x100] =	vst v0;
	s14 =	smov.u32 s15  }
0x3b: {  	v0 =	vld [tilespmem:s14+$0x100]  }
.Ltmp2:
0x3c: {  	(pc) =	sbr.rel @p0 .LBB2_7-.Ltmp2, $4  }
0x3d: {  	_ = 	snop  }
0x3e: {  	s12 =	sadd.s32 $0x10, s12  }
0x3f: {  	s16 =	sand.u32 $0x400, s13;
	s15 =	sand.u32 $0x70, s12  }
0x40: {  	s13 =	sadd.s32 $0x80, s13;
	s15 =	sor.u32 s15, s16;
	v0 =	vadd.s32 v0, v1  }
0x41: {  	v1 =	vld [tilespmem:s15+$0x900];
	[tilespmem:s14+$0x100] =	vst v0  }
0x42: {  	v0 =	vld [tilespmem:s15+$0x100];
	_ =	sdelay $0x4  }
0x43: {  	v0 =	vadd.s32 v0, v1  }
0x44: {  	[tilespmem:s15+$0x100] =	vst v0  }
0x45: {  	v0 =	vld [tilespmem:s10+$0x980]  }
0x46: {  	v1 =	vld [tilespmem:s10+$0x180];
	_ =	sdelay $0x2  }
0x47: {  	s12 =	simm.s32 $0x10  }
0x48: {  	s13 =	sand.u32 $0x70, s12  }
0x49: {  	s13 =	sor.u32 s13, s11;
	s11 =	simm.s32 $0x100;
	v0 =	vadd.s32 v1, v0  }
.LBB2_9:
0x4a: {  	p0 =	sne.s32 s11, $0x780;
	v1 =	vld [tilespmem:s13+$0x980];
	[tilespmem:s10+$0x180] =	vst v0;
	s10 =	smov.u32 s13  }
0x4b: {  	v0 =	vld [tilespmem:s10+$0x180]  }
.Ltmp3:
0x4c: {  	(pc) =	sbr.rel @p0 .LBB2_9-.Ltmp3, $4  }
0x4d: {  	_ = 	snop  }
0x4e: {  	s12 =	sadd.s32 $0x10, s12  }
0x4f: {  	s14 =	sand.u32 $0x400, s11;
	s13 =	sand.u32 $0x70, s12  }
0x50: {  	s11 =	sadd.s32 $0x80, s11;
	s13 =	sor.u32 s13, s14;
	v0 =	vadd.s32 v0, v1  }
0x51: {  	v1 =	vld [tilespmem:s13+$0x980];
	[tilespmem:s10+$0x180] =	vst v0  }
0x52: {  	v0 =	vld [tilespmem:s13+$0x180];
	_ =	sdelay $0x3  }
0x53: {  	s29 =	simm.s32 $0x0  }
0x54: {  	s11 =	sand.u32 $0x70, s29;
	s10 =	sand.u32 $0x400, s29;
	v0 =	vadd.s32 v0, v1  }
0x55: {  	s10 =	sor.u32 s11, s10;
	[tilespmem:s13+$0x180] =	vst v0  }
0x56: {  	v0 =	vld [tilespmem:s10+$0xA00]  }
0x57: {  	v1 =	vld [tilespmem:s10+$0x200];
	_ =	sdelay $0x2  }
0x58: {  	s30 =	simm.s32 $0x80;
	s12 =	simm.s32 $0x10  }
0x59: {  	s31 =	sand.u32 $0x70, s12;
	s11 =	sand.u32 $0x400, s30  }
0x5a: {  	s15 =	sor.u32 s31, s11;
	s14 =	smov.u32 s10;
	s13 =	simm.s32 $0x100;
	v0 =	vadd.s32 v1, v0  }
.LBB2_11:
0x5b: {  	p0 =	sne.s32 s13, $0x780;
	v1 =	vld [tilespmem:s15+$0xA00];
	[tilespmem:s14+$0x200] =	vst v0;
	s14 =	smov.u32 s15  }
0x5c: {  	v0 =	vld [tilespmem:s14+$0x200]  }
.Ltmp4:
0x5d: {  	(pc) =	sbr.rel @p0 .LBB2_11-.Ltmp4, $4  }
0x5e: {  	_ = 	snop  }
0x5f: {  	s12 =	sadd.s32 $0x10, s12  }
0x60: {  	s16 =	sand.u32 $0x400, s13;
	s15 =	sand.u32 $0x70, s12  }
0x61: {  	s13 =	sadd.s32 $0x80, s13;
	s15 =	sor.u32 s15, s16;
	v0 =	vadd.s32 v0, v1  }
0x62: {  	v1 =	vld [tilespmem:s15+$0xA00];
	[tilespmem:s14+$0x200] =	vst v0  }
0x63: {  	v0 =	vld [tilespmem:s15+$0x200];
	_ =	sdelay $0x4  }
0x64: {  	v0 =	vadd.s32 v0, v1  }
0x65: {  	[tilespmem:s15+$0x200] =	vst v0  }
0x66: {  	v0 =	vld [tilespmem:s10+$0xA80]  }
0x67: {  	v1 =	vld [tilespmem:s10+$0x280];
	_ =	sdelay $0x2  }
0x68: {  	s12 =	simm.s32 $0x10  }
0x69: {  	s13 =	sand.u32 $0x70, s12  }
0x6a: {  	s13 =	sor.u32 s13, s11;
	s11 =	simm.s32 $0x100;
	v0 =	vadd.s32 v1, v0  }
.LBB2_13:
0x6b: {  	p0 =	sne.s32 s11, $0x780;
	v1 =	vld [tilespmem:s13+$0xA80];
	[tilespmem:s10+$0x280] =	vst v0;
	s10 =	smov.u32 s13  }
0x6c: {  	v0 =	vld [tilespmem:s10+$0x280]  }
.Ltmp5:
0x6d: {  	(pc) =	sbr.rel @p0 .LBB2_13-.Ltmp5, $4  }
0x6e: {  	_ = 	snop  }
0x6f: {  	s12 =	sadd.s32 $0x10, s12  }
0x70: {  	s14 =	sand.u32 $0x400, s11;
	s13 =	sand.u32 $0x70, s12  }
0x71: {  	s11 =	sadd.s32 $0x80, s11;
	s13 =	sor.u32 s13, s14;
	v0 =	vadd.s32 v0, v1  }
0x72: {  	v1 =	vld [tilespmem:s13+$0xA80];
	[tilespmem:s10+$0x280] =	vst v0  }
0x73: {  	v0 =	vld [tilespmem:s13+$0x280];
	_ =	sdelay $0x3  }
0x74: {  	s29 =	simm.s32 $0x0  }
0x75: {  	s11 =	sand.u32 $0x70, s29;
	s10 =	sand.u32 $0x400, s29;
	v0 =	vadd.s32 v0, v1  }
0x76: {  	s10 =	sor.u32 s11, s10;
	[tilespmem:s13+$0x280] =	vst v0  }
0x77: {  	v0 =	vld [tilespmem:s10+$0xB00]  }
0x78: {  	v1 =	vld [tilespmem:s10+$0x300];
	_ =	sdelay $0x2  }
0x79: {  	s30 =	simm.s32 $0x80;
	s12 =	simm.s32 $0x10  }
0x7a: {  	s31 =	sand.u32 $0x70, s12;
	s11 =	sand.u32 $0x400, s30  }
0x7b: {  	s15 =	sor.u32 s31, s11;
	s14 =	smov.u32 s10;
	s13 =	simm.s32 $0x100;
	v0 =	vadd.s32 v1, v0  }
.LBB2_15:
0x7c: {  	p0 =	sne.s32 s13, $0x780;
	v1 =	vld [tilespmem:s15+$0xB00];
	[tilespmem:s14+$0x300] =	vst v0;
	s14 =	smov.u32 s15  }
0x7d: {  	v0 =	vld [tilespmem:s14+$0x300]  }
.Ltmp6:
0x7e: {  	(pc) =	sbr.rel @p0 .LBB2_15-.Ltmp6, $4  }
0x7f: {  	_ = 	snop  }
0x80: {  	s12 =	sadd.s32 $0x10, s12  }
0x81: {  	s16 =	sand.u32 $0x400, s13;
	s15 =	sand.u32 $0x70, s12  }
0x82: {  	s13 =	sadd.s32 $0x80, s13;
	s15 =	sor.u32 s15, s16;
	v0 =	vadd.s32 v0, v1  }
0x83: {  	v1 =	vld [tilespmem:s15+$0xB00];
	[tilespmem:s14+$0x300] =	vst v0  }
0x84: {  	v0 =	vld [tilespmem:s15+$0x300];
	_ =	sdelay $0x4  }
0x85: {  	v0 =	vadd.s32 v0, v1  }
0x86: {  	[tilespmem:s15+$0x300] =	vst v0  }
0x87: {  	v0 =	vld [tilespmem:s10+$0xB80]  }
0x88: {  	v1 =	vld [tilespmem:s10+$0x380];
	_ =	sdelay $0x2  }
0x89: {  	s12 =	simm.s32 $0x10  }
0x8a: {  	s13 =	sand.u32 $0x70, s12  }
0x8b: {  	s13 =	sor.u32 s13, s11;
	s11 =	simm.s32 $0x100;
	v0 =	vadd.s32 v1, v0  }
.LBB2_17:
0x8c: {  	p0 =	sne.s32 s11, $0x780;
	v1 =	vld [tilespmem:s13+$0xB80];
	[tilespmem:s10+$0x380] =	vst v0;
	s10 =	smov.u32 s13  }
0x8d: {  	v0 =	vld [tilespmem:s10+$0x380]  }
.Ltmp7:
0x8e: {  	(pc) =	sbr.rel @p0 .LBB2_17-.Ltmp7, $4  }
0x8f: {  	_ = 	snop  }
0x90: {  	s12 =	sadd.s32 $0x10, s12  }
0x91: {  	s14 =	sand.u32 $0x400, s11;
	s13 =	sand.u32 $0x70, s12  }
0x92: {  	s11 =	sadd.s32 $0x80, s11;
	s13 =	sor.u32 s13, s14;
	v0 =	vadd.s32 v0, v1  }
0x93: {  	v1 =	vld [tilespmem:s13+$0xB80];
	[tilespmem:s10+$0x380] =	vst v0  }
0x94: {  	s9 =	sadd.s32 $0x1, s9;
	v0 =	vld [tilespmem:s13+$0x380]  }
0x95: {  	p0 =	sne.s32 s9, $0x20  }
.Ltmp8:
0x96: {  	_ = 	snop;
	(pc) =	sbr.rel @p0 .LBB2_2-.Ltmp8, $3  }
0x97: {  	_ =	sdelay $0x1  }
0x98: {  	v0 =	vadd.s32 v0, v1  }
0x99: {  	[tilespmem:s13+$0x380] =	vst v0  }
0x9a: {  	s8 =	sadd.s32 $0x1, s8  }
0x9b: {  	p0 =	sne.s32 s8, s5  }
.Ltmp9:
0x9c: {  	_ = 	snop;
	(pc) =	sbr.rel @p0 .LBB2_1-.Ltmp9, $4  }
0x9d: {  	[hbm4b:s4+s2] =	stream.linear.scatter [tilespmem:s2], [sflag:$0x1], $0x800, $0x38;
	[tilespmem:$0x1000] =	vst v63  }
0x9e: {  	_ =	swait.ge [sflag:s7], $0x800  }
0x9f: {  	[sflag:s7] =	ssyncset.done $0x0  }
0xa0: {  	[sflag:s7] =	ssyncadd.s32 $0xFFFFF800  }
0xa1: {  	_ =	sfence.sel $0x180000  }
0xa2: {  	[bflag:$0x0] =	sbarrier.arrive $0xFFFF  }
0xa3: {  	p0 =	sne.s32 s1, $0x0;
	_ =	strace $0x90000050  }
0xa4: {  	s0 =	sadd.s32 @!p0 $0x100000, s0;
	[bflag:$0x2] =	sbarrier.arrive $0xFFFF  }
0xa5: {  	[sflag:s0] =	ssyncadd.tile.s32 @!p0 $0x1;
	_ =	shalt  }
.Lfunc_end2:
_tile_overlayer_lowered:
.L_overlay_start_2:
0xa6: {  	(tag) =	ssettag $0x2  }
0xa7: {  	s0 =	rddreg [dreg:$0x0];
	s2 =	stileid.u32  }
0xa8: {  	s1 =	rddreg [dreg:$0x1];
	p0 =	sne.s32 s2, $0x0  }
0xa9: {  	s3 =	rddreg [dreg:$0x2];
	[bflag:$0x3] =	sbarrier.arrive $0xFFFF;
	s2 =	simm.s32 @!p0 $0x1C01  }
0xaa: {  	[timem:s3], [sflag:s2] =	dma.local @!p0 [hbm:s0], s1  }
0xab: {  	s0 =	simm.s32 @!p0 $0x1  }
0xac: {  	_ =	swait.ge @!p0 [sflag:s0], s1  }
0xad: {  	s1 =	ssub.s32 @!p0 $0x0, s1;
	[sflag:s0] =	ssyncset.done @!p0 $0x0  }
0xae: {  	[sflag:s0] =	ssyncadd.s32 @!p0 s1  }
0xaf: {  	[bflag:$0x3] =	sbarrier.arrive $0xFFFF  }
0xb0: {  	_ =	shalt  }

// kernel: kernel.19.cloned.1.call-start
scs
__scs_entry_jumppad:
0x0: {  	(pc) =	sbr.rel $0x88, $3  }
0x1: {  	(tag) =	ssettag $0x0;
	lr =	simm.s32 $0x1  }
0x2: {  	[smem:$0x3F9F] =	sst lr;
	_ =	strace $0xD0000000  }
0x3: {  	_ = 	snop  }
0x4: {  	_ = 	snop  }
0x5: {  	_ = 	snop  }
0x6: {  	_ = 	snop  }
0x7: {  	_ = 	snop  }
__scs_overlays_trampoline_lowered:
0x8: {  	[smem:$0x3FAE] =	sst s0  }
0x9: {  	[smem:$0x3FAF] =	sst s1  }
0xa: {  	[smem:$0x3FB0] =	sst s2  }
0xb: {  	[smem:$0x3FB1] =	sst s3  }
0xc: {  	[smem:$0x3FB2] =	sst s4  }
0xd: {  	[smem:$0x3FB3] =	sst s5  }
0xe: {  	[smem:$0x3FB4] =	sst s6  }
0xf: {  	[smem:$0x3FB5] =	sst s7  }
0x10: {  	[smem:$0x3FB6] =	sst s8  }
0x11: {  	[smem:$0x3FB7] =	sst s9;
	s0 =	simm.s32 @!p0 $0x0  }
0x12: {  	s1 =	sld [smem:$0x3F9D];
	s0 =	simm.s32 @p0 $0x1  }
0x13: {  	[smem:$0x3FB8] =	sst s0;
	s0 =	simm.s32 @!p1 $0x0  }
0x14: {  	s2 =	sld [smem:$0x3F9C];
	s0 =	simm.s32 @p1 $0x1  }
0x15: {  	[smem:$0x3FB9] =	sst s0;
	s0 =	simm.s32 @!p2 $0x0  }
0x16: {  	s3 =	sld [smem:$0x3FDB];
	s0 =	simm.s32 @p2 $0x1  }
0x17: {  	s4 =	simm.s32 $0x1BF5;
	[smem:$0x3FBB] =	sst s0  }
0x18: {  	s0 =	sld [smem:$0x3F9E];
	_ =	swait.ge [sflag:s4], $0x0  }
0x19: {  	s7 =	sld [smem:$0x3F9F]  }
0x1a: {  	s8 =	sadd.s32 $0xFFFFE003, lr  }
0x1b: {  	s9 =	sadd.s32 $0xFFFFFEF7, lr;
	s5 =	simm.s32 $0xFFFFFFFF;
	p2 =	slt.u32 s8, $0xFFFFF086  }
0x1c: {  	p1 =	slt.u32 s9, $0xF7A;
	s5 =	simm.s32 @!p2 $0x0  }
0x1d: {  	s5 =	simm.s32 @p1 $0x1;
	p0 =	seq.s32 s7, s2  }
0x1e: {  	s7 =	smul.u32 @!p0 $0xF7A, s2;
	p2 =	seq.s32 @!p0 s5, $0x0  }
0x1f: {  	s9 =	smul.u32 $0xF7A, s1;
	s8 =	simm.s32 @!p0 $0x1BF5;
	p2 =	por !p2, p0  }
0x20: {  	[sflag:s8] =	ssyncset.s32 @!p0 $0xFFFFF086;
	s6 =	sadd.s32 @!p0 s3, s7;
	s7 =	simm.s32 @!p0 $0x108  }
0x21: {  	s3 =	sadd.s32 s3, s9;
	s6 =	sadd.s32 @!p0 $0x88, s6;
	s7 =	simm.s32 @p2 $0x1082  }
0x22: {  	[simem:s7], [sflag:s8] =	dma.local @!p0 [hbm:s6], $0xF7A  }
0x23: {  	s9 =	sor.u32 $0xD0000000, s2;
	s6 =	simm.s32 $0x108;
	_ =	swait.ge @!p0 [sflag:s8], $0x0  }
0x24: {  	s3 =	sadd.s32 $0x88, s3;
	s6 =	simm.s32 @!p1 $0x1082;
	[sflag:s4] =	ssyncset.s32 $0xFFFFF086  }
0x25: {  	[simem:s6], [sflag:s4] =	dma.local [hbm:s3], $0xF7A  }
0x26: {  	[smem:$0x3F9F] =	sst s1;
	(tag) =	ssettag s2;
	_ =	strace s9  }
0x27: {  	s1 =	sld [smem:$0x3FAF]  }
0x28: {  	s2 =	sld [smem:$0x3FB0]  }
0x29: {  	s4 =	sld [smem:$0x3FB2]  }
0x2a: {  	p0 =	seq.s32 s5, $0x0;
	s5 =	sld [smem:$0x3FB3]  }
0x2b: {  	s6 =	sld [smem:$0x3FB4]  }
0x2c: {  	s7 =	sld [smem:$0x3FB5]  }
0x2d: {  	s3 =	simm.s32 $0x108;
	s8 =	sld [smem:$0x3FB6]  }
0x2e: {  	s3 =	simm.s32 @!p0 $0x1082;
	s9 =	sld [smem:$0x3FB7]  }
0x2f: {  	lr =	sadd.s32 s0, s3;
	s0 =	sld [smem:$0x3FAE]  }
0x30: {  	s3 =	sld [smem:$0x3FB1]  }
0x31: {  	[smem:$0x3FBA] =	sst s10  }
0x32: {  	s10 =	sld [smem:$0x3FB8];
	_ =	sdelay $0x3  }
0x33: {  	p0 =	seq.s32 s10, $0x1;
	s10 =	sld [smem:$0x3FBA];
	_ =	sdelay $0x3  }
0x34: {  	[smem:$0x3FBA] =	sst s10  }
0x35: {  	s10 =	sld [smem:$0x3FB9];
	_ =	sdelay $0x3  }
0x36: {  	p1 =	seq.s32 s10, $0x1;
	s10 =	sld [smem:$0x3FBA];
	_ =	sdelay $0x3  }
0x37: {  	[smem:$0x3FBA] =	sst s10  }
0x38: {  	s10 =	sld [smem:$0x3FBB]  }
0x39: {  	_ = 	snop;
	(pc) =	sbr.ind lr, $3  }
0x3a: {  	_ = 	snop  }
0x3b: {  	_ = 	snop  }
0x3c: {  	p2 =	seq.s32 s10, $0x1;
	s10 =	sld [smem:$0x3FBA]  }
0x3d: {  	_ =	shalt  }
0x3e: {  	_ =	shalt  }
0x3f: {  	_ =	shalt  }
0x40: {  	_ =	shalt  }
0x41: {  	_ =	shalt  }
0x42: {  	_ =	shalt  }
0x43: {  	_ =	shalt  }
0x44: {  	_ =	shalt  }
0x45: {  	_ =	shalt  }
0x46: {  	_ =	shalt  }
0x47: {  	_ =	shalt  }
0x48: {  	_ =	shalt  }
0x49: {  	_ =	shalt  }
0x4a: {  	_ =	shalt  }
0x4b: {  	_ =	shalt  }
0x4c: {  	_ =	shalt  }
0x4d: {  	_ =	shalt  }
0x4e: {  	_ =	shalt  }
0x4f: {  	_ =	shalt  }
0x50: {  	_ =	shalt  }
0x51: {  	_ =	shalt  }
0x52: {  	_ =	shalt  }
0x53: {  	_ =	shalt  }
0x54: {  	_ =	shalt  }
0x55: {  	_ =	shalt  }
0x56: {  	_ =	shalt  }
0x57: {  	_ =	shalt  }
0x58: {  	_ =	shalt  }
0x59: {  	_ =	shalt  }
0x5a: {  	_ =	shalt  }
0x5b: {  	_ =	shalt  }
0x5c: {  	_ =	shalt  }
0x5d: {  	_ =	shalt  }
0x5e: {  	_ =	shalt  }
0x5f: {  	_ =	shalt  }
0x60: {  	_ =	shalt  }
0x61: {  	_ =	shalt  }
0x62: {  	_ =	shalt  }
0x63: {  	_ =	shalt  }
0x64: {  	_ =	shalt  }
0x65: {  	_ =	shalt  }
0x66: {  	_ =	shalt  }
0x67: {  	_ =	shalt  }
0x68: {  	_ =	shalt  }
0x69: {  	_ =	shalt  }
0x6a: {  	_ =	shalt  }
0x6b: {  	_ =	shalt  }
0x6c: {  	_ =	shalt  }
0x6d: {  	_ =	shalt  }
0x6e: {  	_ =	shalt  }
0x6f: {  	_ =	shalt  }
0x70: {  	_ =	shalt  }
0x71: {  	_ =	shalt  }
0x72: {  	_ =	shalt  }
0x73: {  	_ =	shalt  }
0x74: {  	_ =	shalt  }
0x75: {  	_ =	shalt  }
0x76: {  	_ =	shalt  }
0x77: {  	_ =	shalt  }
0x78: {  	_ =	shalt  }
0x79: {  	_ =	shalt  }
0x7a: {  	_ =	shalt  }
0x7b: {  	_ =	shalt  }
0x7c: {  	_ =	shalt  }
0x7d: {  	_ =	shalt  }
0x7e: {  	_ =	shalt  }
0x7f: {  	_ =	shalt  }
0x80: {  	_ =	shalt  }
0x81: {  	_ =	shalt  }
0x82: {  	_ =	shalt  }
0x83: {  	_ =	shalt  }
0x84: {  	_ =	shalt  }
0x85: {  	_ =	shalt  }
0x86: {  	_ =	shalt  }
0x87: {  	_ =	shalt  }
.Lfunc_end0:
.L_simem_size_0:
called_computation.4_lowered:
.L_overlay_start_0:
0x88: {  	s2 =	sld [smem:$0x3FD9]  }
0x89: {  	s3 =	sld [smem:$0x3FFE];
	_ =	sdelay $0x1  }
0x8a: {  	s1 =	srdreg.scid  }
0x8b: {  	s0 =	sand.u32 $0x1, s1  }
0x8c: {  	s14 =	sshll.u32 s0, $0xA;
	s2 =	sadd.s32 s3, s2  }
0x8d: {  	s2 =	sadd.s32 s2, s14  }
0x8e: {  	[smem:$0x3FC6] =	sst s2  }
0x8f: {  	_ = 	snop  }
0x90: {  	s2 =	sld [smem:$0x3FD0];
	_ =	sdelay $0x2  }
0x91: {  	s15 =	simm.s32 $0xA;
	s4 =	simm.s32 $0x10  }
0x92: {  	[smem:s4], [sflag:s15] =	dma.local [hbm:s2], $0x1  }
0x93: {  	_ =	swait.eq [sflag:s15], $0x1  }
0x94: {  	s16 =	sld [smem:$0x10];
	[sflag:s15] =	ssyncset.done $0x0  }
0x95: {  	s17 =	sld [smem:$0x11];
	[sflag:s15] =	ssyncadd.s32 $0xFFFFFFFF  }
0x96: {  	s18 =	sld [smem:$0x12];
	(tm) =	ssettm $0x1  }
0x97: {  	s5 =	sld [smem:$0x3FFB];
	_ =	sdelay $0x3  }
0x98: {  	_ =	strace s5  }
0x99: {  	s5 =	sld [smem:$0x3FFC];
	_ =	sdelay $0x3  }
0x9a: {  	_ =	strace s5  }
0x9b: {  	s5 =	sld [smem:$0x3FFD];
	_ =	sdelay $0x3  }
0x9c: {  	_ =	strace s5  }
0x9d: {  	_ =	strace $0x8FFFFFFF  }
0x9e: {  	s19 =	sld [smem:$0x3FDB];
	_ =	sdelay $0x1  }
0x9f: {  	s6 =	simm.s32 $_scs_section_size  }
0xa0: {  	s7 =	simm.s32 $_size__tile_overlayer_lowered;
	s8 =	simm.s32 $_tile_overlayer_lowered  }
0xa1: {  	s22 =	simm.s32 $0x1BFF;
	s21 =	sshll.u32 s8, $0x1;
	s5 =	sadd.s32 s6, s19  }
0xa2: {  	s9 =	simm.s32 $0x0;
	s20 =	sshll.u32 s7, $0x1;
	s7 =	sadd.s32 s21, s5  }
0xa3: {  	[timem:s9], [sflag:s22] =	dma.local [hbm:s7], s20  }
0xa4: {  	_ =	swait.ge [sflag:s22], s20  }
0xa5: {  	s6 =	ssub.s32 $0x0, s20;
	[sflag:s22] =	ssyncset.done $0x0  }
0xa6: {  	[sflag:s22] =	ssyncadd.s32 s6;
	_ =	sdelay $0x1  }
0xa7: {  	s23 =	simm.s32 $0x1B8B  }
0xa8: {  	_ =	swait.ge [sflag:s23], $0x1  }
0xa9: {  	[sflag:s23] =	ssyncset.done $0x0  }
0xaa: {  	s25 =	simm.s32 $0x1B8E;
	s24 =	sld [smem:$0x3FFE];
	[sflag:s23] =	ssyncadd.s32 $0xFFFFFFFF  }
0xab: {  	s26 =	simm.s32 $execute0_lowered;
	[smem:$0x3FD2] =	sst s25  }
0xac: {  	s7 =	sshll.u32 s26, $0x1;
	_ =	strace $0x80000052;
	[dreg:$0x1] =	wrdreg $0xFFFFFFFF  }
0xad: {  	s28 =	simm.s32 $_size_execute0_lowered;
	s5 =	sadd.s32 s5, s7;
	[dreg:$0x0] =	wrdreg $0x0  }
0xae: {  	s7 =	sshll.u32 s28, $0x1;
	[dreg:$0x2] =	wrdreg s5  }
0xaf: {  	[dreg:$0x3] =	wrdreg s7  }
0xb0: {  	[dreg:$0x4] =	wrdreg $0xC0  }
0xb1: {  	_ =	task [dreg:s9], $0x5FFFF  }
0xb2: {  	[dreg:$0x1] =	wrdreg $0xFFFFFFFF  }
0xb3: {  	[dreg:$0x0] =	wrdreg $0x60  }
0xb4: {  	[dreg:$0x2] =	wrdreg s24  }
0xb5: {  	[dreg:$0x3] =	wrdreg s16  }
0xb6: {  	[dreg:$0x4] =	wrdreg s17  }
0xb7: {  	[dreg:$0x5] =	wrdreg s18  }
0xb8: {  	[dreg:$0x6] =	wrdreg $0x9  }
0xb9: {  	_ =	task.clear_ibuf [dreg:s9], $0x7FFFF;
	_ =	strace $0x90000052  }
0xba: {  	s29 =	simm.s32 $0x9;
	_ =	strace $0x80000054  }
0xbb: {  	_ =	swait.ge [sflag:s29], $0x1  }
0xbc: {  	[sflag:s29] =	ssyncadd.s32 $0xFFFFFFFF  }
0xbd: {  	_ =	strace $0x90000054  }
0xbe: {  	_ =	sfence  }
0xbf: {  	s30 =	sld [smem:$0x0];
	_ =	sdelay $0x2  }
0xc0: {  	s31 =	sshll.u32 s1, $0xD;
	s1 =	sshrl.u32 s1, $0x2  }
0xc1: {  	s3 =	sand.u32 $0x4000, s31;
	s1 =	sadd.s32 s1, s30  }
0xc2: {  	s0 =	sor.u32 s3, s0;
	s1 =	sshll.u32 s1, $0x11  }
0xc3: {  	s0 =	sor.u32 s1, s0  }
0xc4: {  	s0 =	sadd.s32 $0x8F2B, s0  }
0xc5: {  	[sflag:s0] =	ssyncadd.remote.s32 $0x1  }
0xc6: {  	_ =	sfence.sel $0xFFFF  }
0xc7: {  	[dreg:$0x0] =	wrdreg $0xFFFFFFFF;
	(pc) =	sbr.abs _section_cstart, $3  }
0xc8: {  	[dreg:$0x1] =	wrdreg $0xFFFFFFFF  }
0xc9: {  	_ =	task.clear_ibuf [dreg:s9], $0x2FFFF;
	_ =	strace $0x9FFFFFFF  }
0xca: {  	(tm) =	ssettm $0x7FFFFFFF  }
0xcb: {  	_ =	shalt  }
tec
execute0_lowered:
.L_overlay_start_1:
0x0: {  	(tag) =	ssettag $0x1  }
0x1: {  	s0 =	rddreg [dreg:$0x0];
	s4 =	simm.s32 $0x0;
	s1 =	srdreg.scid  }
0x2: {  	s5 =	stileid.u32;
	[smem:$0x7FF] =	sst s4  }
0x3: {  	s1 =	sand.u32 $0x1, s1;
	s9 =	sadd.s32 $0x1C00, s0;
	s2 =	sadd.s32 $0x201C00, s0  }
0x4: {  	s0 =	sadd.s32 $0x202C00, s0;
	_ =	strace $0x80000053;
	s30 =	ssub.s32 $0x2, s1  }
0x5: {  	[dreg:$0x6] =	wrdreg s2;
	s1 =	sshll.u32 s1, $0x4;
	s3 =	sshrl.u32 s30, $0x1  }
0x6: {  	[dreg:$0x7] =	wrdreg s0;
	s1 =	sor.u32 s5, s1;
	s31 =	ssub.s32 s30, s3  }
0x7: {  	[dreg:$0x5] =	wrdreg s9;
	p0 =	sne.s32 s1, $0x0;
	s0 =	smax.u32 s31, $0x1  }
0x8: {  	s10 =	sshll.u32 s1, $0x10;
	[dreg:$0x9] =	wrdreg s0;
	s0 =	simm.s32 @!p0 $0x0  }
0x9: {  	v0 =	vlaneseq.u32;
	[dreg:$0x8] =	wrdreg s10;
	s0 =	simm.s32 @p0 $0x1  }
0xa: {  	s12 =	simm.s32 $0x1;
	v1 =	vimm.f32 $-5.000000000e+00;
	v2 =	vimm.f32 $6.692850960e-03;
	s3 =	simm.s32 $0x0;
	vm0 =	vcmask @!p0 $0x300;
	[smem:$0x7FD] =	sst s0  }
.LBB2_1:
0xb: {  	s0 =	rddreg [dreg:$0x6];
	s1 =	simm.s32 $0x6000  }
0xc: {  	[tilespmem:s1], [sflag:$0x1] =	stream.linear.gather [hbm4b:s0+s4], $0x8000, $0x38;
	[tilespmem:$0x1E080] =	vst v63  }
0xd: {  	s29 =	simm.s32 $0xE000;
	s30 =	sand.u32 $0x7800, s4;
	_ =	swait.ge [sflag:s12], $0x8000  }
0xe: {  	s31 =	sand.u32 $0x380, s4;
	p0 =	por $0x0, $0x0;
	[sflag:s12] =	ssyncset.done $0x0  }
.Ltmp0:
0xf: {  	s28 =	rddreg [dreg:$0x7];
	[sflag:s12] =	ssyncadd.s32 $0xFFFF8000;
	(pc) =	sbr.rel @p0 .LBB2_2-.Ltmp0, $4  }
0x10: {  	[tilespmem:s29], [sflag:$0x1] =	stream.linear.gather [hbm4b:s28+s4], $0x10000, $0x38;
	[tilespmem:$0x1E080] =	vst v63  }
0x11: {  	p1 =	por $0x0, $0x0;
	p2 =	por $0x0, $0x0;
	_ =	swait.ge [sflag:s12], $0x10000  }
0x12: {  	p3 =	por $0x0, $0x0;
	s0 =	sor.u32 s31, s30;
	[sflag:s12] =	ssyncset.done $0x0  }
0x13: {  	s1 =	simm.s32 $0x100;
	[dreg:$0xa] =	wrdreg s3;
	[sflag:s12] =	ssyncadd.s32 $0xFFFF0000  }
0x14: {  	v3 =	vld [tilespmem:s0+$0x6000]  }
0x15: {  	v4 =	vld [tilespmem:s0+$0x6010]  }
0x16: {  	v5 =	vld [tilespmem:s0+$0x6020]  }
0x17: {  	v6 =	vld [tilespmem:s0+$0x6030]  }
0x18: {  	v7 =	vld [tilespmem:s0+$0x6040]  }
0x19: {  	v8 =	vld [tilespmem:s0+$0x6050]  }
0x1a: {  	v3 =	vadd.s32 v3, v4;
	v4 =	vld [tilespmem:s0+$0x6060]  }
0x1b: {  	v3 =	vadd.s32 v3, v5;
	v5 =	vld [tilespmem:s0+$0x6070]  }
0x1c: {  	v3 =	vadd.s32 v3, v6;
	v6 =	vld [tilespmem:s0+$0x6400]  }
0x1d: {  	v3 =	vadd.s32 v3, v7;
	v7 =	vld [tilespmem:s0+$0x6410]  }
0x1e: {  	p0 =	por $0x0, $0x0;
	v3 =	vadd.s32 v3, v8;
	v8 =	vld [tilespmem:s0+$0x6420]  }
.Ltmp1:
0x1f: {  	v4 =	vadd.s32 v3, v4;
	v3 =	vld [tilespmem:s0+$0x6430];
	(pc) =	sbr.rel @p0 .LBB2_4-.Ltmp1, $4  }
0x20: {  	v5 =	vadd.s32 v4, v5;
	v4 =	vld [tilespmem:s0+$0x6440]  }
0x21: {  	s2 =	simm.s32 $0x80;
	v6 =	vadd.s32 v5, v6;
	v5 =	vld [tilespmem:s0+$0x6450]  }
0x22: {  	s1 =	sand.u32 $0x7800, s1;
	s2 =	sand.u32 $0x380, s2;
	v7 =	vadd.s32 v6, v7;
	v6 =	vld [tilespmem:s0+$0x6460]  }
0x23: {  	p1 =	por $0x1, $0x1;
	s1 =	sor.u32 s2, s1;
	s2 =	simm.s32 $0x200;
	v8 =	vadd.s32 v7, v8;
	v7 =	vld [tilespmem:s0+$0x6470]  }
0x24: {  	v9 =	vld [tilespmem:s1+$0x6000]  }
0x25: {  	v10 =	vld [tilespmem:s1+$0x6010]  }
0x26: {  	v11 =	vld [tilespmem:s1+$0x6020];
	v3 =	vadd.s32 v8, v3  }
0x27: {  	v8 =	vld [tilespmem:s1+$0x6030];
	v3 =	vadd.s32 v3, v4  }
0x28: {  	v4 =	vld [tilespmem:s1+$0x6040];
	v3 =	vadd.s32 v3, v5  }
0x29: {  	v5 =	vld [tilespmem:s1+$0x6050];
	v3 =	vadd.s32 v3, v6  }
0x2a: {  	v3 =	vadd.s32 v3, v7;
	v6 =	vadd.s32 v9, v10;
	v9 =	vld [tilespmem:s1+$0x6060]  }
0x2b: {  	v7 =	vld [tilespmem:s1+$0x6070];
	(xrf0) =	vadd.scan.msk.s32 $0xffff, v3;
	v6 =	vadd.s32 v6, v11  }
0x2c: {  	v3 =	vadd.s32 v6, v8;
	v6 =	vld [tilespmem:s1+$0x6400]  }
0x2d: {  	v8 =	vld [tilespmem:s1+$0x6410];
	v3 =	vadd.s32 v3, v4  }
0x2e: {  	p0 =	por $0x0, $0x0;
	v10 =	vld [tilespmem:s1+$0x6420];
	v3 =	vadd.s32 v3, v5  }
.Ltmp2:
0x2f: {  	v4 =	vadd.s32 v3, v9;
	v3 =	vld [tilespmem:s1+$0x6430];
	(pc) =	sbr.rel @p0 .LBB2_6-.Ltmp2, $4  }
0x30: {  	v5 =	vadd.s32 v4, v7;
	v4 =	vld [tilespmem:s1+$0x6440]  }
0x31: {  	s0 =	simm.s32 $0x100;
	v7, _, _ =	vpop (xrf0);
	v6 =	vadd.s32 v5, v6;
	v5 =	vld [tilespmem:s1+$0x6450]  }
0x32: {  	s2 =	sand.u32 $0x7800, s2;
	s0 =	sand.u32 $0x380, s0;
	(v2sf) =	vpush v7, $0xF;
	v7 =	vld [tilespmem:s1+$0x6470];
	v8 =	vadd.s32 v6, v8  }
0x33: {  	p2 =	por $0x1, $0x1;
	s0 =	sor.u32 s0, s2;
	s2 =	simm.s32 $0x300;
	v6 =	vld [tilespmem:s1+$0x6460];
	v8 =	vadd.s32 v8, v10  }
0x34: {  	v9 =	vld [tilespmem:s0+$0x6000]  }
0x35: {  	v10 =	vld [tilespmem:s0+$0x6010];
	v3 =	vadd.s32 v8, v3  }
0x36: {  	v11 =	vld [tilespmem:s0+$0x6020];
	v3 =	vadd.s32 v3, v4  }
0x37: {  	v8 =	vld [tilespmem:s0+$0x6030];
	v3 =	vadd.s32 v3, v5  }
0x38: {  	v4 =	vld [tilespmem:s0+$0x6040];
	v3 =	vadd.s32 v3, v6  }
0x39: {  	v5 =	vld [tilespmem:s0+$0x6050];
	v3 =	vadd.s32 v3, v7  }
0x3a: {  	v6 =	vadd.s32 v9, v10;
	v9 =	vld [tilespmem:s0+$0x6060];
	(xrf0) =	vadd.scan.msk.s32 $0xffff, v3  }
0x3b: {  	v7 =	vld [tilespmem:s0+$0x6070];
	v6 =	vadd.s32 v6, v11  }
0x3c: {  	v3 =	vadd.s32 v6, v8  }
0x3d: {  	v6 =	vld [tilespmem:s0+$0x6400];
	v3 =	vadd.s32 v3, v4  }
0x3e: {  	v8 =	vld [tilespmem:s0+$0x6410];
	v3 =	vadd.s32 v3, v5  }
0x3f: {  	p0 =	por $0x0, $0x0;
	v10 =	vld [tilespmem:s0+$0x6420];
	v4 =	vadd.s32 v3, v9  }
.Ltmp3:
0x40: {  	v3 =	vld [tilespmem:s0+$0x6430];
	v5 =	vadd.s32 v4, v7;
	v7, _, _ =	vpop (xrf0);
	(pc) =	sbr.rel @p0 .LBB2_8-.Ltmp3, $4  }
0x41: {  	s1 =	simm.s32 $0x180;
	v4 =	vld [tilespmem:s0+$0x6440];
	s3 =	spop (v2sf);
	(v2sf) =	vpush v7, $0xF  }
0x42: {  	s2 =	sand.u32 $0x7800, s2;
	s5 =	sand.u32 $0x380, s1;
	v6 =	vadd.s32 v5, v6;
	v5 =	vld [tilespmem:s0+$0x6450]  }
0x43: {  	p3 =	por $0x1, $0x1;
	s2 =	sor.u32 s5, s2;
	v8 =	vadd.s32 v6, v8;
	v6 =	vld [tilespmem:s0+$0x6460]  }
0x44: {  	s5 =	simm.s32 $0x400;
	v7 =	vld [tilespmem:s0+$0x6470];
	[smem:s4] =	sst s3;
	v8 =	vadd.s32 v8, v10;
	s3 =	simm.s32 $0x0  }
.LBB2_9:
0x45: {  	p4 =	seq.s32 s5, $0x7F00;
	v9 =	vld [tilespmem:s2+$0x6000];
	v3 =	vadd.s32 v8, v3  }
0x46: {  	v8 =	vld [tilespmem:s2+$0x6010];
	v3 =	vadd.s32 v3, v4  }
0x47: {  	v4 =	vld [tilespmem:s2+$0x6020];
	v3 =	vadd.s32 v3, v5  }
0x48: {  	v5 =	vld [tilespmem:s2+$0x6030];
	v3 =	vadd.s32 v3, v6  }
0x49: {  	v6 =	vld [tilespmem:s2+$0x6040];
	v3 =	vadd.s32 v3, v7  }
0x4a: {  	v7 =	vld [tilespmem:s2+$0x6050];
	(xrf0) =	vadd.scan.msk.s32 $0xffff, v3  }
0x4b: {  	v3 =	vadd.s32 v9, v8;
	v8 =	vld [tilespmem:s2+$0x6060]  }
0x4c: {  	v3 =	vadd.s32 v3, v4;
	v4 =	vld [tilespmem:s2+$0x6070]  }
0x4d: {  	v3 =	vadd.s32 v3, v5;
	v5 =	vld [tilespmem:s2+$0x6400]  }
0x4e: {  	v3 =	vadd.s32 v3, v6;
	v6 =	vld [tilespmem:s2+$0x6410]  }
0x4f: {  	v3 =	vadd.s32 v3, v7;
	v7 =	vld [tilespmem:s2+$0x6420]  }
.Ltmp4:
0x50: {  	s3 =	sadd.s32 $0x1, s3;
	v8 =	vadd.s32 v3, v8;
	v3 =	vld [tilespmem:s2+$0x6430];
	v9, _, _ =	vpop (xrf0);
	s0 =	spop (v2sf);
	(pc) =	sbr.rel @!p4 .LBB2_9-.Ltmp4, $4  }
0x51: {  	v8 =	vadd.s32 v8, v4;
	v4 =	vld [tilespmem:s2+$0x6440];
	(v2sf) =	vpush v9, $0xF;
	[smem:s3] =	sst s0  }
0x52: {  	s1 =	sadd.s32 $0x80, s1;
	v8 =	vadd.s32 v8, v5;
	v5 =	vld [tilespmem:s2+$0x6450]  }
0x53: {  	s7 =	sand.u32 $0x380, s1;
	s0 =	sand.u32 $0x7800, s5;
	v8 =	vadd.s32 v8, v6;
	v6 =	vld [tilespmem:s2+$0x6460]  }
0x54: {  	s5 =	sadd.s32 $0x100, s5;
	v8 =	vadd.s32 v8, v7;
	v7 =	vld [tilespmem:s2+$0x6470];
	s2 =	sor.u32 s7, s0  }
0x55: {  	s0 =	smov.u32 s2  }
.LBB2_11:
0x56: {  	v9 =	vld [tilespmem:s0+$0x6000]  }
0x57: {  	v10 =	vld [tilespmem:s0+$0x6010]  }
0x58: {  	v11 =	vld [tilespmem:s0+$0x6020]  }
0x59: {  	v12 =	vld [tilespmem:s0+$0x6030]  }
0x5a: {  	v13 =	vld [tilespmem:s0+$0x6040]  }
0x5b: {  	v14 =	vld [tilespmem:s0+$0x6050]  }
0x5c: {  	v52 =	vld [tilespmem:s0+$0x6060];
	v9 =	vadd.s32 v9, v10  }
0x5d: {  	v53 =	vld [tilespmem:s0+$0x6070];
	v9 =	vadd.s32 v9, v11  }
0x5e: {  	v54 =	vld [tilespmem:s0+$0x6400];
	v9 =	vadd.s32 v9, v12  }
0x5f: {  	v55 =	vld [tilespmem:s0+$0x6410];
	v9 =	vadd.s32 v9, v13  }
0x60: {  	v56 =	vld [tilespmem:s0+$0x6420];
	v9 =	vadd.s32 v9, v14  }
0x61: {  	v57 =	vld [tilespmem:s0+$0x6430];
	v9 =	vadd.s32 v9, v52  }
0x62: {  	v58 =	vld [tilespmem:s0+$0x6440];
	v9 =	vadd.s32 v9, v53  }
0x63: {  	v59 =	vld [tilespmem:s0+$0x6450];
	v9 =	vadd.s32 v9, v54  }
0x64: {  	v3 =	vadd.s32 @p1 v8, v3;
	v61 =	vld [tilespmem:s0+$0x6460];
	v60 =	vadd.s32 v9, v55  }
0x65: {  	v63 =	vld [tilespmem:s0+$0x6470];
	v3 =	vadd.s32 @p1 v3, v4;
	v62 =	vadd.s32 v60, v56  }
0x66: {  	v3 =	vadd.s32 @p1 v3, v5;
	v4 =	vadd.s32 v62, v57  }
0x67: {  	v3 =	vadd.s32 @p1 v3, v6;
	v4 =	vadd.s32 v4, v58  }
0x68: {  	v3 =	vadd.s32 @p1 v3, v7;
	v4 =	vadd.s32 v4, v59  }
0x69: {  	(xrf0) =	vadd.scan.msk.s32 @p1 $0xffff, v3;
	v3 =	vadd.s32 v4, v61  }
0x6a: {  	v3 =	vadd.s32 v3, v63  }
0x6b: {  	(xrf0) =	vadd.scan.msk.s32 $0xffff, v3;
	_ =	sdelay $0x3  }
0x6c: {  	v3, _, _ =	vpop @p1 (xrf0)  }
0x6d: {  	(v2sf) =	vpush @p1 v3, $0xF  }
0x6e: {  	v3, _, _ =	vpop (xrf0)  }
0x6f: {  	(v2sf) =	vpush v3, $0xF;
	_ =	sdelay $0x9  }
0x70: {  	s0 =	sadd.s32 @p3 $0x1, s3;
	s1 =	simm.s32 $0x0  }
0x71: {  	s1 =	smov.u32 @p3 s0;
	s2 =	spop @p2 (v2sf)  }
0x72: {  	s0 =	sadd.s32 @p2 $0x1, s1;
	[smem:s1] =	sst @p2 s2;
	s1 =	simm.s32 $0x0  }
0x73: {  	s1 =	smov.u32 @p2 s0;
	s2 =	spop @p1 (v2sf)  }
0x74: {  	s0 =	sadd.s32 @p1 $0x1, s1;
	[smem:s1] =	sst @p1 s2;
	s1 =	simm.s32 $0x0  }
0x75: {  	s1 =	smov.u32 @p1 s0;
	s30 =	spop (v2sf)  }
0x76: {  	[smem:s1] =	sst s30  }
0x77: {  	s31 =	sld [smem:$0x7F]  }
0x78: {  	s7 =	simm.s32 $0x7E  }
0x79: {  	s5 =	simm.s32 $0x0;
	s17 =	simm.s32 $0x0;
	s8 =	simm.s32 $0x0  }
0x7a: {  	p2 =	por $0x1, $0x1;
	s2 =	simm.s32 $0x7E;
	s3 =	sadd.s32 $0x0, s31  }
0x7b: {  	s0 =	simm.s32 $0x0;
	s1 =	simm.s32 $0x7F;
	p1 =	sgt.s32 s3, $0x28F5B  }
.LBB2_12:
0x7c: {  	s10 =	sld [smem:s7+$0x0]  }
0x7d: {  	p2 =	por !p2, !p1;
	s11 =	smov.u32 s2;
	p0 =	seq.s32 s2, $0x0  }
.Ltmp5:
0x7e: {  	s2 =	sadd.s32 $0xFFFFFFFF, s2;
	p2 =	por !p2, !p2;
	(pc) =	sbr.rel @!p0 .LBB2_12-.Ltmp5, $4  }
0x7f: {  	s0 =	smov.u32 @p2 s1;
	s17 =	smov.u32 @p2 s5;
	s1 =	smov.u32 s11  }
0x80: {  	s5 =	smov.u32 s3  }
0x81: {  	s8 =	simm.s32 @p1 $0x1;
	s3 =	sadd.s32 s3, s10  }
0x82: {  	s7 =	sadd.s32 $0xFFFFFFFF, s7;
	p2 =	seq.s32 s8, $0x0;
	p1 =	sgt.s32 s3, $0x28F5B  }
0x83: {  	p0 =	por !p2, !p1  }
0x84: {  	p0 =	por !p0, !p0  }
0x85: {  	s0 =	smov.u32 @p0 s1  }
0x86: {  	s1 =	sshll.u32 s0, $0x8;
	s0 =	sshll.u32 s0, $0x7  }
0x87: {  	s2 =	sand.u32 $0x7800, s1;
	s0 =	sand.u32 $0x380, s0  }
0x88: {  	s7 =	simm.s32 $0x780;
	s0 =	sor.u32 s0, s2  }
0x89: {  	s8 =	simm.s32 $0xF0;
	s22 =	sadd.s32 $0x6000, s0;
	s0 =	sand.u32 $0x400, s7  }
0x8a: {  	s20 =	sor.u32 $0x800000EF, s1;
	s1 =	sand.u32 $0x70, s8;
	s0 =	sadd.s32 s0, s22  }
0x8b: {  	s0 =	sadd.s32 s1, s0  }
0x8c: {  	v3 =	vld [tilespmem:s0+$0x0];
	_ =	sdelay $0x2  }
0x8d: {  	s9 =	simm.s32 $0x700  }
0x8e: {  	s10 =	simm.s32 $0xE0;
	s0 =	sand.u32 $0x400, s9  }
0x8f: {  	s1 =	sand.u32 $0x70, s10;
	s0 =	sadd.s32 s0, s22;
	(xrf0) =	vadd.scan.msk.s32 $0xffff, v3  }
0x90: {  	s0 =	sadd.s32 s1, s0  }
0x91: {  	v4 =	vld [tilespmem:s0+$0x0];
	_ =	sdelay $0x3  }
0x92: {  	v5, _, _ =	vpop (xrf0)  }
0x93: {  	s17 =	smov.u32 @p0 s5;
	(xrf0) =	vadd.scan.msk.s32 $0xffff, v4;
	(v2sf) =	vpush v5, $0xF  }
0x94: {  	v3 =	vadd.s32 s17, v3;
	v6 =	vbroadcast v5, $0xF  }
0x95: {  	v3 =	vsub.s32 v3, v5  }
0x96: {  	v3 =	vadd.s32 v6, v3  }
0x97: {  	vm1 =	vgt.s32 v3, $0x28F5B  }
0x98: {  	v3 =	vmpcnt.ones.xlane vm1  }
0x99: {  	v7, _, _ =	vpop (xrf0)  }
0x9a: {  	(v2sf) =	vpush v7, $0xF;
	v3 =	vxor.u32 $0x80000000, v3  }
0x9b: {  	s11 =	simm.s32 $0x680;
	(xrf0) =	vmax.scan.msk.u32 $0xffff, v3  }
0x9c: {  	s13 =	simm.s32 $0xD0;
	s0 =	sand.u32 $0x400, s11  }
0x9d: {  	s1 =	sand.u32 $0x70, s13;
	s0 =	sadd.s32 s0, s22  }
0x9e: {  	s0 =	sadd.s32 s1, s0  }
0x9f: {  	v3 =	vld [tilespmem:s0+$0x0];
	_ =	sdelay $0x1  }
0xa0: {  	v6, _, _ =	vpop (xrf0)  }
0xa1: {  	(v2sf) =	vpush v6, $0xF;
	s14 =	spop (v2sf)  }
0xa2: {  	s13 =	sadd.s32 s17, s14  }
0xa3: {  	(xrf0) =	vadd.scan.msk.s32 $0xffff, v3;
	v6 =	vbroadcast v7, $0xF;
	v4 =	vadd.s32 s13, v4  }
0xa4: {  	s15 =	simm.s32 $0x600;
	v4 =	vsub.s32 v4, v7  }
0xa5: {  	s16 =	simm.s32 $0xC0;
	s0 =	sand.u32 $0x400, s15;
	v4 =	vadd.s32 v6, v4  }
0xa6: {  	s1 =	sand.u32 $0x70, s16;
	s0 =	sadd.s32 s0, s22;
	vm1 =	vgt.s32 v4, $0x28F5B  }
0xa7: {  	s0 =	sadd.s32 s1, s0;
	v4 =	vmpcnt.ones.xlane vm1  }
0xa8: {  	s18 =	spop (v2sf);
	v6 =	vld [tilespmem:s0+$0x0]  }
0xa9: {  	v8, _, _ =	vpop (xrf0);
	s21 =	sadd.s32 s13, s18;
	v4 =	vxor.u32 $0x80000000, v4  }
0xaa: {  	(v2sf) =	vpush v8, $0xF;
	v3 =	vadd.s32 s21, v3;
	(xrf0) =	vmax.scan.msk.u32 $0xffff, v4;
	v4 =	vbroadcast v8, $0xF  }
0xab: {  	v3 =	vsub.s32 v3, v8  }
0xac: {  	v3 =	vadd.s32 v4, v3  }
0xad: {  	(xrf0) =	vadd.scan.msk.s32 $0xffff, v6;
	vm1 =	vgt.s32 v3, $0x28F5B  }
0xae: {  	v3 =	vmpcnt.ones.xlane vm1;
	_ =	sdelay $0x1  }
0xaf: {  	s19 =	spop (v2sf);
	v4, _, _ =	vpop (xrf0);
	v3 =	vxor.u32 $0x80000000, v3  }
0xb0: {  	s3 =	sadd.s32 $0x7FFFFFFF, s19;
	(v2sf) =	vpush v4, $0xF  }
0xb1: {  	v4 =	vmov s3  }
0xb2: {  	(xrf0) =	vmax.scan.msk.u32 $0xffff, v3;
	vm1 =	veq.s32 v4, v0;
	v3, _, _ =	vpop (xrf0)  }
0xb3: {  	v4 =	vnsel vm1, $0x0, v5;
	(v2sf) =	vpush v3, $0xF  }
0xb4: {  	s5 =	simm.s32 $0x580;
	(xrf0) =	vadd.scan.msk.s32 $0xffff, v4  }
0xb5: {  	s6 =	simm.s32 $0xB0;
	s0 =	sand.u32 $0x400, s5  }
0xb6: {  	s2 =	sand.u32 $0x70, s6;
	s0 =	sadd.s32 s0, s22  }
0xb7: {  	s0 =	sadd.s32 s2, s0  }
0xb8: {  	v5 =	vld [tilespmem:s0+$0x0];
	s7 =	spop (v2sf)  }
0xb9: {  	s24 =	sadd.s32 s21, s7;
	v4, _, _ =	vpop (xrf0)  }
0xba: {  	v9 =	vbroadcast v3, $0xF;
	v6 =	vadd.s32 s24, v6;
	(v2sf) =	vpush v4, $0xF;
	v4, _, _ =	vpop (xrf0)  }
0xbb: {  	(v2sf) =	vpush v4, $0xF;
	v4 =	vsub.s32 v6, v3  }
0xbc: {  	v4 =	vadd.s32 v9, v4  }
0xbd: {  	(xrf0) =	vadd.scan.msk.s32 $0xffff, v5;
	vm1 =	vgt.s32 v4, $0x28F5B  }
0xbe: {  	v4 =	vmpcnt.ones.xlane vm1  }
0xbf: {  	s8 =	simm.s32 $0x500;
	s28 =	spop (v2sf)  }
0xc0: {  	s9 =	simm.s32 $0xA0;
	s0 =	sand.u32 $0x400, s8;
	v4 =	vxor.u32 $0x80000000, v4;
	s10 =	sadd.s32 $0x7FFFFFFF, s28  }
0xc1: {  	s2 =	sand.u32 $0x70, s9;
	s0 =	sadd.s32 s0, s22;
	v9 =	vmov s10  }
0xc2: {  	s0 =	sadd.s32 s2, s0;
	vm1 =	veq.s32 v9, v0;
	s11 =	spop (v2sf)  }
0xc3: {  	v6 =	vld [tilespmem:s0+$0x0];
	(xrf0) =	vmax.scan.msk.u32 $0xffff, v4;
	v4, _, _ =	vpop (xrf0);
	v7 =	vnsel vm1, $0x0, v7;
	s0 =	sadd.s32 s24, s11  }
0xc4: {  	(v2sf) =	vpush v4, $0xF;
	(xrf0) =	vadd.scan.msk.s32 $0xffff, v7;
	v7 =	vbroadcast v4, $0xF;
	v5 =	vadd.s32 s0, v5  }
0xc5: {  	v5 =	vsub.s32 v5, v4  }
0xc6: {  	v5 =	vadd.s32 v7, v5;
	_ =	sdelay $0x1  }
0xc7: {  	s29 =	simm.s32 $0xFFFFFFD0;
	(xrf0) =	vadd.scan.msk.s32 $0xffff, v6  }
0xc8: {  	s25 =	simm.s32 $0xFFFFFFC0;
	s26 =	simm.s32 $0xFFFFFFB0;
	s23 =	simm.s32 $0xFFFFFFA0;
	vm1 =	vgt.s32 v5, $0x28F5B;
	v5, _, _ =	vpop (xrf0)  }
0xc9: {  	p6 =	por $0x1, $0x1;
	s31 =	simm.s32 $0x0;
	s14 =	sadd.s32 s19, s20;
	(v2sf) =	vpush v5, $0xF;
	v5, _, _ =	vpop (xrf0)  }
0xca: {  	s16 =	simm.s32 $0x480;
	p1 =	sgt.u32 s19, $0x80000000;
	s3 =	sadd.s32 $0x0, s14;
	(v2sf) =	vpush v5, $0xF  }
0xcb: {  	p0 =	por !p6, !p1;
	s7 =	simm.s32 $0x90;
	s2 =	sand.u32 $0x400, s16  }
0xcc: {  	s7 =	sand.u32 $0x70, s7;
	s2 =	sadd.s32 s2, s22;
	s5 =	spop (v2sf);
	v7 =	vmpcnt.ones.xlane vm1  }
0xcd: {  	p2 =	por !p0, !p0;
	s18 =	sadd.s32 s7, s2;
	s8 =	sadd.s32 $0x7FFFFFFF, s5;
	v5, _, _ =	vpop (xrf0)  }
0xce: {  	s7 =	simm.s32 $0x400;
	s15 =	sadd.s32 s28, s20;
	s10 =	sadd.s32 s5, s20;
	v9 =	vmov s8;
	v7 =	vxor.u32 $0x80000000, v7;
	(v2sf) =	vpush v5, $0xF  }
0xcf: {  	s30 =	sadd.s32 $0xFFFFFFF0, s15;
	s11 =	sadd.s32 $0xFFFFFFE0, s10;
	vm1 =	veq.s32 v9, v0;
	s19 =	spop (v2sf);
	(xrf0) =	vmax.scan.msk.u32 $0xffff, v7;
	v7 =	vld [tilespmem:s18+$0x0]  }
0xd0: {  	v8 =	vnsel vm1, $0x0, v8;
	s8 =	ssub.s32 s13, s19;
	s13 =	smov.u32 s0;
	s18 =	simm.s32 $0x0  }
.LBB2_14:
0xd1: {  	p3 =	sne.s32 s7, $0x0  }
0xd2: {  	s1 =	spop (v2sf);
	(xrf0) =	vadd.scan.msk.s32 $0xffff, v8;
	s17 =	smov.u32 @p2 s8;
	s18 =	smov.u32 @p2 s3  }
0xd3: {  	s2 =	smov.u32 s29;
	s0 =	sadd.s32 s0, s1;
	s1 =	smov.u32 s21  }
0xd4: {  	v8 =	vbroadcast v5, $0xF;
	s21 =	smov.u32 s24;
	s24 =	smov.u32 s13;
	(xrf0) =	vadd.scan.msk.s32 $0xffff, v7;
	v10 =	vadd.s32 s0, v6;
	v6 =	vmov v7;
	s13 =	smov.u32 s0  }
0xd5: {  	s29 =	smov.u32 s25;
	s25 =	smov.u32 s26;
	s26 =	smov.u32 s23;
	v7 =	vsub.s32 v10, v5;
	v9, _, _ =	vpop (xrf0)  }
0xd6: {  	s8 =	smov.u32 s28;
	s28 =	smov.u32 s5;
	s23 =	sadd.s32 $0xFFFFFFF0, s23;
	v7 =	vadd.s32 v8, v7;
	(v2sf) =	vpush v9, $0xF  }
0xd7: {  	s3 =	smov.u32 s30;
	s30 =	smov.u32 s11;
	s10 =	sand.u32 $0x400, s7;
	vm1 =	vgt.s32 v7, $0x28F5B  }
0xd8: {  	s5 =	sadd.s32 $0xF0, s23;
	s10 =	sadd.s32 s10, s22;
	v7 =	vmpcnt.ones.xlane vm1;
	v8, _, _ =	vpop (xrf0)  }
.Ltmp6:
0xd9: {  	s11 =	sand.u32 $0x70, s5;
	s5 =	spop (v2sf);
	(v2sf) =	vpush v8, $0xF;
	(pc) =	sbr.rel @p3 .LBB2_14-.Ltmp6, $4  }
0xda: {  	s31 =	simm.s32 @p1 $0x1;
	s10 =	sadd.s32 s11, s10;
	v8 =	vxor.u32 $0x80000000, v7;
	s11 =	sadd.s32 $0x7FFFFFFF, s5;
	v9, _, _ =	vpop (xrf0)  }
0xdb: {  	p0 =	seq.s32 s31, $0x0;
	p1 =	sgt.u32 s8, $0x80000000;
	v7 =	vld [tilespmem:s10+$0x0];
	(v2sf) =	vpush v9, $0xF;
	(xrf0) =	vmax.scan.msk.u32 $0xffff, v8;
	v8 =	vmov s11;
	s10 =	sadd.s32 s5, s20  }
0xdc: {  	p0 =	por !p0, !p1;
	vm1 =	veq.s32 v8, v0;
	s11 =	sadd.s32 s2, s10;
	s2 =	spop (v2sf)  }
0xdd: {  	s7 =	sadd.s32 $0xFFFFFF80, s7;
	p2 =	por !p0, !p0;
	v8 =	vnsel vm1, $0x0, v3;
	s8 =	ssub.s32 s1, s2;
	v3 =	vmovc v4;
	v4 =	vmov v5;
	v5 =	vmov v9  }
0xde: {  	_ =	sdelay $0x5  }
0xdf: {  	(xrf0) =	vadd.scan.msk.s32 $0xffff, v8  }
0xe0: {  	(xrf0) =	vadd.scan.msk.s32 $0xffff, v7  }
0xe1: {  	s1 =	spop (v2sf)  }
0xe2: {  	s22 =	sadd.s32 s0, s1  }
0xe3: {  	v9 =	vbroadcast v5, $0xF;
	v6 =	vadd.s32 s22, v6;
	s7 =	spop (v2sf)  }
0xe4: {  	v56, _, _ =	vpop (xrf0);
	v6 =	vsub.s32 v6, v5;
	s1 =	spop (v2sf)  }
0xe5: {  	v6 =	vadd.s32 v9, v6;
	v10, _, _ =	vpop (xrf0);
	s16 =	spop (v2sf)  }
0xe6: {  	vm1 =	vgt.s32 v6, $0x28F5B;
	v11, _, _ =	vpop (xrf0);
	s0 =	sadd.s32 s22, s16  }
0xe7: {  	v60 =	vmpcnt.ones.xlane vm1;
	v57 =	vbroadcast v11, $0xF;
	v58 =	vadd.s32 s0, v7  }
0xe8: {  	v59 =	vsub.s32 v58, v11  }
0xe9: {  	s2 =	sadd.s32 $0x7FFFFFFF, s7;
	v7 =	vxor.u32 $0x80000000, v60;
	v6 =	vadd.s32 v57, v59  }
0xea: {  	v61 =	vmov s2;
	(xrf0) =	vmax.scan.msk.u32 $0xffff, v7;
	vm1 =	vgt.s32 v6, $0x28F5B  }
0xeb: {  	v6 =	vmpcnt.ones.xlane vm1;
	vm1 =	veq.s32 v61, v0  }
0xec: {  	v3 =	vnsel vm1, $0x0, v3  }
0xed: {  	(v2sf) =	vpush v56, $0xF;
	(xrf0) =	vadd.scan.msk.s32 $0xffff, v3;
	v3 =	vxor.u32 $0x80000000, v6  }
0xee: {  	(xrf0) =	vmax.scan.msk.u32 $0xffff, v3  }
0xef: {  	(v2sf) =	vpush v10, $0xF  }
0xf0: {  	(v2sf) =	vpush v11, $0xF;
	v3, _, _ =	vpop (xrf0)  }
0xf1: {  	(v2sf) =	vpush v3, $0xF;
	_ =	sdelay $0x1  }
0xf2: {  	v3, _, _ =	vpop (xrf0)  }
0xf3: {  	(v2sf) =	vpush v3, $0xF;
	v3, _, _ =	vpop (xrf0)  }
0xf4: {  	(v2sf) =	vpush v3, $0xF;
	_ =	sdelay $0x6  }
0xf5: {  	s16 =	spop (v2sf)  }
0xf6: {  	s19 =	sadd.s32 $0x7FFFFFFF, s16  }
0xf7: {  	v3 =	vmov s19;
	s19 =	spop (v2sf)  }
0xf8: {  	s14 =	spop (v2sf)  }
0xf9: {  	vm1 =	veq.s32 v3, v0;
	s10 =	spop (v2sf)  }
0xfa: {  	v3 =	vnsel vm1, $0x0, v4;
	s6 =	sadd.s32 $0x7FFFFFFF, s10  }
0xfb: {  	(xrf0) =	vadd.scan.msk.s32 $0xffff, v3;
	v3 =	vmov s6  }
0xfc: {  	s15 =	spop (v2sf);
	vm1 =	veq.s32 v3, v0  }
0xfd: {  	s2 =	spop (v2sf);
	v62 =	vnsel vm1, $0x0, v5  }
0xfe: {  	s6 =	sadd.s32 $0x7FFFFFFF, s2;
	(xrf0) =	vadd.scan.msk.s32 $0xffff, v62  }
0xff: {  	v3 =	vmov s6  }
0x100: {  	vm1 =	veq.s32 v3, v0  }
0x101: {  	v3 =	vnsel vm1, $0x0, v11  }
0x102: {  	v63, _, _ =	vpop (xrf0)  }
0x103: {  	(v2sf) =	vpush v63, $0xF;
	(xrf0) =	vadd.scan.msk.s32 $0xffff, v3  }
0x104: {  	s17 =	smov.u32 @p2 s8;
	s31 =	simm.s32 @p1 $0x1;
	p0 =	sgt.u32 s28, $0x80000000;
	v3, _, _ =	vpop (xrf0)  }
0x105: {  	s18 =	smov.u32 @p2 s3;
	p1 =	seq.s32 s31, $0x0;
	s31 =	simm.s32 @p0 $0x1;
	(v2sf) =	vpush v3, $0xF  }
0x106: {  	p1 =	por !p1, !p0;
	p0 =	sgt.u32 s5, $0x80000000;
	p6 =	seq.s32 s31, $0x0  }
0x107: {  	p1 =	por !p1, !p1;
	p3 =	por !p6, !p0;
	s31 =	simm.s32 @p0 $0x1  }
0x108: {  	p0 =	seq.s32 s31, $0x0;
	s9 =	sadd.s32 s7, s20;
	p2 =	sgt.u32 s7, $0x80000000  }
0x109: {  	s18 =	smov.u32 @p1 s30;
	s3 =	sadd.s32 s29, s9;
	p0 =	por !p0, !p2;
	v3, _, _ =	vpop (xrf0)  }
0x10a: {  	s31 =	simm.s32 @p2 $0x1;
	p0 =	por !p0, !p0;
	s1 =	ssub.s32 s21, s1;
	(v2sf) =	vpush v3, $0xF  }
0x10b: {  	p4 =	seq.s32 s31, $0x0;
	s17 =	smov.u32 @p1 s1;
	p1 =	por !p3, !p3  }
0x10c: {  	p3 =	por $0x0, $0x0;
	s18 =	smov.u32 @p1 s11;
	p2 =	sgt.u32 s16, $0x80000000  }
0x10d: {  	s31 =	simm.s32 @p2 $0x1;
	s1 =	ssub.s32 s24, s19;
	s19 =	sadd.s32 s16, s20  }
0x10e: {  	s18 =	smov.u32 @p0 s3;
	p5 =	seq.s32 s31, $0x0;
	s5 =	sadd.s32 s25, s19  }
0x10f: {  	s17 =	smov.u32 @p1 s1;
	s21 =	sadd.s32 s0, s14;
	p1 =	por !p4, !p2  }
0x110: {  	p2 =	por $0x0, $0x0;
	s24 =	sadd.s32 s10, s20;
	s7 =	ssub.s32 s13, s15  }
0x111: {  	s17 =	smov.u32 @p0 s7;
	p0 =	por !p1, !p1;
	p1 =	sgt.u32 s10, $0x80000000  }
0x112: {  	p6 =	sgt.u32 s2, $0x80000000;
	s7 =	simm.s32 $0x0;
	s25 =	spop (v2sf)  }
0x113: {  	s6 =	sadd.s32 s26, s24;
	s18 =	smov.u32 @p0 s5;
	s3 =	ssub.s32 s22, s25  }
0x114: {  	s17 =	smov.u32 @p0 s3;
	p0 =	por !p5, !p1;
	s28 =	spop (v2sf)  }
0x115: {  	s31 =	simm.s32 @p1 $0x1;
	p0 =	por !p0, !p0;
	s0 =	ssub.s32 s0, s28  }
0x116: {  	s18 =	smov.u32 @p0 s6;
	s17 =	smov.u32 @p0 s0;
	p0 =	por $0x0, $0x0  }
.Ltmp7:
0x117: {  	s26 =	sadd.s32 s2, s20;
	p1 =	seq.s32 s31, $0x0;
	(pc) =	sbr.rel @p0 .LBB2_16-.Ltmp7, $4  }
0x118: {  	s30 =	sand.u32 $0xF800, s7;
	s1 =	sadd.s32 s23, s26;
	p1 =	por !p1, !p6  }
0x119: {  	s31 =	sand.u32 $0x380, s7;
	p1 =	por !p1, !p1;
	s29 =	spop (v2sf)  }
0x11a: {  	s18 =	smov.u32 @p1 s1;
	s1 =	simm.s32 $0x100;
	s0 =	ssub.s32 s21, s29  }
0x11b: {  	s17 =	smov.u32 @p1 s0;
	s0 =	sor.u32 s31, s30;
	p1 =	por $0x0, $0x0  }
0x11c: {  	v3 =	vld [tilespmem:s0+$0xE000]  }
0x11d: {  	v4 =	vld [tilespmem:s0+$0xE010]  }
0x11e: {  	v5 =	vld [tilespmem:s0+$0xE020]  }
0x11f: {  	v6 =	vld [tilespmem:s0+$0xE030]  }
0x120: {  	v7 =	vld [tilespmem:s0+$0xE040]  }
0x121: {  	v8 =	vld [tilespmem:s0+$0xE050]  }
0x122: {  	v3 =	vadd.s32 v3, v4;
	v4 =	vld [tilespmem:s0+$0xE060]  }
0x123: {  	v3 =	vadd.s32 v3, v5;
	v5 =	vld [tilespmem:s0+$0xE070]  }
0x124: {  	v3 =	vadd.s32 v3, v6;
	v6 =	vld [tilespmem:s0+$0xE400]  }
0x125: {  	v3 =	vadd.s32 v3, v7;
	v7 =	vld [tilespmem:s0+$0xE410]  }
0x126: {  	p0 =	por $0x0, $0x0;
	v3 =	vadd.s32 v3, v8;
	v8 =	vld [tilespmem:s0+$0xE420]  }
.Ltmp8:
0x127: {  	v4 =	vadd.s32 v3, v4;
	v3 =	vld [tilespmem:s0+$0xE430];
	(pc) =	sbr.rel @p0 .LBB2_18-.Ltmp8, $4  }
0x128: {  	v5 =	vadd.s32 v4, v5;
	v4 =	vld [tilespmem:s0+$0xE440]  }
0x129: {  	s2 =	simm.s32 $0x80;
	v6 =	vadd.s32 v5, v6;
	v5 =	vld [tilespmem:s0+$0xE450]  }
0x12a: {  	s1 =	sand.u32 $0xF800, s1;
	s2 =	sand.u32 $0x380, s2;
	v7 =	vadd.s32 v6, v7;
	v6 =	vld [tilespmem:s0+$0xE460]  }
0x12b: {  	p1 =	por $0x1, $0x1;
	s1 =	sor.u32 s2, s1;
	s2 =	simm.s32 $0x200;
	v8 =	vadd.s32 v7, v8;
	v7 =	vld [tilespmem:s0+$0xE470]  }
0x12c: {  	v9 =	vld [tilespmem:s1+$0xE000]  }
0x12d: {  	v10 =	vld [tilespmem:s1+$0xE010]  }
0x12e: {  	v11 =	vld [tilespmem:s1+$0xE020];
	v3 =	vadd.s32 v8, v3  }
0x12f: {  	v8 =	vld [tilespmem:s1+$0xE030];
	v3 =	vadd.s32 v3, v4  }
0x130: {  	v4 =	vld [tilespmem:s1+$0xE040];
	v3 =	vadd.s32 v3, v5  }
0x131: {  	v5 =	vld [tilespmem:s1+$0xE050];
	v3 =	vadd.s32 v3, v6  }
0x132: {  	v3 =	vadd.s32 v3, v7;
	v6 =	vadd.s32 v9, v10;
	v9 =	vld [tilespmem:s1+$0xE060]  }
0x133: {  	v7 =	vld [tilespmem:s1+$0xE070];
	(xrf0) =	vadd.scan.msk.s32 $0xffff, v3;
	v6 =	vadd.s32 v6, v11  }
0x134: {  	v3 =	vadd.s32 v6, v8;
	v6 =	vld [tilespmem:s1+$0xE400]  }
0x135: {  	v8 =	vld [tilespmem:s1+$0xE410];
	v3 =	vadd.s32 v3, v4  }
0x136: {  	p0 =	por $0x0, $0x0;
	v10 =	vld [tilespmem:s1+$0xE420];
	v3 =	vadd.s32 v3, v5  }
.Ltmp9:
0x137: {  	v4 =	vadd.s32 v3, v9;
	v3 =	vld [tilespmem:s1+$0xE430];
	(pc) =	sbr.rel @p0 .LBB2_20-.Ltmp9, $4  }
0x138: {  	v5 =	vadd.s32 v4, v7;
	v4 =	vld [tilespmem:s1+$0xE440]  }
0x139: {  	s0 =	simm.s32 $0x100;
	v7, _, _ =	vpop (xrf0);
	v6 =	vadd.s32 v5, v6;
	v5 =	vld [tilespmem:s1+$0xE450]  }
0x13a: {  	s2 =	sand.u32 $0xF800, s2;
	s0 =	sand.u32 $0x380, s0;
	(v2sf) =	vpush v7, $0xF;
	v7 =	vld [tilespmem:s1+$0xE470];
	v8 =	vadd.s32 v6, v8  }
0x13b: {  	p2 =	por $0x1, $0x1;
	s0 =	sor.u32 s0, s2;
	s2 =	simm.s32 $0x300;
	v6 =	vld [tilespmem:s1+$0xE460];
	v8 =	vadd.s32 v8, v10  }
0x13c: {  	v9 =	vld [tilespmem:s0+$0xE000]  }
0x13d: {  	v10 =	vld [tilespmem:s0+$0xE010];
	v3 =	vadd.s32 v8, v3  }
0x13e: {  	v11 =	vld [tilespmem:s0+$0xE020];
	v3 =	vadd.s32 v3, v4  }
0x13f: {  	v8 =	vld [tilespmem:s0+$0xE030];
	v3 =	vadd.s32 v3, v5  }
0x140: {  	v4 =	vld [tilespmem:s0+$0xE040];
	v3 =	vadd.s32 v3, v6  }
0x141: {  	v5 =	vld [tilespmem:s0+$0xE050];
	v3 =	vadd.s32 v3, v7  }
0x142: {  	v6 =	vadd.s32 v9, v10;
	v9 =	vld [tilespmem:s0+$0xE060];
	(xrf0) =	vadd.scan.msk.s32 $0xffff, v3  }
0x143: {  	v7 =	vld [tilespmem:s0+$0xE070];
	v6 =	vadd.s32 v6, v11  }
0x144: {  	v3 =	vadd.s32 v6, v8  }
0x145: {  	v6 =	vld [tilespmem:s0+$0xE400];
	v3 =	vadd.s32 v3, v4  }
0x146: {  	v8 =	vld [tilespmem:s0+$0xE410];
	v3 =	vadd.s32 v3, v5  }
0x147: {  	p0 =	por $0x0, $0x0;
	v10 =	vld [tilespmem:s0+$0xE420];
	v4 =	vadd.s32 v3, v9  }
.Ltmp10:
0x148: {  	v3 =	vld [tilespmem:s0+$0xE430];
	v5 =	vadd.s32 v4, v7;
	v7, _, _ =	vpop (xrf0);
	(pc) =	sbr.rel @p0 .LBB2_22-.Ltmp10, $4  }
0x149: {  	s1 =	simm.s32 $0x180;
	v4 =	vld [tilespmem:s0+$0xE440];
	s3 =	spop (v2sf);
	(v2sf) =	vpush v7, $0xF  }
0x14a: {  	s2 =	sand.u32 $0xF800, s2;
	s5 =	sand.u32 $0x380, s1;
	v6 =	vadd.s32 v5, v6;
	v5 =	vld [tilespmem:s0+$0xE450]  }
0x14b: {  	p3 =	por $0x1, $0x1;
	s2 =	sor.u32 s5, s2;
	v8 =	vadd.s32 v6, v8;
	v6 =	vld [tilespmem:s0+$0xE460]  }
0x14c: {  	s5 =	simm.s32 $0x400;
	v7 =	vld [tilespmem:s0+$0xE470];
	[smem:s7] =	sst s3;
	v8 =	vadd.s32 v8, v10;
	s3 =	simm.s32 $0x0  }
.LBB2_23:
0x14d: {  	p4 =	seq.s32 s5, $0xFF00;
	v9 =	vld [tilespmem:s2+$0xE000];
	v3 =	vadd.s32 v8, v3  }
0x14e: {  	v8 =	vld [tilespmem:s2+$0xE010];
	v3 =	vadd.s32 v3, v4  }
0x14f: {  	v4 =	vld [tilespmem:s2+$0xE020];
	v3 =	vadd.s32 v3, v5  }
0x150: {  	v5 =	vld [tilespmem:s2+$0xE030];
	v3 =	vadd.s32 v3, v6  }
0x151: {  	v6 =	vld [tilespmem:s2+$0xE040];
	v3 =	vadd.s32 v3, v7  }
0x152: {  	v7 =	vld [tilespmem:s2+$0xE050];
	(xrf0) =	vadd.scan.msk.s32 $0xffff, v3  }
0x153: {  	v3 =	vadd.s32 v9, v8;
	v8 =	vld [tilespmem:s2+$0xE060]  }
0x154: {  	v3 =	vadd.s32 v3, v4;
	v4 =	vld [tilespmem:s2+$0xE070]  }
0x155: {  	v3 =	vadd.s32 v3, v5;
	v5 =	vld [tilespmem:s2+$0xE400]  }
0x156: {  	v3 =	vadd.s32 v3, v6;
	v6 =	vld [tilespmem:s2+$0xE410]  }
0x157: {  	v3 =	vadd.s32 v3, v7;
	v7 =	vld [tilespmem:s2+$0xE420]  }
.Ltmp11:
0x158: {  	s3 =	sadd.s32 $0x1, s3;
	v8 =	vadd.s32 v3, v8;
	v3 =	vld [tilespmem:s2+$0xE430];
	v9, _, _ =	vpop (xrf0);
	s0 =	spop (v2sf);
	(pc) =	sbr.rel @!p4 .LBB2_23-.Ltmp11, $4  }
0x159: {  	v8 =	vadd.s32 v8, v4;
	v4 =	vld [tilespmem:s2+$0xE440];
	(v2sf) =	vpush v9, $0xF;
	[smem:s3] =	sst s0  }
0x15a: {  	s1 =	sadd.s32 $0x80, s1;
	v8 =	vadd.s32 v8, v5;
	v5 =	vld [tilespmem:s2+$0xE450]  }
0x15b: {  	s6 =	sand.u32 $0x380, s1;
	s0 =	sand.u32 $0xF800, s5;
	v8 =	vadd.s32 v8, v6;
	v6 =	vld [tilespmem:s2+$0xE460]  }
0x15c: {  	s5 =	sadd.s32 $0x100, s5;
	v8 =	vadd.s32 v8, v7;
	v7 =	vld [tilespmem:s2+$0xE470];
	s2 =	sor.u32 s6, s0  }
0x15d: {  	s0 =	smov.u32 s2  }
.LBB2_25:
0x15e: {  	v9 =	vld [tilespmem:s0+$0xE000]  }
0x15f: {  	v10 =	vld [tilespmem:s0+$0xE010]  }
0x160: {  	v11 =	vld [tilespmem:s0+$0xE020]  }
0x161: {  	v12 =	vld [tilespmem:s0+$0xE030]  }
0x162: {  	v13 =	vld [tilespmem:s0+$0xE040]  }
0x163: {  	v14 =	vld [tilespmem:s0+$0xE050]  }
0x164: {  	v52 =	vld [tilespmem:s0+$0xE060];
	v9 =	vadd.s32 v9, v10  }
0x165: {  	v53 =	vld [tilespmem:s0+$0xE070];
	v9 =	vadd.s32 v9, v11  }
0x166: {  	v54 =	vld [tilespmem:s0+$0xE400];
	v9 =	vadd.s32 v9, v12  }
0x167: {  	v55 =	vld [tilespmem:s0+$0xE410];
	v9 =	vadd.s32 v9, v13  }
0x168: {  	v56 =	vld [tilespmem:s0+$0xE420];
	v9 =	vadd.s32 v9, v14  }
0x169: {  	v57 =	vld [tilespmem:s0+$0xE430];
	v9 =	vadd.s32 v9, v52  }
0x16a: {  	v58 =	vld [tilespmem:s0+$0xE440];
	v9 =	vadd.s32 v9, v53  }
0x16b: {  	v59 =	vld [tilespmem:s0+$0xE450];
	v9 =	vadd.s32 v9, v54  }
0x16c: {  	v3 =	vadd.s32 @p1 v8, v3;
	v61 =	vld [tilespmem:s0+$0xE460];
	v60 =	vadd.s32 v9, v55  }
0x16d: {  	v63 =	vld [tilespmem:s0+$0xE470];
	v3 =	vadd.s32 @p1 v3, v4;
	v62 =	vadd.s32 v60, v56  }
0x16e: {  	v3 =	vadd.s32 @p1 v3, v5;
	v4 =	vadd.s32 v62, v57  }
0x16f: {  	v3 =	vadd.s32 @p1 v3, v6;
	v4 =	vadd.s32 v4, v58  }
0x170: {  	v3 =	vadd.s32 @p1 v3, v7;
	v4 =	vadd.s32 v4, v59  }
0x171: {  	(xrf0) =	vadd.scan.msk.s32 @p1 $0xffff, v3;
	v3 =	vadd.s32 v4, v61  }
0x172: {  	v3 =	vadd.s32 v3, v63  }
0x173: {  	(xrf0) =	vadd.scan.msk.s32 $0xffff, v3;
	_ =	sdelay $0x4  }
0x174: {  	v3, _, _ =	vpop @p1 (xrf0)  }
0x175: {  	(v2sf) =	vpush @p1 v3, $0xF;
	v3, _, _ =	vpop (xrf0)  }
0x176: {  	(v2sf) =	vpush v3, $0xF;
	_ =	sdelay $0x9  }
0x177: {  	s0 =	sadd.s32 @p3 $0x1, s3;
	s1 =	simm.s32 $0x0  }
0x178: {  	s1 =	smov.u32 @p3 s0;
	s2 =	spop @p2 (v2sf)  }
0x179: {  	s0 =	sadd.s32 @p2 $0x1, s1;
	[smem:s1] =	sst @p2 s2;
	s1 =	simm.s32 $0x0  }
0x17a: {  	s1 =	smov.u32 @p2 s0  }
0x17b: {  	s0 =	sadd.s32 @p1 $0x1, s1;
	s2 =	spop @p1 (v2sf)  }
0x17c: {  	s7 =	smov.u32 @p1 s0;
	[smem:s1] =	sst @p1 s2;
	s31 =	spop (v2sf)  }
0x17d: {  	[smem:s7] =	sst s31  }
0x17e: {  	s2 =	sld [smem:$0xFF];
	_ =	sdelay $0x1  }
0x17f: {  	s3 =	simm.s32 $0xFE;
	s5 =	smov.u32 s17;
	s8 =	simm.s32 $0x0  }
0x180: {  	p2 =	por $0x1, $0x1;
	s0 =	simm.s32 $0x0;
	s2 =	sadd.s32 s17, s2  }
0x181: {  	s1 =	simm.s32 $0xFF;
	s7 =	simm.s32 $0xFE;
	p1 =	sgt.s32 s2, $0x28F5B  }
.LBB2_26:
0x182: {  	s6 =	sld [smem:s7+$0x0]  }
0x183: {  	p2 =	por !p2, !p1;
	s10 =	smov.u32 s3;
	p0 =	seq.s32 s3, $0x0  }
.Ltmp12:
0x184: {  	s3 =	sadd.s32 $0xFFFFFFFF, s3;
	p2 =	por !p2, !p2;
	(pc) =	sbr.rel @!p0 .LBB2_26-.Ltmp12, $4  }
0x185: {  	s0 =	smov.u32 @p2 s1;
	s17 =	smov.u32 @p2 s5;
	s1 =	smov.u32 s10  }
0x186: {  	s5 =	smov.u32 s2  }
0x187: {  	s8 =	simm.s32 @p1 $0x1;
	s2 =	sadd.s32 s2, s6  }
0x188: {  	s7 =	sadd.s32 $0xFFFFFFFF, s7;
	p2 =	seq.s32 s8, $0x0;
	p1 =	sgt.s32 s2, $0x28F5B  }
0x189: {  	p0 =	por !p2, !p1  }
0x18a: {  	p0 =	por !p0, !p0  }
0x18b: {  	s0 =	smov.u32 @p0 s1  }
0x18c: {  	s1 =	sshll.u32 s0, $0x8;
	s0 =	sshll.u32 s0, $0x7  }
0x18d: {  	s2 =	sand.u32 $0xF800, s1;
	s0 =	sand.u32 $0x380, s0  }
0x18e: {  	s17 =	smov.u32 @p0 s5;
	s5 =	simm.s32 $0x780;
	s0 =	sor.u32 s0, s2  }
0x18f: {  	s6 =	simm.s32 $0xF0;
	s25 =	sadd.s32 $0xE000, s0;
	s0 =	sand.u32 $0x400, s5  }
0x190: {  	s20 =	sor.u32 $0x800000EF, s1;
	s1 =	sand.u32 $0x70, s6;
	s0 =	sadd.s32 s0, s25  }
0x191: {  	s0 =	sadd.s32 s1, s0  }
0x192: {  	v3 =	vld [tilespmem:s0+$0x0];
	_ =	sdelay $0x3  }
0x193: {  	s7 =	simm.s32 $0x700  }
0x194: {  	s8 =	simm.s32 $0xE0;
	s0 =	sand.u32 $0x400, s7;
	(xrf0) =	vadd.scan.msk.s32 $0xffff, v3  }
0x195: {  	s1 =	sand.u32 $0x70, s8;
	s0 =	sadd.s32 s0, s25  }
0x196: {  	s0 =	sadd.s32 s1, s0  }
0x197: {  	v4 =	vld [tilespmem:s0+$0x0];
	_ =	sdelay $0x2  }
0x198: {  	v5, _, _ =	vpop (xrf0)  }
0x199: {  	(v2sf) =	vpush v5, $0xF  }
0x19a: {  	(xrf0) =	vadd.scan.msk.s32 $0xffff, v4  }
0x19b: {  	v3 =	vadd.s32 s17, v3;
	v6 =	vbroadcast v5, $0xF  }
0x19c: {  	v3 =	vsub.s32 v3, v5  }
0x19d: {  	v3 =	vadd.s32 v6, v3  }
0x19e: {  	vm1 =	vgt.s32 v3, $0x28F5B  }
0x19f: {  	v3 =	vmpcnt.ones.xlane vm1  }
0x1a0: {  	v7, _, _ =	vpop (xrf0)  }
0x1a1: {  	(v2sf) =	vpush v7, $0xF;
	v3 =	vxor.u32 $0x80000000, v3  }
0x1a2: {  	s9 =	simm.s32 $0x680;
	(xrf0) =	vmax.scan.msk.u32 $0xffff, v3  }
0x1a3: {  	s10 =	simm.s32 $0xD0;
	s0 =	sand.u32 $0x400, s9  }
0x1a4: {  	s1 =	sand.u32 $0x70, s10;
	s0 =	sadd.s32 s0, s25  }
0x1a5: {  	s0 =	sadd.s32 s1, s0  }
0x1a6: {  	v3 =	vld [tilespmem:s0+$0x0];
	_ =	sdelay $0x1  }
0x1a7: {  	v6, _, _ =	vpop (xrf0);
	s11 =	spop (v2sf)  }
0x1a8: {  	(v2sf) =	vpush v6, $0xF;
	s3 =	sadd.s32 s17, s11  }
0x1a9: {  	v6 =	vbroadcast v7, $0xF;
	v4 =	vadd.s32 s3, v4  }
0x1aa: {  	(xrf0) =	vadd.scan.msk.s32 $0xffff, v3;
	v4 =	vsub.s32 v4, v7  }
0x1ab: {  	s13 =	simm.s32 $0x600;
	v4 =	vadd.s32 v6, v4  }
0x1ac: {  	s14 =	simm.s32 $0xC0;
	s0 =	sand.u32 $0x400, s13;
	vm1 =	vgt.s32 v4, $0x28F5B  }
0x1ad: {  	s1 =	sand.u32 $0x70, s14;
	s0 =	sadd.s32 s0, s25;
	v4 =	vmpcnt.ones.xlane vm1  }
0x1ae: {  	s0 =	sadd.s32 s1, s0  }
0x1af: {  	s15 =	spop (v2sf);
	v6 =	vld [tilespmem:s0+$0x0];
	v4 =	vxor.u32 $0x80000000, v4  }
0x1b0: {  	v8, _, _ =	vpop (xrf0);
	s21 =	sadd.s32 s3, s15;
	(xrf0) =	vmax.scan.msk.u32 $0xffff, v4  }
0x1b1: {  	(v2sf) =	vpush v8, $0xF;
	v3 =	vadd.s32 s21, v3;
	v4 =	vbroadcast v8, $0xF  }
0x1b2: {  	v3 =	vsub.s32 v3, v8  }
0x1b3: {  	v3 =	vadd.s32 v4, v3  }
0x1b4: {  	(xrf0) =	vadd.scan.msk.s32 $0xffff, v6;
	vm1 =	vgt.s32 v3, $0x28F5B  }
0x1b5: {  	v4 =	vmpcnt.ones.xlane vm1  }
0x1b6: {  	v3, _, _ =	vpop (xrf0)  }
0x1b7: {  	s16 =	spop (v2sf);
	(v2sf) =	vpush v3, $0xF;
	v3 =	vxor.u32 $0x80000000, v4  }
0x1b8: {  	s22 =	sadd.s32 $0x7FFFFFFF, s16  }
0x1b9: {  	v4 =	vmov s22  }
0x1ba: {  	(xrf0) =	vmax.scan.msk.u32 $0xffff, v3;
	vm1 =	veq.s32 v4, v0;
	v3, _, _ =	vpop (xrf0)  }
0x1bb: {  	v4 =	vnsel vm1, $0x0, v5;
	(v2sf) =	vpush v3, $0xF  }
0x1bc: {  	s23 =	simm.s32 $0x580;
	(xrf0) =	vadd.scan.msk.s32 $0xffff, v4  }
0x1bd: {  	s24 =	simm.s32 $0xB0;
	s1 =	sand.u32 $0x400, s23  }
0x1be: {  	s2 =	sand.u32 $0x70, s24;
	s1 =	sadd.s32 s1, s25  }
0x1bf: {  	s1 =	sadd.s32 s2, s1  }
0x1c0: {  	v5 =	vld [tilespmem:s1+$0x0];
	s26 =	spop (v2sf)  }
0x1c1: {  	s26 =	sadd.s32 s21, s26;
	v4, _, _ =	vpop (xrf0)  }
0x1c2: {  	v9 =	vbroadcast v3, $0xF;
	v6 =	vadd.s32 s26, v6;
	(v2sf) =	vpush v4, $0xF;
	v4, _, _ =	vpop (xrf0)  }
0x1c3: {  	(v2sf) =	vpush v4, $0xF;
	v4 =	vsub.s32 v6, v3  }
0x1c4: {  	v4 =	vadd.s32 v9, v4  }
0x1c5: {  	(xrf0) =	vadd.scan.msk.s32 $0xffff, v5;
	vm1 =	vgt.s32 v4, $0x28F5B  }
0x1c6: {  	v4 =	vmpcnt.ones.xlane vm1  }
0x1c7: {  	s2 =	simm.s32 $0x500;
	s31 =	spop (v2sf)  }
0x1c8: {  	s5 =	simm.s32 $0xA0;
	s1 =	sand.u32 $0x400, s2;
	v4 =	vxor.u32 $0x80000000, v4;
	s6 =	sadd.s32 $0x7FFFFFFF, s31  }
0x1c9: {  	s2 =	sand.u32 $0x70, s5;
	s1 =	sadd.s32 s1, s25;
	v9 =	vmov s6  }
0x1ca: {  	s1 =	sadd.s32 s2, s1;
	vm1 =	veq.s32 v9, v0;
	s7 =	spop (v2sf)  }
0x1cb: {  	v6 =	vld [tilespmem:s1+$0x0];
	(xrf0) =	vmax.scan.msk.u32 $0xffff, v4;
	v4, _, _ =	vpop (xrf0);
	v7 =	vnsel vm1, $0x0, v7;
	s13 =	sadd.s32 s26, s7  }
0x1cc: {  	(v2sf) =	vpush v4, $0xF;
	(xrf0) =	vadd.scan.msk.s32 $0xffff, v7;
	v7 =	vbroadcast v4, $0xF;
	v5 =	vadd.s32 s13, v5  }
0x1cd: {  	v5 =	vsub.s32 v5, v4  }
0x1ce: {  	v5 =	vadd.s32 v7, v5;
	_ =	sdelay $0x1  }
0x1cf: {  	s19 =	simm.s32 $0x0;
	(xrf0) =	vadd.scan.msk.s32 $0xffff, v6  }
0x1d0: {  	s28 =	simm.s32 $0xFFFFFFB0;
	p6 =	por $0x1, $0x1;
	s24 =	simm.s32 $0xFFFFFFC0;
	vm1 =	vgt.s32 v5, $0x28F5B;
	v5, _, _ =	vpop (xrf0)  }
0x1d1: {  	s10 =	simm.s32 $0x480;
	s23 =	simm.s32 $0xFFFFFFA0;
	p1 =	sgt.u32 s16, $0x80000000;
	(v2sf) =	vpush v5, $0xF;
	v5, _, _ =	vpop (xrf0)  }
0x1d2: {  	s11 =	simm.s32 $0x90;
	s8 =	sadd.s32 s16, s20;
	p0 =	por !p6, !p1;
	(v2sf) =	vpush v5, $0xF  }
0x1d3: {  	s22 =	simm.s32 $0xFFFFFFD0;
	s30 =	sadd.s32 $0x0, s8;
	p2 =	por !p0, !p0  }
0x1d4: {  	s2 =	sand.u32 $0x70, s11;
	s1 =	sand.u32 $0x400, s10;
	s11 =	spop (v2sf);
	v7 =	vmpcnt.ones.xlane vm1  }
0x1d5: {  	s1 =	sadd.s32 s1, s25;
	s9 =	sadd.s32 s31, s20;
	s14 =	sadd.s32 $0x7FFFFFFF, s11;
	v5, _, _ =	vpop (xrf0)  }
0x1d6: {  	s1 =	sadd.s32 s2, s1;
	s29 =	sadd.s32 $0xFFFFFFF0, s9;
	s7 =	simm.s32 $0x400;
	v9 =	vmov s14;
	v7 =	vxor.u32 $0x80000000, v7;
	(v2sf) =	vpush v5, $0xF  }
0x1d7: {  	s5 =	smov.u32 s13;
	s15 =	sadd.s32 s11, s20;
	s16 =	spop (v2sf);
	vm1 =	veq.s32 v9, v0;
	(xrf0) =	vmax.scan.msk.u32 $0xffff, v7;
	v7 =	vld [tilespmem:s1+$0x0]  }
0x1d8: {  	s0 =	sadd.s32 $0xFFFFFFE0, s15;
	s8 =	ssub.s32 s3, s16;
	s3 =	simm.s32 $0x0;
	v8 =	vnsel vm1, $0x0, v8  }
.LBB2_28:
0x1d9: {  	p3 =	sne.s32 s7, $0x0  }
0x1da: {  	s1 =	spop (v2sf);
	(xrf0) =	vadd.scan.msk.s32 $0xffff, v8;
	s17 =	smov.u32 @p2 s8;
	s19 =	smov.u32 @p2 s30  }
0x1db: {  	s2 =	smov.u32 s22;
	s13 =	sadd.s32 s13, s1;
	s1 =	smov.u32 s21  }
0x1dc: {  	v8 =	vbroadcast v5, $0xF;
	s21 =	smov.u32 s26;
	s26 =	smov.u32 s5;
	(xrf0) =	vadd.scan.msk.s32 $0xffff, v7;
	v10 =	vadd.s32 s13, v6;
	v6 =	vmov v7;
	s5 =	smov.u32 s13  }
0x1dd: {  	s22 =	smov.u32 s24;
	s24 =	smov.u32 s28;
	s28 =	smov.u32 s23;
	v7 =	vsub.s32 v10, v5;
	v9, _, _ =	vpop (xrf0)  }
0x1de: {  	s6 =	smov.u32 s31;
	s31 =	smov.u32 s11;
	s23 =	sadd.s32 $0xFFFFFFF0, s23;
	v7 =	vadd.s32 v8, v7;
	(v2sf) =	vpush v9, $0xF  }
0x1df: {  	s30 =	smov.u32 s29;
	s29 =	smov.u32 s0;
	s8 =	sand.u32 $0x400, s7;
	vm1 =	vgt.s32 v7, $0x28F5B  }
0x1e0: {  	s0 =	sadd.s32 $0xF0, s23;
	s8 =	sadd.s32 s8, s25;
	v7 =	vmpcnt.ones.xlane vm1;
	v8, _, _ =	vpop (xrf0)  }
.Ltmp13:
0x1e1: {  	s0 =	sand.u32 $0x70, s0;
	s11 =	spop (v2sf);
	(v2sf) =	vpush v8, $0xF;
	(pc) =	sbr.rel @p3 .LBB2_28-.Ltmp13, $4  }
0x1e2: {  	s3 =	simm.s32 @p1 $0x1;
	s0 =	sadd.s32 s0, s8;
	v8 =	vxor.u32 $0x80000000, v7;
	s8 =	sadd.s32 $0x7FFFFFFF, s11;
	v9, _, _ =	vpop (xrf0)  }
0x1e3: {  	p0 =	seq.s32 s3, $0x0;
	p1 =	sgt.u32 s6, $0x80000000;
	v7 =	vld [tilespmem:s0+$0x0];
	(v2sf) =	vpush v9, $0xF;
	(xrf0) =	vmax.scan.msk.u32 $0xffff, v8;
	v8 =	vmov s8;
	s0 =	sadd.s32 s11, s20  }
0x1e4: {  	p0 =	por !p0, !p1;
	vm1 =	veq.s32 v8, v0;
	s0 =	sadd.s32 s2, s0;
	s2 =	spop (v2sf)  }
0x1e5: {  	s7 =	sadd.s32 $0xFFFFFF80, s7;
	p2 =	por !p0, !p0;
	v8 =	vnsel vm1, $0x0, v3;
	s8 =	ssub.s32 s1, s2;
	v3 =	vmovc v4;
	v4 =	vmov v5;
	v5 =	vmov v9  }
0x1e6: {  	_ =	sdelay $0x5  }
0x1e7: {  	(xrf0) =	vadd.scan.msk.s32 $0xffff, v8  }
0x1e8: {  	(xrf0) =	vadd.scan.msk.s32 $0xffff, v7;
	_ =	sdelay $0x1  }
0x1e9: {  	s1 =	spop (v2sf)  }
0x1ea: {  	s25 =	spop (v2sf)  }
0x1eb: {  	s13 =	sadd.s32 s13, s1;
	v57, _, _ =	vpop (xrf0);
	s2 =	spop (v2sf)  }
0x1ec: {  	v9 =	vbroadcast v5, $0xF;
	v6 =	vadd.s32 s13, v6;
	v10, _, _ =	vpop (xrf0);
	s16 =	spop (v2sf)  }
0x1ed: {  	v6 =	vsub.s32 v6, v5;
	v11, _, _ =	vpop (xrf0);
	s7 =	sadd.s32 s13, s16  }
0x1ee: {  	v6 =	vadd.s32 v9, v6;
	v58 =	vbroadcast v11, $0xF;
	v59 =	vadd.s32 s7, v7  }
0x1ef: {  	vm1 =	vgt.s32 v6, $0x28F5B;
	v60 =	vsub.s32 v59, v11  }
0x1f0: {  	v61 =	vmpcnt.ones.xlane vm1;
	s6 =	sadd.s32 $0x7FFFFFFF, s25;
	v6 =	vadd.s32 v58, v60  }
0x1f1: {  	v62 =	vmov s6;
	vm1 =	vgt.s32 v6, $0x28F5B  }
0x1f2: {  	v7 =	vxor.u32 $0x80000000, v61;
	v6 =	vmpcnt.ones.xlane vm1;
	vm1 =	veq.s32 v62, v0  }
0x1f3: {  	(xrf0) =	vmax.scan.msk.u32 $0xffff, v7;
	v3 =	vnsel vm1, $0x0, v3  }
0x1f4: {  	(xrf0) =	vadd.scan.msk.s32 $0xffff, v3;
	v3 =	vxor.u32 $0x80000000, v6  }
0x1f5: {  	(xrf0) =	vmax.scan.msk.u32 $0xffff, v3;
	_ =	sdelay $0x1  }
0x1f6: {  	(v2sf) =	vpush v57, $0xF  }
0x1f7: {  	(v2sf) =	vpush v10, $0xF  }
0x1f8: {  	(v2sf) =	vpush v11, $0xF;
	v3, _, _ =	vpop (xrf0)  }
0x1f9: {  	(v2sf) =	vpush v3, $0xF;
	v3, _, _ =	vpop (xrf0)  }
0x1fa: {  	(v2sf) =	vpush v3, $0xF;
	v3, _, _ =	vpop (xrf0)  }
0x1fb: {  	(v2sf) =	vpush v3, $0xF;
	_ =	sdelay $0x9  }
0x1fc: {  	s10 =	spop (v2sf)  }
0x1fd: {  	s6 =	spop (v2sf)  }
0x1fe: {  	s14 =	spop (v2sf)  }
0x1ff: {  	s15 =	sadd.s32 $0x7FFFFFFF, s10;
	s1 =	spop (v2sf)  }
0x200: {  	v3 =	vmov s15;
	s15 =	spop (v2sf)  }
0x201: {  	s9 =	sadd.s32 $0x7FFFFFFF, s1;
	s16 =	spop (v2sf)  }
0x202: {  	vm1 =	veq.s32 v3, v0;
	v3 =	vmov s9;
	s9 =	sadd.s32 $0x7FFFFFFF, s16  }
0x203: {  	v4 =	vnsel vm1, $0x0, v4;
	vm1 =	veq.s32 v3, v0;
	v63 =	vmov s9  }
0x204: {  	(xrf0) =	vadd.scan.msk.s32 $0xffff, v4;
	v3 =	vnsel vm1, $0x0, v5;
	vm1 =	veq.s32 v63, v0  }
0x205: {  	(xrf0) =	vadd.scan.msk.s32 $0xffff, v3;
	v3 =	vnsel vm1, $0x0, v11  }
0x206: {  	(xrf0) =	vadd.scan.msk.s32 $0xffff, v3;
	_ =	sdelay $0x3  }
0x207: {  	v3, _, _ =	vpop (xrf0)  }
0x208: {  	s3 =	simm.s32 @p1 $0x1;
	p0 =	sgt.u32 s31, $0x80000000;
	(v2sf) =	vpush v3, $0xF;
	v3, _, _ =	vpop (xrf0)  }
0x209: {  	p3 =	sgt.u32 s11, $0x80000000;
	p1 =	seq.s32 s3, $0x0;
	s3 =	simm.s32 @p0 $0x1;
	(v2sf) =	vpush v3, $0xF;
	v3, _, _ =	vpop (xrf0)  }
0x20a: {  	p4 =	seq.s32 s3, $0x0;
	s3 =	simm.s32 @p3 $0x1;
	(v2sf) =	vpush v3, $0xF  }
0x20b: {  	s17 =	smov.u32 @p2 s8;
	p1 =	por !p1, !p0;
	p5 =	seq.s32 s3, $0x0  }
0x20c: {  	p4 =	por !p4, !p3;
	p1 =	por !p1, !p1;
	p6 =	sgt.u32 s25, $0x80000000  }
0x20d: {  	s8 =	simm.s32 @!p1 $0x0;
	p4 =	por !p4, !p4;
	s3 =	simm.s32 @p6 $0x1  }
0x20e: {  	s8 =	simm.s32 @p1 $0x1;
	p3 =	seq.s32 s3, $0x0;
	p0 =	sgt.u32 s10, $0x80000000  }
0x20f: {  	[smem:$0x7FC] =	sst s8;
	s3 =	simm.s32 @p0 $0x1;
	p0 =	por !p3, !p0  }
0x210: {  	p6 =	por !p5, !p6;
	s2 =	ssub.s32 s21, s2;
	s8 =	simm.s32 @!p0 $0x0  }
0x211: {  	s17 =	smov.u32 @p1 s2;
	p3 =	seq.s32 s3, $0x0;
	s8 =	simm.s32 @p0 $0x1  }
0x212: {  	s2 =	ssub.s32 s26, s6;
	[smem:$0x7FB] =	sst s8;
	p5 =	sgt.u32 s1, $0x80000000  }
0x213: {  	s17 =	smov.u32 @p4 s2;
	s11 =	sadd.s32 s7, s14;
	s3 =	simm.s32 @p5 $0x1  }
0x214: {  	p3 =	por !p3, !p5;
	p1 =	seq.s32 s3, $0x0;
	s9 =	sld [smem:$0x7FB]  }
0x215: {  	p3 =	por !p3, !p3;
	s2 =	ssub.s32 s5, s15;
	p0 =	sgt.u32 s16, $0x80000000  }
0x216: {  	s15 =	sld [smem:$0x7FD];
	p5 =	por !p1, !p0;
	p0 =	por !p6, !p6  }
0x217: {  	s17 =	smov.u32 @p0 s2;
	p6 =	seq.s32 s9, $0x1;
	s8 =	spop (v2sf)  }
0x218: {  	p6 =	por !p6, !p6;
	s2 =	ssub.s32 s13, s8;
	s13 =	spop (v2sf)  }
0x219: {  	s17 =	smov.u32 @p6 s2;
	s2 =	ssub.s32 s7, s13;
	s14 =	spop (v2sf)  }
0x21a: {  	p5 =	por !p5, !p5;
	s17 =	smov.u32 @p3 s2;
	s2 =	ssub.s32 s11, s14  }
0x21b: {  	p1 =	seq.s32 s15, $0x1;
	s17 =	smov.u32 @p5 s2  }
0x21c: {  	s21 =	sld [smem:$0x7FC];
	s2 =	scvt.s32.f32 @!p1 s17  }
0x21d: {  	_ = 	snop  }
0x21e: {  	s2 =	sadd.f32 @!p1 s2, s2  }
0x21f: {  	s19 =	smov.u32 @p2 s30;
	p2 =	seq.s32 s21, $0x1  }
0x220: {  	s19 =	smov.u32 @p2 s29;
	s2 =	sadd.f32 @!p1 $-1.677721600e+07, s2  }
0x221: {  	s19 =	smov.u32 @p4 s0  }
0x222: {  	s29 =	sadd.s32 s10, s20;
	s26 =	sadd.s32 s25, s20;
	s2 =	smul.f32 @!p1 $2.980232240e-07, s2  }
0x223: {  	s0 =	sadd.s32 s22, s26;
	s1 =	sadd.s32 s1, s20;
	s5 =	rddreg [dreg:$0x3]  }
0x224: {  	s30 =	sadd.s32 s16, s20;
	s19 =	smov.u32 @p0 s0;
	s0 =	sadd.s32 s24, s29;
	v3 =	vmov @!p1 s2  }
0x225: {  	s3 =	simm.s32 @!p1 $0x1E000;
	s19 =	smov.u32 @p6 s0;
	s0 =	sadd.s32 s28, s1;
	v3 =	vnsel @!p1 vm0, $0x0, v3  }
0x226: {  	s19 =	smov.u32 @p3 s0;
	s0 =	simm.s32 @!p1 $0x1;
	s2 =	simm.s32 @!p1 $0x0;
	[tilespmem:$0x1E000] =	vst @!p1 v3  }
0x227: {  	[hbm4b:s5+s2] =	stream.linear.scatter @!p1 [tilespmem:s3], [sflag:$0x1], $0x80, $0x38;
	[tilespmem:$0x1E080] =	vst v63  }
0x228: {  	s31 =	sshll.u32 s18, $0x10;
	s1 =	sadd.s32 s23, s30;
	_ =	swait.ge @!p1 [sflag:s0], $0x80  }
0x229: {  	s19 =	smov.u32 @p5 s1;
	[sflag:s0] =	ssyncset.done @!p1 $0x0;
	s9 =	rddreg [dreg:$0x5]  }
0x22a: {  	s1 =	sor.u32 s31, s19;
	s10 =	rddreg [dreg:$0x8];
	[sflag:s0] =	ssyncadd.s32 @!p1 $0xFFFFFF80  }
0x22b: {  	s13 =	simm.s32 $0x4000;
	s11 =	simm.s32 $0x2000;
	s7 =	rddreg [dreg:$0x1]  }
0x22c: {  	v3 =	vmov s1;
	s1 =	simm.s32 $0x0;
	s0 =	simm.s32 $0x0;
	s8 =	rddreg [dreg:$0x2]  }
.LBB2_30:
0x22d: {  	s2 =	sshll.u32 s1, $0xA  }
0x22e: {  	s2 =	sadd.s32 s10, s2  }
0x22f: {  	s3 =	sadd.s32 s9, s2  }
0x230: {  	[tilespmem:s0], [sflag:$0x1] =	stream.linear.gather [hbm4b:s3+s0], $0x2000, $0x38;
	[tilespmem:$0x1E080] =	vst v63  }
0x231: {  	_ =	swait.ge [sflag:s12], $0x2000  }
0x232: {  	[sflag:s12] =	ssyncset.done $0x0  }
0x233: {  	s3 =	simm.s32 $0x0;
	[sflag:s12] =	ssyncadd.s32 $0xFFFFE000  }
0x234: {  	v4 =	vld [tilespmem:s3+$0x0];
	_ =	sdelay $0x3  }
0x235: {  	s5 =	simm.s32 $0x40  }
.LBB2_31:
0x236: {  	s6 =	sshra.s32 s5, $0x2;
	p0 =	sne.s32 s5, $0x7FC0;
	s5 =	sadd.s32 $0x40, s5;
	v5 =	vand.u32 $0x7FFFFFFF, v4;
	v6 =	vmov v4  }
.Ltmp14:
0x237: {  	v4 =	vld [tilespmem:s6+$0x0];
	vm1 =	vlt.s32 v3, v5;
	(pc) =	sbr.rel @p0 .LBB2_31-.Ltmp14, $3  }
0x238: {  	v5 =	vsel vm1, $0x40A00000, v1;
	v7 =	vsel vm1, $0x3F7E4961, v2  }
0x239: {  	[tilespmem:s3+$0x4000] =	vst v5;
	v5 =	vmul.f32 v7, v6;
	_ =	sdelay $0x1  }
0x23a: {  	[tilespmem:s3+$0x2000] =	vst v5;
	s3 =	smov.u32 s6  }
0x23b: {  	v5 =	vand.u32 $0x7FFFFFFF, v4  }
0x23c: {  	vm1 =	vlt.s32 v3, v5  }
0x23d: {  	v5 =	vsel vm1, $0x3F7E4961, v2  }
0x23e: {  	v6 =	vsel vm1, $0x40A00000, v1;
	v4 =	vmul.f32 v5, v4  }
0x23f: {  	[tilespmem:s3+$0x4000] =	vst v6  }
0x240: {  	s30 =	sadd.s32 s7, s2;
	[tilespmem:s3+$0x2000] =	vst v4  }
0x241: {  	[hbm4b:s30+s4] =	stream.linear.scatter [tilespmem:s11], [sflag:$0x1], $0x2000, $0x38;
	[tilespmem:$0x1E080] =	vst v63  }
0x242: {  	s1 =	sadd.s32 $0x1, s1;
	_ =	swait.ge [sflag:s12], $0x2000  }
0x243: {  	p0 =	sne.s32 s1, $0x40;
	[sflag:s12] =	ssyncset.done $0x0  }
.Ltmp15:
0x244: {  	s31 =	sadd.s32 s8, s2;
	[sflag:s12] =	ssyncadd.s32 $0xFFFFE000;
	(pc) =	sbr.rel @p0 .LBB2_30-.Ltmp15, $4  }
0x245: {  	[hbm4b:s31+s4] =	stream.linear.scatter [tilespmem:s13], [sflag:$0x1], $0x2000, $0x38;
	[tilespmem:$0x1E080] =	vst v63  }
0x246: {  	_ =	swait.ge [sflag:s12], $0x2000  }
0x247: {  	[sflag:s12] =	ssyncset.done $0x0  }
0x248: {  	[sflag:s12] =	ssyncadd.s32 $0xFFFFE000  }
0x249: {  	s3 =	rddreg [dreg:$0xa]  }
0x24a: {  	s0 =	rddreg [dreg:$0x9];
	s3 =	sadd.s32 $0x1, s3  }
0x24b: {  	p0 =	sne.s32 s3, s0  }
.Ltmp16:
0x24c: {  	_ = 	snop;
	(pc) =	sbr.rel @p0 .LBB2_1-.Ltmp16, $4  }
.Ltmp17:
0x24d: {  	_ = 	snop;
	(pc) =	sbr.rel @!p0 .LBB2_34-.Ltmp17, $4  }
0x24e: {  	_ = 	snop  }
0x24f: {  	_ = 	snop  }
0x250: {  	_ = 	snop  }
0x251: {  	_ = 	snop  }
.LBB2_2:
.Ltmp18:
0x252: {  	(pc) =	sbr.rel .LBB2_11-.Ltmp18, $2  }
0x253: {  	_ =	sdelay $0x2  }
0x254: {  	s3 =	simm.s32 $0x0  }
.LBB2_16:
.Ltmp19:
0x255: {  	(pc) =	sbr.rel .LBB2_25-.Ltmp19, $2  }
0x256: {  	_ =	sdelay $0x2  }
0x257: {  	s3 =	simm.s32 $0x0  }
.LBB2_4:
.Ltmp20:
0x258: {  	(pc) =	sbr.rel .LBB2_11-.Ltmp20, $2  }
0x259: {  	_ =	sdelay $0x2  }
0x25a: {  	s0 =	smov.u32 s1;
	s3 =	simm.s32 $0x0  }
.LBB2_18:
.Ltmp21:
0x25b: {  	(pc) =	sbr.rel .LBB2_25-.Ltmp21, $2  }
0x25c: {  	_ =	sdelay $0x2  }
0x25d: {  	s0 =	smov.u32 s1;
	s3 =	simm.s32 $0x0  }
.LBB2_6:
.Ltmp22:
0x25e: {  	(pc) =	sbr.rel .LBB2_11-.Ltmp22, $2  }
0x25f: {  	_ =	sdelay $0x2  }
0x260: {  	s3 =	simm.s32 $0x0  }
.LBB2_20:
.Ltmp23:
0x261: {  	(pc) =	sbr.rel .LBB2_25-.Ltmp23, $2  }
0x262: {  	_ =	sdelay $0x2  }
0x263: {  	s3 =	simm.s32 $0x0  }
.LBB2_8:
.Ltmp24:
0x264: {  	(pc) =	sbr.rel .LBB2_11-.Ltmp24, $2  }
0x265: {  	_ =	sdelay $0x2  }
0x266: {  	s0 =	smov.u32 s2;
	s3 =	simm.s32 $0x0  }
.LBB2_22:
.Ltmp25:
0x267: {  	(pc) =	sbr.rel .LBB2_25-.Ltmp25, $2  }
0x268: {  	_ =	sdelay $0x2  }
0x269: {  	s0 =	smov.u32 s2;
	s3 =	simm.s32 $0x0  }
.LBB2_34:
0x26a: {  	_ =	sfence.sel $0x180000  }
0x26b: {  	[bflag:$0x0] =	sbarrier.arrive $0xFFFF  }
0x26c: {  	_ =	strace $0x90000053  }
0x26d: {  	s0 =	stileid.u32;
	[bflag:$0x2] =	sbarrier.arrive $0xFFFF  }
0x26e: {  	p0 =	sne.s32 s0, $0x0;
	s0 =	rddreg [dreg:$0x4]  }
0x26f: {  	s0 =	sadd.s32 @!p0 $0x100000, s0  }
0x270: {  	[sflag:s0] =	ssyncadd.tile.s32 @!p0 $0x1;
	_ =	shalt  }
.Lfunc_end2:
_tile_overlayer_lowered:
.L_overlay_start_2:
0x271: {  	(tag) =	ssettag $0x2  }
0x272: {  	s0 =	rddreg [dreg:$0x0];
	s2 =	stileid.u32  }
0x273: {  	s1 =	rddreg [dreg:$0x1];
	p0 =	sne.s32 s2, $0x0  }
0x274: {  	s3 =	rddreg [dreg:$0x2];
	[bflag:$0x3] =	sbarrier.arrive $0xFFFF;
	s2 =	simm.s32 @!p0 $0x1C01  }
0x275: {  	[timem:s3], [sflag:s2] =	dma.local @!p0 [hbm:s0], s1  }
0x276: {  	s0 =	simm.s32 @!p0 $0x1  }
0x277: {  	_ =	swait.ge @!p0 [sflag:s0], s1  }
0x278: {  	s1 =	ssub.s32 @!p0 $0x0, s1;
	[sflag:s0] =	ssyncset.done @!p0 $0x0  }
0x279: {  	[sflag:s0] =	ssyncadd.s32 @!p0 s1  }
0x27a: {  	[bflag:$0x3] =	sbarrier.arrive $0xFFFF  }
0x27b: {  	_ =	shalt  }

// kernel: kernel.7.cloned.1.call-start
scs
__scs_entry_jumppad:
0x0: {  	(pc) =	sbr.rel $0x88, $3  }
0x1: {  	(tag) =	ssettag $0x0;
	lr =	simm.s32 $0x1  }
0x2: {  	[smem:$0x3F9F] =	sst lr;
	_ =	strace $0xD0000000  }
0x3: {  	_ = 	snop  }
0x4: {  	_ = 	snop  }
0x5: {  	_ = 	snop  }
0x6: {  	_ = 	snop  }
0x7: {  	_ = 	snop  }
__scs_overlays_trampoline_lowered:
0x8: {  	[smem:$0x3FAE] =	sst s0  }
0x9: {  	[smem:$0x3FAF] =	sst s1  }
0xa: {  	[smem:$0x3FB0] =	sst s2  }
0xb: {  	[smem:$0x3FB1] =	sst s3  }
0xc: {  	[smem:$0x3FB2] =	sst s4  }
0xd: {  	[smem:$0x3FB3] =	sst s5  }
0xe: {  	[smem:$0x3FB4] =	sst s6  }
0xf: {  	[smem:$0x3FB5] =	sst s7  }
0x10: {  	[smem:$0x3FB6] =	sst s8  }
0x11: {  	[smem:$0x3FB7] =	sst s9;
	s0 =	simm.s32 @!p0 $0x0  }
0x12: {  	s1 =	sld [smem:$0x3F9D];
	s0 =	simm.s32 @p0 $0x1  }
0x13: {  	[smem:$0x3FB8] =	sst s0;
	s0 =	simm.s32 @!p1 $0x0  }
0x14: {  	s2 =	sld [smem:$0x3F9C];
	s0 =	simm.s32 @p1 $0x1  }
0x15: {  	[smem:$0x3FB9] =	sst s0;
	s0 =	simm.s32 @!p2 $0x0  }
0x16: {  	s3 =	sld [smem:$0x3FDB];
	s0 =	simm.s32 @p2 $0x1  }
0x17: {  	s4 =	simm.s32 $0x1BF5;
	[smem:$0x3FBB] =	sst s0  }
0x18: {  	s0 =	sld [smem:$0x3F9E];
	_ =	swait.ge [sflag:s4], $0x0  }
0x19: {  	s7 =	sld [smem:$0x3F9F]  }
0x1a: {  	s8 =	sadd.s32 $0xFFFFE003, lr  }
0x1b: {  	s9 =	sadd.s32 $0xFFFFFEF7, lr;
	s5 =	simm.s32 $0xFFFFFFFF;
	p2 =	slt.u32 s8, $0xFFFFF086  }
0x1c: {  	p1 =	slt.u32 s9, $0xF7A;
	s5 =	simm.s32 @!p2 $0x0  }
0x1d: {  	s5 =	simm.s32 @p1 $0x1;
	p0 =	seq.s32 s7, s2  }
0x1e: {  	s7 =	smul.u32 @!p0 $0xF7A, s2;
	p2 =	seq.s32 @!p0 s5, $0x0  }
0x1f: {  	s9 =	smul.u32 $0xF7A, s1;
	s8 =	simm.s32 @!p0 $0x1BF5;
	p2 =	por !p2, p0  }
0x20: {  	[sflag:s8] =	ssyncset.s32 @!p0 $0xFFFFF086;
	s6 =	sadd.s32 @!p0 s3, s7;
	s7 =	simm.s32 @!p0 $0x108  }
0x21: {  	s3 =	sadd.s32 s3, s9;
	s6 =	sadd.s32 @!p0 $0x88, s6;
	s7 =	simm.s32 @p2 $0x1082  }
0x22: {  	[simem:s7], [sflag:s8] =	dma.local @!p0 [hbm:s6], $0xF7A  }
0x23: {  	s9 =	sor.u32 $0xD0000000, s2;
	s6 =	simm.s32 $0x108;
	_ =	swait.ge @!p0 [sflag:s8], $0x0  }
0x24: {  	s3 =	sadd.s32 $0x88, s3;
	s6 =	simm.s32 @!p1 $0x1082;
	[sflag:s4] =	ssyncset.s32 $0xFFFFF086  }
0x25: {  	[simem:s6], [sflag:s4] =	dma.local [hbm:s3], $0xF7A  }
0x26: {  	[smem:$0x3F9F] =	sst s1;
	(tag) =	ssettag s2;
	_ =	strace s9  }
0x27: {  	s1 =	sld [smem:$0x3FAF]  }
0x28: {  	s2 =	sld [smem:$0x3FB0]  }
0x29: {  	s4 =	sld [smem:$0x3FB2]  }
0x2a: {  	p0 =	seq.s32 s5, $0x0;
	s5 =	sld [smem:$0x3FB3]  }
0x2b: {  	s6 =	sld [smem:$0x3FB4]  }
0x2c: {  	s7 =	sld [smem:$0x3FB5]  }
0x2d: {  	s3 =	simm.s32 $0x108;
	s8 =	sld [smem:$0x3FB6]  }
0x2e: {  	s3 =	simm.s32 @!p0 $0x1082;
	s9 =	sld [smem:$0x3FB7]  }
0x2f: {  	lr =	sadd.s32 s0, s3;
	s0 =	sld [smem:$0x3FAE]  }
0x30: {  	s3 =	sld [smem:$0x3FB1]  }
0x31: {  	[smem:$0x3FBA] =	sst s10  }
0x32: {  	s10 =	sld [smem:$0x3FB8];
	_ =	sdelay $0x3  }
0x33: {  	p0 =	seq.s32 s10, $0x1;
	s10 =	sld [smem:$0x3FBA];
	_ =	sdelay $0x3  }
0x34: {  	[smem:$0x3FBA] =	sst s10  }
0x35: {  	s10 =	sld [smem:$0x3FB9];
	_ =	sdelay $0x3  }
0x36: {  	p1 =	seq.s32 s10, $0x1;
	s10 =	sld [smem:$0x3FBA];
	_ =	sdelay $0x3  }
0x37: {  	[smem:$0x3FBA] =	sst s10  }
0x38: {  	s10 =	sld [smem:$0x3FBB]  }
0x39: {  	_ = 	snop;
	(pc) =	sbr.ind lr, $3  }
0x3a: {  	_ = 	snop  }
0x3b: {  	_ = 	snop  }
0x3c: {  	p2 =	seq.s32 s10, $0x1;
	s10 =	sld [smem:$0x3FBA]  }
0x3d: {  	_ =	shalt  }
0x3e: {  	_ =	shalt  }
0x3f: {  	_ =	shalt  }
0x40: {  	_ =	shalt  }
0x41: {  	_ =	shalt  }
0x42: {  	_ =	shalt  }
0x43: {  	_ =	shalt  }
0x44: {  	_ =	shalt  }
0x45: {  	_ =	shalt  }
0x46: {  	_ =	shalt  }
0x47: {  	_ =	shalt  }
0x48: {  	_ =	shalt  }
0x49: {  	_ =	shalt  }
0x4a: {  	_ =	shalt  }
0x4b: {  	_ =	shalt  }
0x4c: {  	_ =	shalt  }
0x4d: {  	_ =	shalt  }
0x4e: {  	_ =	shalt  }
0x4f: {  	_ =	shalt  }
0x50: {  	_ =	shalt  }
0x51: {  	_ =	shalt  }
0x52: {  	_ =	shalt  }
0x53: {  	_ =	shalt  }
0x54: {  	_ =	shalt  }
0x55: {  	_ =	shalt  }
0x56: {  	_ =	shalt  }
0x57: {  	_ =	shalt  }
0x58: {  	_ =	shalt  }
0x59: {  	_ =	shalt  }
0x5a: {  	_ =	shalt  }
0x5b: {  	_ =	shalt  }
0x5c: {  	_ =	shalt  }
0x5d: {  	_ =	shalt  }
0x5e: {  	_ =	shalt  }
0x5f: {  	_ =	shalt  }
0x60: {  	_ =	shalt  }
0x61: {  	_ =	shalt  }
0x62: {  	_ =	shalt  }
0x63: {  	_ =	shalt  }
0x64: {  	_ =	shalt  }
0x65: {  	_ =	shalt  }
0x66: {  	_ =	shalt  }
0x67: {  	_ =	shalt  }
0x68: {  	_ =	shalt  }
0x69: {  	_ =	shalt  }
0x6a: {  	_ =	shalt  }
0x6b: {  	_ =	shalt  }
0x6c: {  	_ =	shalt  }
0x6d: {  	_ =	shalt  }
0x6e: {  	_ =	shalt  }
0x6f: {  	_ =	shalt  }
0x70: {  	_ =	shalt  }
0x71: {  	_ =	shalt  }
0x72: {  	_ =	shalt  }
0x73: {  	_ =	shalt  }
0x74: {  	_ =	shalt  }
0x75: {  	_ =	shalt  }
0x76: {  	_ =	shalt  }
0x77: {  	_ =	shalt  }
0x78: {  	_ =	shalt  }
0x79: {  	_ =	shalt  }
0x7a: {  	_ =	shalt  }
0x7b: {  	_ =	shalt  }
0x7c: {  	_ =	shalt  }
0x7d: {  	_ =	shalt  }
0x7e: {  	_ =	shalt  }
0x7f: {  	_ =	shalt  }
0x80: {  	_ =	shalt  }
0x81: {  	_ =	shalt  }
0x82: {  	_ =	shalt  }
0x83: {  	_ =	shalt  }
0x84: {  	_ =	shalt  }
0x85: {  	_ =	shalt  }
0x86: {  	_ =	shalt  }
0x87: {  	_ =	shalt  }
.Lfunc_end0:
.L_simem_size_0:
called_computation_lowered:
.L_overlay_start_0:
0x88: {  	s2 =	sld [smem:$0x3FD9]  }
0x89: {  	s3 =	sld [smem:$0x3FFE];
	_ =	sdelay $0x1  }
0x8a: {  	s1 =	srdreg.scid  }
0x8b: {  	s0 =	sand.u32 $0x1, s1  }
0x8c: {  	s14 =	sshll.u32 s0, $0xA;
	s2 =	sadd.s32 s3, s2  }
0x8d: {  	s2 =	sadd.s32 s2, s14  }
0x8e: {  	[smem:$0x3FC6] =	sst s2  }
0x8f: {  	_ = 	snop  }
0x90: {  	s2 =	sld [smem:$0x3FD0];
	_ =	sdelay $0x1  }
0x91: {  	s15 =	sld [smem:$0x3FC9]  }
0x92: {  	s5 =	simm.s32 $0xA;
	s6 =	simm.s32 $0x10;
	s4 =	sld [smem:$0x3FC8]  }
0x93: {  	[smem:s6], [sflag:s5] =	dma.local [hbm:s2], $0x1  }
0x94: {  	_ =	swait.eq [sflag:s5], $0x1  }
0x95: {  	[sflag:s5] =	ssyncset.done $0x0  }
0x96: {  	[sflag:s5] =	ssyncadd.s32 $0xFFFFFFFF  }
0x97: {  	s16 =	sld [smem:$0x11];
	(tm) =	ssettm $0x1  }
0x98: {  	s17 =	sld [smem:$0x3FFB];
	_ =	sdelay $0x3  }
0x99: {  	_ =	strace s17  }
0x9a: {  	s5 =	sld [smem:$0x3FFC];
	_ =	sdelay $0x3  }
0x9b: {  	_ =	strace s5  }
0x9c: {  	s5 =	sld [smem:$0x3FFD];
	_ =	sdelay $0x3  }
0x9d: {  	_ =	strace s5  }
0x9e: {  	_ =	strace $0x8FFFFFFF  }
0x9f: {  	s18 =	sld [smem:$0x3FDB];
	_ =	sdelay $0x1  }
0xa0: {  	s19 =	simm.s32 $_scs_section_size  }
0xa1: {  	s7 =	simm.s32 $_size__tile_overlayer_lowered;
	s8 =	simm.s32 $_tile_overlayer_lowered  }
0xa2: {  	s22 =	simm.s32 $0x1BFF;
	s21 =	sshll.u32 s8, $0x1;
	s5 =	sadd.s32 s19, s18  }
0xa3: {  	s9 =	simm.s32 $0x0;
	s20 =	sshll.u32 s7, $0x1;
	s7 =	sadd.s32 s21, s5  }
0xa4: {  	[timem:s9], [sflag:s22] =	dma.local [hbm:s7], s20  }
0xa5: {  	_ =	swait.ge [sflag:s22], s20  }
0xa6: {  	s6 =	ssub.s32 $0x0, s20;
	[sflag:s22] =	ssyncset.done $0x0  }
0xa7: {  	[sflag:s22] =	ssyncadd.s32 s6;
	_ =	sdelay $0x1  }
0xa8: {  	s23 =	simm.s32 $0x1B8B  }
0xa9: {  	_ =	swait.ge [sflag:s23], $0x1  }
0xaa: {  	[sflag:s23] =	ssyncset.done $0x0  }
0xab: {  	s25 =	simm.s32 $0x1B8E;
	s24 =	sld [smem:$0x3FFE];
	[sflag:s23] =	ssyncadd.s32 $0xFFFFFFFF  }
0xac: {  	s26 =	simm.s32 $execute0_lowered;
	[smem:$0x3FD2] =	sst s25  }
0xad: {  	s7 =	sshll.u32 s26, $0x1;
	_ =	strace $0x80000046;
	[dreg:$0x1] =	wrdreg $0xFFFFFFFF  }
0xae: {  	s28 =	simm.s32 $_size_execute0_lowered;
	s5 =	sadd.s32 s5, s7;
	[dreg:$0x0] =	wrdreg $0x0  }
0xaf: {  	s7 =	sshll.u32 s28, $0x1;
	[dreg:$0x2] =	wrdreg s5  }
0xb0: {  	[dreg:$0x3] =	wrdreg s7  }
0xb1: {  	[dreg:$0x4] =	wrdreg $0xC0  }
0xb2: {  	_ =	task [dreg:s9], $0x5FFFF  }
0xb3: {  	[dreg:$0x1] =	wrdreg $0xFFFFFFFF  }
0xb4: {  	[dreg:$0x0] =	wrdreg $0x60  }
0xb5: {  	[dreg:$0x2] =	wrdreg s15  }
0xb6: {  	[dreg:$0x3] =	wrdreg s4  }
0xb7: {  	[dreg:$0x4] =	wrdreg s24  }
0xb8: {  	[dreg:$0x5] =	wrdreg s16  }
0xb9: {  	[dreg:$0x6] =	wrdreg $0x9  }
0xba: {  	_ =	task.clear_ibuf [dreg:s9], $0x7FFFF;
	_ =	strace $0x90000046  }
0xbb: {  	s29 =	simm.s32 $0x9;
	_ =	strace $0x80000048  }
0xbc: {  	_ =	swait.ge [sflag:s29], $0x1  }
0xbd: {  	[sflag:s29] =	ssyncadd.s32 $0xFFFFFFFF  }
0xbe: {  	_ =	strace $0x90000048  }
0xbf: {  	_ =	sfence  }
0xc0: {  	s30 =	sld [smem:$0x0];
	_ =	sdelay $0x2  }
0xc1: {  	s31 =	sshll.u32 s1, $0xD;
	s1 =	sshrl.u32 s1, $0x2  }
0xc2: {  	s3 =	sand.u32 $0x4000, s31;
	s1 =	sadd.s32 s1, s30  }
0xc3: {  	s0 =	sor.u32 s3, s0;
	s1 =	sshll.u32 s1, $0x11  }
0xc4: {  	s0 =	sor.u32 s1, s0  }
0xc5: {  	s0 =	sadd.s32 $0x8F2B, s0  }
0xc6: {  	[sflag:s0] =	ssyncadd.remote.s32 $0x1  }
0xc7: {  	_ =	sfence.sel $0xFFFF  }
0xc8: {  	[dreg:$0x0] =	wrdreg $0xFFFFFFFF;
	(pc) =	sbr.abs _section_cstart, $3  }
0xc9: {  	[dreg:$0x1] =	wrdreg $0xFFFFFFFF  }
0xca: {  	_ =	task.clear_ibuf [dreg:s9], $0x2FFFF;
	_ =	strace $0x9FFFFFFF  }
0xcb: {  	(tm) =	ssettm $0x7FFFFFFF  }
tec
execute0_lowered:
.L_overlay_start_1:
0x0: {  	(tag) =	ssettag $0x1  }
0x1: {  	s1 =	rddreg [dreg:$0x0]  }
0x2: {  	s2 =	rddreg [dreg:$0x1]  }
0x3: {  	s5 =	rddreg [dreg:$0x2]  }
0x4: {  	s7 =	rddreg [dreg:$0x3];
	s3 =	srdreg.scid  }
0x5: {  	s0 =	rddreg [dreg:$0x4];
	s4 =	simm.s32 $0x0;
	s11 =	simm.s32 $0xC000  }
0x6: {  	s12 =	simm.s32 $0x8000;
	s13 =	simm.s32 $0x0;
	s6 =	sand.u32 $0x1, s3  }
0x7: {  	[smem:$0x7FF] =	sst s4;
	s3 =	stileid.u32;
	s8 =	sshll.u32 s6, $0x4  }
0x8: {  	s5 =	sadd.s32 $0x1C00, s5;
	s6 =	ssub.s32 $0x2, s6;
	s8 =	sor.u32 s3, s8  }
0x9: {  	_ =	strace $0x80000047;
	s9 =	sshrl.u32 s6, $0x1;
	s10 =	sshll.u32 s8, $0xC  }
0xa: {  	s9 =	ssub.s32 s6, s9;
	s6 =	sshll.u32 s8, $0x10;
	s7 =	sadd.s32 s7, s10  }
0xb: {  	v0 =	vimm.s32 $0x0;
	s8 =	smax.u32 s9, $0x1;
	s9 =	simm.s32 $0x1;
	s10 =	simm.s32 $0x4000  }
.LBB2_1:
0xc: {  	s14 =	sand.u32 $0x7800, s4;
	s15 =	sand.u32 $0x380, s4  }
0xd: {  	s14 =	sor.u32 s15, s14  }
0xe: {  	[tilespmem:s14+$0xC470] =	vst v0  }
0xf: {  	[tilespmem:s14+$0xC000] =	vst v0  }
0x10: {  	[tilespmem:s14+$0xC010] =	vst v0  }
0x11: {  	[tilespmem:s14+$0xC020] =	vst v0  }
0x12: {  	[tilespmem:s14+$0xC030] =	vst v0  }
0x13: {  	[tilespmem:s14+$0xC040] =	vst v0  }
0x14: {  	[tilespmem:s14+$0xC050] =	vst v0  }
0x15: {  	[tilespmem:s14+$0xC060] =	vst v0  }
0x16: {  	[tilespmem:s14+$0xC070] =	vst v0  }
0x17: {  	[tilespmem:s14+$0xC400] =	vst v0  }
0x18: {  	[tilespmem:s14+$0xC410] =	vst v0  }
0x19: {  	[tilespmem:s14+$0xC420] =	vst v0  }
0x1a: {  	[tilespmem:s14+$0xC430] =	vst v0  }
0x1b: {  	s16 =	simm.s32 $0x100;
	s15 =	simm.s32 $0x80;
	[tilespmem:s14+$0xC440] =	vst v0  }
0x1c: {  	s17 =	sand.u32 $0x7800, s16;
	s16 =	simm.s32 $0x200;
	s18 =	sand.u32 $0x380, s15;
	[tilespmem:s14+$0xC450] =	vst v0  }
.LBB2_2:
0x1d: {  	p0 =	sne.s32 s16, $0x7F00;
	[tilespmem:s14+$0xC460] =	vst v0;
	s14 =	sor.u32 s18, s17  }
0x1e: {  	[tilespmem:s14+$0xC470] =	vst v0  }
0x1f: {  	[tilespmem:s14+$0xC000] =	vst v0  }
0x20: {  	[tilespmem:s14+$0xC010] =	vst v0  }
0x21: {  	[tilespmem:s14+$0xC020] =	vst v0  }
0x22: {  	[tilespmem:s14+$0xC030] =	vst v0  }
0x23: {  	[tilespmem:s14+$0xC040] =	vst v0  }
0x24: {  	[tilespmem:s14+$0xC050] =	vst v0  }
0x25: {  	[tilespmem:s14+$0xC060] =	vst v0  }
0x26: {  	[tilespmem:s14+$0xC070] =	vst v0  }
0x27: {  	[tilespmem:s14+$0xC400] =	vst v0  }
.Ltmp0:
0x28: {  	[tilespmem:s14+$0xC410] =	vst v0;
	(pc) =	sbr.rel @p0 .LBB2_2-.Ltmp0, $4  }
0x29: {  	[tilespmem:s14+$0xC420] =	vst v0  }
0x2a: {  	[tilespmem:s14+$0xC430] =	vst v0  }
0x2b: {  	s15 =	sadd.s32 $0x80, s15;
	[tilespmem:s14+$0xC440] =	vst v0  }
0x2c: {  	s17 =	sand.u32 $0x7800, s16;
	s16 =	sadd.s32 $0x100, s16;
	s18 =	sand.u32 $0x380, s15;
	[tilespmem:s14+$0xC450] =	vst v0  }
0x2d: {  	s15 =	sor.u32 s18, s17;
	[tilespmem:s14+$0xC460] =	vst v0  }
0x2e: {  	[tilespmem:s15+$0xC470] =	vst v0  }
0x2f: {  	[tilespmem:s15+$0xC000] =	vst v0  }
0x30: {  	[tilespmem:s15+$0xC010] =	vst v0  }
0x31: {  	[tilespmem:s15+$0xC020] =	vst v0  }
0x32: {  	[tilespmem:s15+$0xC030] =	vst v0  }
0x33: {  	[tilespmem:s15+$0xC040] =	vst v0  }
0x34: {  	[tilespmem:s15+$0xC050] =	vst v0  }
0x35: {  	[tilespmem:s15+$0xC060] =	vst v0  }
0x36: {  	[tilespmem:s15+$0xC070] =	vst v0  }
0x37: {  	[tilespmem:s15+$0xC400] =	vst v0  }
0x38: {  	[tilespmem:s15+$0xC410] =	vst v0  }
0x39: {  	[tilespmem:s15+$0xC420] =	vst v0  }
0x3a: {  	[tilespmem:s15+$0xC430] =	vst v0  }
0x3b: {  	[tilespmem:s15+$0xC440] =	vst v0  }
0x3c: {  	[tilespmem:s15+$0xC450] =	vst v0  }
0x3d: {  	s14 =	simm.s32 $0x0;
	[tilespmem:s15+$0xC460] =	vst v0;
	s15 =	simm.s32 $0x0  }
.LBB2_4:
0x3e: {  	s16 =	sshll.u32 s15, $0xB  }
0x3f: {  	s16 =	sadd.s32 s6, s16  }
0x40: {  	s17 =	sadd.s32 s1, s16  }
0x41: {  	[tilespmem:s14], [sflag:$0x1] =	stream.linear.gather [hbm4b:s17+s14], $0x4000, $0x38;
	[tilespmem:$0x14000] =	vst v63  }
0x42: {  	_ =	swait.ge [sflag:s9], $0x4000  }
0x43: {  	[sflag:s9] =	ssyncset.done $0x0  }
0x44: {  	p0 =	por $0x1, $0x1;
	s31 =	sadd.s32 s2, s16;
	[sflag:s9] =	ssyncadd.s32 $0xFFFFC000  }
0x45: {  	[tilespmem:s10], [sflag:$0x1] =	stream.linear.gather [hbm4b:s31+s14], $0x4000, $0x38;
	[tilespmem:$0x14000] =	vst v63  }
.Ltmp1:
0x46: {  	_ = 	snop;
	(pc) =	sbr.rel @!p0 .LBB2_6-.Ltmp1, $4  }
0x47: {  	_ =	swait.ge [sflag:s9], $0x4000  }
0x48: {  	[sflag:s9] =	ssyncset.done $0x0  }
0x49: {  	s17 =	simm.s32 $0x0;
	[sflag:s9] =	ssyncadd.s32 $0xFFFFC000  }
0x4a: {  	s18 =	simm.s32 $0x40;
	v1 =	vld [tilespmem:s17+$0x0]  }
.LBB2_5:
0x4b: {  	p0 =	sne.s32 s18, $0xFFC0;
	v2 =	vld [tilespmem:s17+$0x4000];
	_ =	sdelay $0x4  }
0x4c: {  	v1 =	vsub.f32 v2, v1;
	_ =	sdelay $0x1  }
0x4d: {  	v2 =	vand.u32 $0x7FFFFFFF, v1  }
0x4e: {  	v3 =	vshrl.u32 v2, $0x10  }
0x4f: {  	(xrf1) =	vunique.msk.u32 $0xffff, v3;
	_ =	sdelay $0xa  }
0x50: {  	v7 =	vshrl.u32 v2, $0xD  }
0x51: {  	v2 =	vshrl.u32 v2, $0x11;
	v5 =	vand.u32 $0x7800, v3;
	v6 =	vand.u32 $0x400, v7  }
0x52: {  	v2 =	vand.u32 $0x380, v2;
	v5 =	vor.u32 v6, v5  }
0x53: {  	v3 =	vand.u32 $0x7F, v3;
	v2 =	vor.u32 v2, v5;
	_, v4, vm0 =	vpop (xrf1)  }
0x54: {  	v2 =	vor.u32 v3, v2;
	_ =	sdelay $0x1  }
.Ltmp2:
0x55: {  	(pc) =	sbr.rel @p0 .LBB2_5-.Ltmp2, $4  }
0x56: {  	_ = 	snop  }
0x57: {  	[tilespmem:s17+$0x8000] =	vst v1  }
0x58: {  	s17 =	sshra.s32 s18, $0x2;
	[tilespmem:v2+s11+$0x0] =	vst.idx.add.s32.msk vm0, v4  }
0x59: {  	s18 =	sadd.s32 $0x40, s18;
	v1 =	vld [tilespmem:s17+$0x0]  }
.LBB2_6:
0x5a: {  	v2 =	vld [tilespmem:s17+$0x4000];
	_ =	sdelay $0x4  }
0x5b: {  	v1 =	vsub.f32 v2, v1;
	_ =	sdelay $0x1  }
0x5c: {  	v2 =	vand.u32 $0x7FFFFFFF, v1  }
0x5d: {  	v3 =	vshrl.u32 v2, $0x10  }
0x5e: {  	(xrf1) =	vunique.msk.u32 $0xffff, v3;
	_ =	sdelay $0xa  }
0x5f: {  	v4 =	vshrl.u32 v2, $0xD  }
0x60: {  	v2 =	vshrl.u32 v2, $0x11;
	v5 =	vand.u32 $0x7800, v3;
	v4 =	vand.u32 $0x400, v4  }
0x61: {  	v2 =	vand.u32 $0x380, v2;
	v4 =	vor.u32 v4, v5  }
0x62: {  	v3 =	vand.u32 $0x7F, v3;
	v2 =	vor.u32 v2, v4;
	_, v63, vm0 =	vpop (xrf1)  }
0x63: {  	v2 =	vor.u32 v3, v2;
	_ =	sdelay $0x2  }
0x64: {  	s15 =	sadd.s32 $0x1, s15  }
0x65: {  	p0 =	sne.s32 s15, $0x20;
	[tilespmem:s17+$0x8000] =	vst v1  }
.Ltmp3:
0x66: {  	s16 =	sadd.s32 s5, s16;
	[tilespmem:v2+s11+$0x0] =	vst.idx.add.s32.msk vm0, v63;
	(pc) =	sbr.rel @p0 .LBB2_4-.Ltmp3, $4  }
0x67: {  	[hbm4b:s16+s4] =	stream.linear.scatter [tilespmem:s12], [sflag:$0x1], $0x4000, $0x38;
	[tilespmem:$0x14000] =	vst v63  }
0x68: {  	_ =	swait.ge [sflag:s9], $0x4000  }
0x69: {  	[sflag:s9] =	ssyncset.done $0x0  }
0x6a: {  	[sflag:s9] =	ssyncadd.s32 $0xFFFFC000  }
0x6b: {  	s13 =	sadd.s32 $0x1, s13  }
0x6c: {  	p0 =	sne.s32 s13, s8  }
.Ltmp4:
0x6d: {  	_ = 	snop;
	(pc) =	sbr.rel @p0 .LBB2_1-.Ltmp4, $4  }
0x6e: {  	[hbm4b:s7+s4] =	stream.linear.scatter [tilespmem:s11], [sflag:$0x1], $0x8000, $0x38;
	[tilespmem:$0x14000] =	vst v63  }
0x6f: {  	_ =	swait.ge [sflag:s9], $0x8000  }
0x70: {  	[sflag:s9] =	ssyncset.done $0x0  }
0x71: {  	[sflag:s9] =	ssyncadd.s32 $0xFFFF8000  }
0x72: {  	_ =	sfence.sel $0x180000  }
0x73: {  	[bflag:$0x0] =	sbarrier.arrive $0xFFFF  }
0x74: {  	p0 =	sne.s32 s3, $0x0;
	_ =	strace $0x90000047  }
0x75: {  	s0 =	sadd.s32 @!p0 $0x100000, s0;
	[bflag:$0x2] =	sbarrier.arrive $0xFFFF  }
0x76: {  	[sflag:s0] =	ssyncadd.tile.s32 @!p0 $0x1;
	_ =	shalt  }
.Lfunc_end2:
_tile_overlayer_lowered:
.L_overlay_start_2:
0x77: {  	(tag) =	ssettag $0x2  }
0x78: {  	s0 =	rddreg [dreg:$0x0];
	s2 =	stileid.u32  }
0x79: {  	s1 =	rddreg [dreg:$0x1];
	p0 =	sne.s32 s2, $0x0  }
0x7a: {  	s3 =	rddreg [dreg:$0x2];
	[bflag:$0x3] =	sbarrier.arrive $0xFFFF;
	s2 =	simm.s32 @!p0 $0x1C01  }
0x7b: {  	[timem:s3], [sflag:s2] =	dma.local @!p0 [hbm:s0], s1  }
0x7c: {  	s0 =	simm.s32 @!p0 $0x1  }
0x7d: {  	_ =	swait.ge @!p0 [sflag:s0], s1  }
0x7e: {  	s1 =	ssub.s32 @!p0 $0x0, s1;
	[sflag:s0] =	ssyncset.done @!p0 $0x0  }
0x7f: {  	[sflag:s0] =	ssyncadd.s32 @!p0 s1  }
0x80: {  	[bflag:$0x3] =	sbarrier.arrive $0xFFFF  }
0x81: {  	_ =	shalt  }

</sc_bundles>
